<compile_context>
chip_gen: v7x
topology: tpu7x:2x2x1
jax: 0.10.2.dev20260603
libtpu: 0.0.44.dev20260713+nightly
codegen_flags: <defaults>
</compile_context>

<pallas_src>
import functools

import jax
import jax.numpy as jnp
from jax import lax
from jax.experimental import pallas as pl
from jax.experimental.pallas import tpu as pltpu
from jax.experimental.pallas import tpu_sc as plsc

N = 10000
E = 320000
D = 128

NC = 2
NS = 16
NW = NC * NS
EPT = 10240
E_PAD = NW * EPT
EB = 128
NB = EPT // EB
N_PAD = 10240
R = 1000


def _sc_agg_body(tab_hbm, src_hbm, dst_hbm, zeros_hbm, iota_hbm,
                 parts_hbm,
                 src_i, dst_i, idx_v, rows_v, agg_sh, sem):
    cid = lax.axis_index("c")
    sid = lax.axis_index("s")
    tid = cid * NS + sid

    rows_per_sub = N_PAD // NS
    base = sid * rows_per_sub
    nchunk = rows_per_sub // EB

    pltpu.sync_copy(zeros_hbm.at[pl.ds(0, EB)], rows_v)
    for j in range(nchunk):
        pltpu.sync_copy(iota_hbm.at[pl.ds(base + j * EB, EB)], idx_v)
        pltpu.sync_copy(rows_v, agg_sh.at[idx_v])

    plsc.subcore_barrier()

    ebase = tid * EPT

    def _block(m, c):
        pltpu.sync_copy(src_hbm.at[pl.ds(ebase + m * EB, EB)], src_i)
        pltpu.sync_copy(dst_hbm.at[pl.ds(ebase + m * EB, EB)], dst_i)
        pltpu.async_copy(tab_hbm.at[src_i], rows_v, sem).wait()
        pltpu.sync_copy(rows_v, agg_sh.at[dst_i], add=True)
        return c
    lax.fori_loop(0, NB, _block, 0)

    plsc.subcore_barrier()

    for j in range(nchunk):
        pltpu.sync_copy(iota_hbm.at[pl.ds(base + j * EB, EB)], idx_v)
        ochunk = pl.ds(cid * N_PAD + base + j * EB, EB)
        pltpu.async_copy(agg_sh.at[idx_v], rows_v, sem).wait()
        pltpu.sync_copy(rows_v, parts_hbm.at[ochunk])


def _sc_aggregate(tab, src_p, dst_p, zeros, iota):
    mesh = plsc.VectorSubcoreMesh(core_axis_name="c", subcore_axis_name="s")
    f = pl.kernel(
        _sc_agg_body,
        out_type=jax.ShapeDtypeStruct((NC * N_PAD, D), jnp.float32),
        mesh=mesh,
        scratch_types=[
            pltpu.VMEM((EB,), jnp.int32),
            pltpu.VMEM((EB,), jnp.int32),
            pltpu.VMEM((EB,), jnp.int32),
            pltpu.VMEM((EB, D), jnp.float32),
            pltpu.VMEM_SHARED((N_PAD, D), jnp.float32),
            pltpu.SemaphoreType.DMA,
        ],
    )
    parts = f(tab, src_p, dst_p, zeros, iota)
    return parts.reshape(NC, N_PAD, D)


def _sc_degree_body(dst_hbm, ones_hbm, zeros_hbm, iota_hbm, degp_hbm,
                    dst_i, idx_v, ones_v, deg_sh, sem):
    cid = lax.axis_index("c")
    sid = lax.axis_index("s")
    tid = cid * NS + sid

    rows_per_sub = N_PAD // NS
    base = sid * rows_per_sub
    nchunk = rows_per_sub // EB

    pltpu.sync_copy(zeros_hbm.at[pl.ds(0, EB)], ones_v)
    for j in range(nchunk):
        pltpu.sync_copy(iota_hbm.at[pl.ds(base + j * EB, EB)], idx_v)
        pltpu.sync_copy(ones_v, deg_sh.at[idx_v])
    pltpu.sync_copy(ones_hbm, ones_v)

    plsc.subcore_barrier()

    ebase = tid * EPT

    def _block(m, c):
        pltpu.sync_copy(dst_hbm.at[pl.ds(ebase + m * EB, EB)], dst_i)
        pltpu.sync_copy(ones_v, deg_sh.at[dst_i], add=True)
        return c
    lax.fori_loop(0, NB, _block, 0)

    plsc.subcore_barrier()

    for j in range(nchunk):
        pltpu.sync_copy(iota_hbm.at[pl.ds(base + j * EB, EB)], idx_v)
        ochunk = pl.ds(cid * N_PAD + base + j * EB, EB)
        pltpu.async_copy(deg_sh.at[idx_v], ones_v, sem).wait()
        pltpu.sync_copy(ones_v, degp_hbm.at[ochunk])


def _sc_degree(dst_p, ones, zeros, iota):
    mesh = plsc.VectorSubcoreMesh(core_axis_name="c", subcore_axis_name="s")
    f = pl.kernel(
        _sc_degree_body,
        out_type=jax.ShapeDtypeStruct((NC * N_PAD, D), jnp.float32),
        mesh=mesh,
        scratch_types=[
            pltpu.VMEM((EB,), jnp.int32),
            pltpu.VMEM((EB,), jnp.int32),
            pltpu.VMEM((EB, D), jnp.float32),
            pltpu.VMEM_SHARED((N_PAD, D), jnp.float32),
            pltpu.SemaphoreType.DMA,
        ],
    )
    return f(dst_p, ones, zeros, iota).reshape(NC, N_PAD, D)


def _dense_body(with_stats, parts_ref, degp_ref, x_ref, wl_ref, bl_ref,
                wr_ref, *refs):
    agg = parts_ref[0] + parts_ref[1]
    deg = jnp.maximum(degp_ref[0, :, 0:1] + degp_ref[1, :, 0:1], 1.0)
    mean = agg / deg
    h = (lax.dot_general(mean, wl_ref[...], (((1,), (1,)), ((), ())),
                         preferred_element_type=jnp.float32)
         + bl_ref[...]
         + lax.dot_general(x_ref[...], wr_ref[...], (((1,), (1,)), ((), ())),
                           preferred_element_type=jnp.float32))
    if with_stats:
        out_ref, sum_ref, sumsq_ref = refs
        out_ref[...] = h

        @pl.when(pl.program_id(0) == 0)
        def _():
            sum_ref[...] = jnp.zeros_like(sum_ref)
            sumsq_ref[...] = jnp.zeros_like(sumsq_ref)
        sum_ref[...] += h.sum(axis=0, keepdims=True)
        sumsq_ref[...] += (h * h).sum(axis=0, keepdims=True)
    else:
        (out_ref,) = refs
        out_ref[...] = h


def _dense_layer(parts, degp, x, wl, bl, wr, with_stats):
    nblk = N // R
    out_shapes = [jax.ShapeDtypeStruct((N, D), jnp.float32)]
    out_specs = [pl.BlockSpec((R, D), lambda i: (i, 0))]
    if with_stats:
        out_shapes += [jax.ShapeDtypeStruct((1, D), jnp.float32)] * 2
        out_specs += [pl.BlockSpec((1, D), lambda i: (0, 0))] * 2
    return pl.pallas_call(
        functools.partial(_dense_body, with_stats),
        grid=(nblk,),
        in_specs=[
            pl.BlockSpec((NC, R, D), lambda i: (0, i, 0)),
            pl.BlockSpec((NC, R, D), lambda i: (0, i, 0)),
            pl.BlockSpec((R, D), lambda i: (i, 0)),
            pl.BlockSpec((D, D), lambda i: (0, 0)),
            pl.BlockSpec((1, D), lambda i: (0, 0)),
            pl.BlockSpec((D, D), lambda i: (0, 0)),
        ],
        out_specs=out_specs,
        out_shape=out_shapes,
    )(parts, degp, x, wl, bl, wr)


def _bn_relu_body(h_ref, sum_ref, sumsq_ref, gamma_ref, beta_ref, out_ref):
    mu = sum_ref[...] / N
    var = sumsq_ref[...] / N - mu * mu
    inv = lax.rsqrt(var + 1e-5)
    out_ref[...] = jnp.maximum(
        gamma_ref[...] * (h_ref[...] - mu) * inv + beta_ref[...], 0.0)


def _bn_relu(h, s, s2, gamma, beta):
    return pl.pallas_call(
        _bn_relu_body,
        grid=(N // R,),
        in_specs=[
            pl.BlockSpec((R, D), lambda i: (i, 0)),
            pl.BlockSpec((1, D), lambda i: (0, 0)),
            pl.BlockSpec((1, D), lambda i: (0, 0)),
            pl.BlockSpec((1, D), lambda i: (0, 0)),
            pl.BlockSpec((1, D), lambda i: (0, 0)),
        ],
        out_specs=pl.BlockSpec((R, D), lambda i: (i, 0)),
        out_shape=jax.ShapeDtypeStruct((N, D), jnp.float32),
    )(h, s, s2, gamma, beta)


def kernel(x, edge_index, W0l, b0l, W0r, gamma0, beta0, W1l, b1l, W1r):
    src = edge_index[0]
    dst = edge_index[1]
    pad = E_PAD - E
    src_p = jnp.concatenate([src, jnp.zeros((pad,), jnp.int32)])
    dst_p = jnp.concatenate(
        [dst, N + (jnp.arange(pad, dtype=jnp.int32) % (N_PAD - N))])
    zeros = jnp.zeros((N_PAD, D), jnp.float32)
    ones = jnp.ones((EB, D), jnp.float32)
    iota = jnp.arange(N_PAD, dtype=jnp.int32)

    bl0 = b0l.reshape(1, D)
    bl1 = b1l.reshape(1, D)
    g0 = gamma0.reshape(1, D)
    be0 = beta0.reshape(1, D)

    degp = _sc_degree(dst_p, ones, zeros, iota)
    parts0 = _sc_aggregate(x, src_p, dst_p, zeros, iota)
    h, s, s2 = _dense_layer(parts0, degp, x, W0l, bl0, W0r, True)
    h_act = _bn_relu(h, s, s2, g0, be0)
    parts1 = _sc_aggregate(h_act, src_p, dst_p, zeros, iota)
    out = _dense_layer(parts1, degp, h_act, W1l, bl1, W1r, False)
    return out[0]

# --- scband reference (transcript-rebuilt; emitter-appended) ---
"""Pipeline reference for scband-graph-sagemodel-v0-53077205844010 (READ-ONLY COPY).

The authoritative reference and input builder live on the scoring server;
editing this copy changes nothing except your own understanding.
"""

import jax, jax.numpy as jnp
import numpy as np

N = 10000
E = 320000
D = 128


def setup_inputs(seed: int = 0) -> dict:
    key = jax.random.key(seed)
    ks = jax.random.split(key, 12)
    x = jax.random.normal(ks[0], (N, D), dtype=jnp.float32)
    edge_index = jax.random.randint(ks[1], (2, E), 0, N, dtype=jnp.int32)
    s = 0.1
    W0l = jax.random.normal(ks[2], (D, D), dtype=jnp.float32) * s
    b0l = jnp.zeros((D,), dtype=jnp.float32)
    W0r = jax.random.normal(ks[3], (D, D), dtype=jnp.float32) * s
    gamma0 = jnp.ones((D,), dtype=jnp.float32)
    beta0 = jnp.zeros((D,), dtype=jnp.float32)
    W1l = jax.random.normal(ks[4], (D, D), dtype=jnp.float32) * s
    b1l = jnp.zeros((D,), dtype=jnp.float32)
    W1r = jax.random.normal(ks[5], (D, D), dtype=jnp.float32) * s
    return {"x": x, "edge_index": edge_index, "W0l": W0l, "b0l": b0l, "W0r": W0r,
            "gamma0": gamma0, "beta0": beta0, "W1l": W1l, "b1l": b1l, "W1r": W1r}


def _sage_conv(x, src, dst, Wl, bl, Wr):
    # PyG SAGEConv: out = lin_l(mean_{j in N(i)} x_j) + lin_r(x_i)
    msgs = jnp.take(x, src, axis=0)
    agg = jax.ops.segment_sum(msgs, dst, num_segments=N)
    deg = jax.ops.segment_sum(jnp.ones((src.shape[0],), dtype=jnp.float32), dst, num_segments=N)
    mean = agg / jnp.clip(deg, 1.0, None)[:, None]
    return mean @ Wl.T + bl + x @ Wr.T


def _batch_norm(h, gamma, beta):
    mu = jnp.mean(h, axis=0)
    var = jnp.var(h, axis=0)
    return gamma * (h - mu) / jnp.sqrt(var + 1e-5) + beta


def reference(x, edge_index, W0l, b0l, W0r, gamma0, beta0, W1l, b1l, W1r):
    src = edge_index[0]
    dst = edge_index[1]
    # layer 0
    h = _sage_conv(x, src, dst, W0l, b0l, W0r)
    h = _batch_norm(h, gamma0, beta0)
    h = jax.nn.relu(h)
    # dropout rate = 0.0 -> identity
    # layer 1 (final, no bn/activation)
    out = _sage_conv(h, src, dst, W1l, b1l, W1r)
    return out

if __name__ == "__main__":
    import jax
    _d = setup_inputs()
    print(jax.jit(kernel)(*tuple(_d.values())))

</pallas_src>

<mosaic_0001>
#map = affine_map<(d0, d1) -> (0, 0)>
#map1 = affine_map<(d0, d1) -> (0)>
module attributes {stable_mosaic.version = 14 : i64} {
  func.func @_sc_agg_body(%arg0: i32, %arg1: i32, %arg2: memref<10000x128xf32, #tpu.memory_space<hbm>>, %arg3: memref<327680xi32, #tpu.memory_space<hbm>>, %arg4: memref<327680xi32, #tpu.memory_space<hbm>>, %arg5: memref<10240x128xf32, #tpu.memory_space<hbm>>, %arg6: memref<10240xi32, #tpu.memory_space<hbm>>, %arg7: memref<20480x128xf32, #tpu.memory_space<hbm>>, %arg8: memref<128xi32, #tpu.memory_space<vmem>>, %arg9: memref<128xi32, #tpu.memory_space<vmem>>, %arg10: memref<128xi32, #tpu.memory_space<vmem>>, %arg11: memref<128x128xf32, #tpu.memory_space<vmem>>, %arg12: memref<10240x128xf32, #tpu.memory_space<vmem_shared>>, %arg13: memref<!tpu.dma_semaphore, #tpu.memory_space<semaphore_mem>>) attributes {dimension_semantics = [#tpu.dimension_semantics<core_parallel>, #tpu.dimension_semantics<subcore_parallel>], iteration_bounds = array<i64: 2, 16>, scalar_prefetch = 0 : i64, scratch_operands = 6 : i64, tpu.core_type = #tpu.core_type<sc_vector_subcore>, window_params = [{transform_indices = #map}, {transform_indices = #map1}, {transform_indices = #map1}, {transform_indices = #map}, {transform_indices = #map1}, {transform_indices = #map}]} {
    %mul3A = arith.constant 16 : i32
    %mul3A_0 = arith.muli %arg0, %mul3A : i32
    %add3A = arith.addi %mul3A_0, %arg1 : i32
    %mul3A_1 = arith.constant 640 : i32
    %mul3A_2 = arith.muli %arg1, %mul3A_1 : i32
    "tpu.region"() ({
      %run_scoped3A = tpu.sem_alloc : memref<!tpu.dma_semaphore, #tpu.memory_space<semaphore_mem>>
      %dma_start3A_84 = arith.constant 0 : i32
      %dma_start3A_85 = arith.constant 0 : i32
      %dma_start3A_86 = tpu.memref_slice %arg5[%dma_start3A_84, %dma_start3A_85] : memref<10240x128xf32, #tpu.memory_space<hbm>> -> memref<128x128xf32, #tpu.memory_space<hbm>>
      %dma_start3A_87 = arith.constant 0 : i32
      %dma_start3A_88 = arith.constant 0 : i32
      %dma_start3A_89 = tpu.memref_slice %arg5[%dma_start3A_87, %dma_start3A_88] : memref<10240x128xf32, #tpu.memory_space<hbm>> -> memref<128x128xf32, #tpu.memory_space<hbm>>
      tpu.enqueue_dma source(%dma_start3A_89 : memref<128x128xf32, #tpu.memory_space<hbm>>) target(%arg11 : memref<128x128xf32, #tpu.memory_space<vmem>>) target_semaphore(%run_scoped3A : memref<!tpu.dma_semaphore, #tpu.memory_space<semaphore_mem>>)
      %dma_wait3A_90 = arith.constant 0 : i32
      %dma_wait3A_91 = arith.constant 0 : i32
      %dma_wait3A_92 = tpu.memref_slice %arg5[%dma_wait3A_90, %dma_wait3A_91] : memref<10240x128xf32, #tpu.memory_space<hbm>> -> memref<128x128xf32, #tpu.memory_space<hbm>>
      %dma_wait3A_93 = arith.constant 0 : i32
      %dma_wait3A_94 = arith.constant 0 : i32
      %dma_wait3A_95 = tpu.memref_slice %arg5[%dma_wait3A_93, %dma_wait3A_94] : memref<10240x128xf32, #tpu.memory_space<hbm>> -> memref<128x128xf32, #tpu.memory_space<hbm>>
      tpu.wait_dma2 semaphore(%run_scoped3A : memref<!tpu.dma_semaphore, #tpu.memory_space<semaphore_mem>>) src(%dma_wait3A_95 : memref<128x128xf32, #tpu.memory_space<hbm>>) dst(%arg11 : memref<128x128xf32, #tpu.memory_space<vmem>>)
      tpu.yield
    }) : () -> ()
    %add3A_3 = arith.constant 0 : i32
    %add3A_4 = arith.addi %mul3A_2, %add3A_3 : i32
    "tpu.region"() ({
      %run_scoped3A = tpu.sem_alloc : memref<!tpu.dma_semaphore, #tpu.memory_space<semaphore_mem>>
      %dma_start3A_84 = tpu.memref_slice %arg6[%add3A_4] : memref<10240xi32, #tpu.memory_space<hbm>> -> memref<128xi32, #tpu.memory_space<hbm>>
      %dma_start3A_85 = tpu.memref_slice %arg6[%add3A_4] : memref<10240xi32, #tpu.memory_space<hbm>> -> memref<128xi32, #tpu.memory_space<hbm>>
      tpu.enqueue_dma source(%dma_start3A_85 : memref<128xi32, #tpu.memory_space<hbm>>) target(%arg10 : memref<128xi32, #tpu.memory_space<vmem>>) target_semaphore(%run_scoped3A : memref<!tpu.dma_semaphore, #tpu.memory_space<semaphore_mem>>)
      %dma_wait3A_86 = tpu.memref_slice %arg6[%add3A_4] : memref<10240xi32, #tpu.memory_space<hbm>> -> memref<128xi32, #tpu.memory_space<hbm>>
      %dma_wait3A_87 = tpu.memref_slice %arg6[%add3A_4] : memref<10240xi32, #tpu.memory_space<hbm>> -> memref<128xi32, #tpu.memory_space<hbm>>
      tpu.wait_dma2 semaphore(%run_scoped3A : memref<!tpu.dma_semaphore, #tpu.memory_space<semaphore_mem>>) src(%dma_wait3A_87 : memref<128xi32, #tpu.memory_space<hbm>>) dst(%arg10 : memref<128xi32, #tpu.memory_space<vmem>>)
      tpu.yield
    }) : () -> ()
    "tpu.region"() ({
      %run_scoped3A = tpu.sem_alloc : memref<!tpu.dma_semaphore, #tpu.memory_space<semaphore_mem>>
      %dma_start3A_84 = arith.constant 0 : i32
      %dma_start3A_85 = arith.constant 0 : i32
      %dma_start3A_86 = tpu.memref_slice %arg12[%dma_start3A_84, %dma_start3A_85] : memref<10240x128xf32, #tpu.memory_space<vmem_shared>> -> memref<10240x128xf32, #tpu.memory_space<vmem_shared>>
      tpu.enqueue_indirect_dma source(%arg11 : memref<128x128xf32, #tpu.memory_space<vmem>>) target(%dma_start3A_86 : memref<10240x128xf32, #tpu.memory_space<vmem_shared>>) offsets(%arg10 : memref<128xi32, #tpu.memory_space<vmem>>) semaphore(%run_scoped3A : memref<!tpu.dma_semaphore, #tpu.memory_space<semaphore_mem>>)
      %dma_wait3A_87 = arith.constant 0 : i32
      %dma_wait3A_88 = arith.constant 0 : i32
      %dma_wait3A_89 = tpu.memref_slice %arg12[%dma_wait3A_87, %dma_wait3A_88] : memref<10240x128xf32, #tpu.memory_space<vmem_shared>> -> memref<10240x128xf32, #tpu.memory_space<vmem_shared>>
      tpu.wait_indirect_dma semaphore(%run_scoped3A : memref<!tpu.dma_semaphore, #tpu.memory_space<semaphore_mem>>) src(%arg11 : memref<128x128xf32, #tpu.memory_space<vmem>>) dst(%dma_wait3A_89 : memref<10240x128xf32, #tpu.memory_space<vmem_shared>>)
      tpu.yield
    }) : () -> ()
    %add3A_5 = arith.constant 128 : i32
    %add3A_6 = arith.addi %mul3A_2, %add3A_5 : i32
    "tpu.region"() ({
      %run_scoped3A = tpu.sem_alloc : memref<!tpu.dma_semaphore, #tpu.memory_space<semaphore_mem>>
      %dma_start3A_84 = tpu.memref_slice %arg6[%add3A_6] : memref<10240xi32, #tpu.memory_space<hbm>> -> memref<128xi32, #tpu.memory_space<hbm>>
      %dma_start3A_85 = tpu.memref_slice %arg6[%add3A_6] : memref<10240xi32, #tpu.memory_space<hbm>> -> memref<128xi32, #tpu.memory_space<hbm>>
      tpu.enqueue_dma source(%dma_start3A_85 : memref<128xi32, #tpu.memory_space<hbm>>) target(%arg10 : memref<128xi32, #tpu.memory_space<vmem>>) target_semaphore(%run_scoped3A : memref<!tpu.dma_semaphore, #tpu.memory_space<semaphore_mem>>)
      %dma_wait3A_86 = tpu.memref_slice %arg6[%add3A_6] : memref<10240xi32, #tpu.memory_space<hbm>> -> memref<128xi32, #tpu.memory_space<hbm>>
      %dma_wait3A_87 = tpu.memref_slice %arg6[%add3A_6] : memref<10240xi32, #tpu.memory_space<hbm>> -> memref<128xi32, #tpu.memory_space<hbm>>
      tpu.wait_dma2 semaphore(%run_scoped3A : memref<!tpu.dma_semaphore, #tpu.memory_space<semaphore_mem>>) src(%dma_wait3A_87 : memref<128xi32, #tpu.memory_space<hbm>>) dst(%arg10 : memref<128xi32, #tpu.memory_space<vmem>>)
      tpu.yield
    }) : () -> ()
    "tpu.region"() ({
      %run_scoped3A = tpu.sem_alloc : memref<!tpu.dma_semaphore, #tpu.memory_space<semaphore_mem>>
      %dma_start3A_84 = arith.constant 0 : i32
      %dma_start3A_85 = arith.constant 0 : i32
      %dma_start3A_86 = tpu.memref_slice %arg12[%dma_start3A_84, %dma_start3A_85] : memref<10240x128xf32, #tpu.memory_space<vmem_shared>> -> memref<10240x128xf32, #tpu.memory_space<vmem_shared>>
      tpu.enqueue_indirect_dma source(%arg11 : memref<128x128xf32, #tpu.memory_space<vmem>>) target(%dma_start3A_86 : memref<10240x128xf32, #tpu.memory_space<vmem_shared>>) offsets(%arg10 : memref<128xi32, #tpu.memory_space<vmem>>) semaphore(%run_scoped3A : memref<!tpu.dma_semaphore, #tpu.memory_space<semaphore_mem>>)
      %dma_wait3A_87 = arith.constant 0 : i32
      %dma_wait3A_88 = arith.constant 0 : i32
      %dma_wait3A_89 = tpu.memref_slice %arg12[%dma_wait3A_87, %dma_wait3A_88] : memref<10240x128xf32, #tpu.memory_space<vmem_shared>> -> memref<10240x128xf32, #tpu.memory_space<vmem_shared>>
      tpu.wait_indirect_dma semaphore(%run_scoped3A : memref<!tpu.dma_semaphore, #tpu.memory_space<semaphore_mem>>) src(%arg11 : memref<128x128xf32, #tpu.memory_space<vmem>>) dst(%dma_wait3A_89 : memref<10240x128xf32, #tpu.memory_space<vmem_shared>>)
      tpu.yield
    }) : () -> ()
    %add3A_7 = arith.constant 256 : i32
    %add3A_8 = arith.addi %mul3A_2, %add3A_7 : i32
    "tpu.region"() ({
      %run_scoped3A = tpu.sem_alloc : memref<!tpu.dma_semaphore, #tpu.memory_space<semaphore_mem>>
      %dma_start3A_84 = tpu.memref_slice %arg6[%add3A_8] : memref<10240xi32, #tpu.memory_space<hbm>> -> memref<128xi32, #tpu.memory_space<hbm>>
      %dma_start3A_85 = tpu.memref_slice %arg6[%add3A_8] : memref<10240xi32, #tpu.memory_space<hbm>> -> memref<128xi32, #tpu.memory_space<hbm>>
      tpu.enqueue_dma source(%dma_start3A_85 : memref<128xi32, #tpu.memory_space<hbm>>) target(%arg10 : memref<128xi32, #tpu.memory_space<vmem>>) target_semaphore(%run_scoped3A : memref<!tpu.dma_semaphore, #tpu.memory_space<semaphore_mem>>)
      %dma_wait3A_86 = tpu.memref_slice %arg6[%add3A_8] : memref<10240xi32, #tpu.memory_space<hbm>> -> memref<128xi32, #tpu.memory_space<hbm>>
      %dma_wait3A_87 = tpu.memref_slice %arg6[%add3A_8] : memref<10240xi32, #tpu.memory_space<hbm>> -> memref<128xi32, #tpu.memory_space<hbm>>
      tpu.wait_dma2 semaphore(%run_scoped3A : memref<!tpu.dma_semaphore, #tpu.memory_space<semaphore_mem>>) src(%dma_wait3A_87 : memref<128xi32, #tpu.memory_space<hbm>>) dst(%arg10 : memref<128xi32, #tpu.memory_space<vmem>>)
      tpu.yield
    }) : () -> ()
    "tpu.region"() ({
      %run_scoped3A = tpu.sem_alloc : memref<!tpu.dma_semaphore, #tpu.memory_space<semaphore_mem>>
      %dma_start3A_84 = arith.constant 0 : i32
      %dma_start3A_85 = arith.constant 0 : i32
      %dma_start3A_86 = tpu.memref_slice %arg12[%dma_start3A_84, %dma_start3A_85] : memref<10240x128xf32, #tpu.memory_space<vmem_shared>> -> memref<10240x128xf32, #tpu.memory_space<vmem_shared>>
      tpu.enqueue_indirect_dma source(%arg11 : memref<128x128xf32, #tpu.memory_space<vmem>>) target(%dma_start3A_86 : memref<10240x128xf32, #tpu.memory_space<vmem_shared>>) offsets(%arg10 : memref<128xi32, #tpu.memory_space<vmem>>) semaphore(%run_scoped3A : memref<!tpu.dma_semaphore, #tpu.memory_space<semaphore_mem>>)
      %dma_wait3A_87 = arith.constant 0 : i32
      %dma_wait3A_88 = arith.constant 0 : i32
      %dma_wait3A_89 = tpu.memref_slice %arg12[%dma_wait3A_87, %dma_wait3A_88] : memref<10240x128xf32, #tpu.memory_space<vmem_shared>> -> memref<10240x128xf32, #tpu.memory_space<vmem_shared>>
      tpu.wait_indirect_dma semaphore(%run_scoped3A : memref<!tpu.dma_semaphore, #tpu.memory_space<semaphore_mem>>) src(%arg11 : memref<128x128xf32, #tpu.memory_space<vmem>>) dst(%dma_wait3A_89 : memref<10240x128xf32, #tpu.memory_space<vmem_shared>>)
      tpu.yield
    }) : () -> ()
    %add3A_9 = arith.constant 384 : i32
    %add3A_10 = arith.addi %mul3A_2, %add3A_9 : i32
    "tpu.region"() ({
      %run_scoped3A = tpu.sem_alloc : memref<!tpu.dma_semaphore, #tpu.memory_space<semaphore_mem>>
      %dma_start3A_84 = tpu.memref_slice %arg6[%add3A_10] : memref<10240xi32, #tpu.memory_space<hbm>> -> memref<128xi32, #tpu.memory_space<hbm>>
      %dma_start3A_85 = tpu.memref_slice %arg6[%add3A_10] : memref<10240xi32, #tpu.memory_space<hbm>> -> memref<128xi32, #tpu.memory_space<hbm>>
      tpu.enqueue_dma source(%dma_start3A_85 : memref<128xi32, #tpu.memory_space<hbm>>) target(%arg10 : memref<128xi32, #tpu.memory_space<vmem>>) target_semaphore(%run_scoped3A : memref<!tpu.dma_semaphore, #tpu.memory_space<semaphore_mem>>)
      %dma_wait3A_86 = tpu.memref_slice %arg6[%add3A_10] : memref<10240xi32, #tpu.memory_space<hbm>> -> memref<128xi32, #tpu.memory_space<hbm>>
      %dma_wait3A_87 = tpu.memref_slice %arg6[%add3A_10] : memref<10240xi32, #tpu.memory_space<hbm>> -> memref<128xi32, #tpu.memory_space<hbm>>
      tpu.wait_dma2 semaphore(%run_scoped3A : memref<!tpu.dma_semaphore, #tpu.memory_space<semaphore_mem>>) src(%dma_wait3A_87 : memref<128xi32, #tpu.memory_space<hbm>>) dst(%arg10 : memref<128xi32, #tpu.memory_space<vmem>>)
      tpu.yield
    }) : () -> ()
    "tpu.region"() ({
      %run_scoped3A = tpu.sem_alloc : memref<!tpu.dma_semaphore, #tpu.memory_space<semaphore_mem>>
      %dma_start3A_84 = arith.constant 0 : i32
      %dma_start3A_85 = arith.constant 0 : i32
      %dma_start3A_86 = tpu.memref_slice %arg12[%dma_start3A_84, %dma_start3A_85] : memref<10240x128xf32, #tpu.memory_space<vmem_shared>> -> memref<10240x128xf32, #tpu.memory_space<vmem_shared>>
      tpu.enqueue_indirect_dma source(%arg11 : memref<128x128xf32, #tpu.memory_space<vmem>>) target(%dma_start3A_86 : memref<10240x128xf32, #tpu.memory_space<vmem_shared>>) offsets(%arg10 : memref<128xi32, #tpu.memory_space<vmem>>) semaphore(%run_scoped3A : memref<!tpu.dma_semaphore, #tpu.memory_space<semaphore_mem>>)
      %dma_wait3A_87 = arith.constant 0 : i32
      %dma_wait3A_88 = arith.constant 0 : i32
      %dma_wait3A_89 = tpu.memref_slice %arg12[%dma_wait3A_87, %dma_wait3A_88] : memref<10240x128xf32, #tpu.memory_space<vmem_shared>> -> memref<10240x128xf32, #tpu.memory_space<vmem_shared>>
      tpu.wait_indirect_dma semaphore(%run_scoped3A : memref<!tpu.dma_semaphore, #tpu.memory_space<semaphore_mem>>) src(%arg11 : memref<128x128xf32, #tpu.memory_space<vmem>>) dst(%dma_wait3A_89 : memref<10240x128xf32, #tpu.memory_space<vmem_shared>>)
      tpu.yield
    }) : () -> ()
    %add3A_11 = arith.constant 512 : i32
    %add3A_12 = arith.addi %mul3A_2, %add3A_11 : i32
    "tpu.region"() ({
      %run_scoped3A = tpu.sem_alloc : memref<!tpu.dma_semaphore, #tpu.memory_space<semaphore_mem>>
      %dma_start3A_84 = tpu.memref_slice %arg6[%add3A_12] : memref<10240xi32, #tpu.memory_space<hbm>> -> memref<128xi32, #tpu.memory_space<hbm>>
      %dma_start3A_85 = tpu.memref_slice %arg6[%add3A_12] : memref<10240xi32, #tpu.memory_space<hbm>> -> memref<128xi32, #tpu.memory_space<hbm>>
      tpu.enqueue_dma source(%dma_start3A_85 : memref<128xi32, #tpu.memory_space<hbm>>) target(%arg10 : memref<128xi32, #tpu.memory_space<vmem>>) target_semaphore(%run_scoped3A : memref<!tpu.dma_semaphore, #tpu.memory_space<semaphore_mem>>)
      %dma_wait3A_86 = tpu.memref_slice %arg6[%add3A_12] : memref<10240xi32, #tpu.memory_space<hbm>> -> memref<128xi32, #tpu.memory_space<hbm>>
      %dma_wait3A_87 = tpu.memref_slice %arg6[%add3A_12] : memref<10240xi32, #tpu.memory_space<hbm>> -> memref<128xi32, #tpu.memory_space<hbm>>
      tpu.wait_dma2 semaphore(%run_scoped3A : memref<!tpu.dma_semaphore, #tpu.memory_space<semaphore_mem>>) src(%dma_wait3A_87 : memref<128xi32, #tpu.memory_space<hbm>>) dst(%arg10 : memref<128xi32, #tpu.memory_space<vmem>>)
      tpu.yield
    }) : () -> ()
    "tpu.region"() ({
      %run_scoped3A = tpu.sem_alloc : memref<!tpu.dma_semaphore, #tpu.memory_space<semaphore_mem>>
      %dma_start3A_84 = arith.constant 0 : i32
      %dma_start3A_85 = arith.constant 0 : i32
      %dma_start3A_86 = tpu.memref_slice %arg12[%dma_start3A_84, %dma_start3A_85] : memref<10240x128xf32, #tpu.memory_space<vmem_shared>> -> memref<10240x128xf32, #tpu.memory_space<vmem_shared>>
      tpu.enqueue_indirect_dma source(%arg11 : memref<128x128xf32, #tpu.memory_space<vmem>>) target(%dma_start3A_86 : memref<10240x128xf32, #tpu.memory_space<vmem_shared>>) offsets(%arg10 : memref<128xi32, #tpu.memory_space<vmem>>) semaphore(%run_scoped3A : memref<!tpu.dma_semaphore, #tpu.memory_space<semaphore_mem>>)
      %dma_wait3A_87 = arith.constant 0 : i32
      %dma_wait3A_88 = arith.constant 0 : i32
      %dma_wait3A_89 = tpu.memref_slice %arg12[%dma_wait3A_87, %dma_wait3A_88] : memref<10240x128xf32, #tpu.memory_space<vmem_shared>> -> memref<10240x128xf32, #tpu.memory_space<vmem_shared>>
      tpu.wait_indirect_dma semaphore(%run_scoped3A : memref<!tpu.dma_semaphore, #tpu.memory_space<semaphore_mem>>) src(%arg11 : memref<128x128xf32, #tpu.memory_space<vmem>>) dst(%dma_wait3A_89 : memref<10240x128xf32, #tpu.memory_space<vmem_shared>>)
      tpu.yield
    }) : () -> ()
    %barrier3A = arith.constant 0 : index
    tpu.barrier barrier_id(%barrier3A)
    %mul3A_13 = arith.constant 10240 : i32
    %mul3A_14 = arith.muli %add3A, %mul3A_13 : i32
    %scan3A = arith.constant 0 : i32
    %scan3A_15 = arith.constant 0 : i32
    %scan3A_16 = arith.constant 80 : i32
    %scan3A_17 = arith.addi %scan3A_15, %scan3A_16 : i32
    %scan3A_18 = arith.constant 1 : i32
    scf.for %scan3A_84 = %scan3A_15 to %scan3A_17 step %scan3A_18  : i32 {
      %mul3A_85 = arith.constant 128 : i32
      %mul3A_86 = arith.muli %scan3A_84, %mul3A_85 : i32
      %add3A_87 = arith.addi %mul3A_14, %mul3A_86 : i32
      "tpu.region"() ({
        %run_scoped3A = tpu.sem_alloc : memref<!tpu.dma_semaphore, #tpu.memory_space<semaphore_mem>>
        %dma_start3A_97 = tpu.memref_slice %arg3[%add3A_87] : memref<327680xi32, #tpu.memory_space<hbm>> -> memref<128xi32, #tpu.memory_space<hbm>>
        %dma_start3A_98 = tpu.memref_slice %arg3[%add3A_87] : memref<327680xi32, #tpu.memory_space<hbm>> -> memref<128xi32, #tpu.memory_space<hbm>>
        tpu.enqueue_dma source(%dma_start3A_98 : memref<128xi32, #tpu.memory_space<hbm>>) target(%arg8 : memref<128xi32, #tpu.memory_space<vmem>>) target_semaphore(%run_scoped3A : memref<!tpu.dma_semaphore, #tpu.memory_space<semaphore_mem>>)
        %dma_wait3A_99 = tpu.memref_slice %arg3[%add3A_87] : memref<327680xi32, #tpu.memory_space<hbm>> -> memref<128xi32, #tpu.memory_space<hbm>>
        %dma_wait3A_100 = tpu.memref_slice %arg3[%add3A_87] : memref<327680xi32, #tpu.memory_space<hbm>> -> memref<128xi32, #tpu.memory_space<hbm>>
        tpu.wait_dma2 semaphore(%run_scoped3A : memref<!tpu.dma_semaphore, #tpu.memory_space<semaphore_mem>>) src(%dma_wait3A_100 : memref<128xi32, #tpu.memory_space<hbm>>) dst(%arg8 : memref<128xi32, #tpu.memory_space<vmem>>)
        tpu.yield
      }) : () -> ()
      %mul3A_88 = arith.constant 128 : i32
      %mul3A_89 = arith.muli %scan3A_84, %mul3A_88 : i32
      %add3A_90 = arith.addi %mul3A_14, %mul3A_89 : i32
      "tpu.region"() ({
        %run_scoped3A = tpu.sem_alloc : memref<!tpu.dma_semaphore, #tpu.memory_space<semaphore_mem>>
        %dma_start3A_97 = tpu.memref_slice %arg4[%add3A_90] : memref<327680xi32, #tpu.memory_space<hbm>> -> memref<128xi32, #tpu.memory_space<hbm>>
        %dma_start3A_98 = tpu.memref_slice %arg4[%add3A_90] : memref<327680xi32, #tpu.memory_space<hbm>> -> memref<128xi32, #tpu.memory_space<hbm>>
        tpu.enqueue_dma source(%dma_start3A_98 : memref<128xi32, #tpu.memory_space<hbm>>) target(%arg9 : memref<128xi32, #tpu.memory_space<vmem>>) target_semaphore(%run_scoped3A : memref<!tpu.dma_semaphore, #tpu.memory_space<semaphore_mem>>)
        %dma_wait3A_99 = tpu.memref_slice %arg4[%add3A_90] : memref<327680xi32, #tpu.memory_space<hbm>> -> memref<128xi32, #tpu.memory_space<hbm>>
        %dma_wait3A_100 = tpu.memref_slice %arg4[%add3A_90] : memref<327680xi32, #tpu.memory_space<hbm>> -> memref<128xi32, #tpu.memory_space<hbm>>
        tpu.wait_dma2 semaphore(%run_scoped3A : memref<!tpu.dma_semaphore, #tpu.memory_space<semaphore_mem>>) src(%dma_wait3A_100 : memref<128xi32, #tpu.memory_space<hbm>>) dst(%arg9 : memref<128xi32, #tpu.memory_space<vmem>>)
        tpu.yield
      }) : () -> ()
      %dma_start3A_91 = arith.constant 0 : i32
      %dma_start3A_92 = arith.constant 0 : i32
      %dma_start3A_93 = tpu.memref_slice %arg2[%dma_start3A_91, %dma_start3A_92] : memref<10000x128xf32, #tpu.memory_space<hbm>> -> memref<10000x128xf32, #tpu.memory_space<hbm>>
      tpu.enqueue_indirect_dma source(%dma_start3A_93 : memref<10000x128xf32, #tpu.memory_space<hbm>>) target(%arg11 : memref<128x128xf32, #tpu.memory_space<vmem>>) offsets(%arg8 : memref<128xi32, #tpu.memory_space<vmem>>) semaphore(%arg13 : memref<!tpu.dma_semaphore, #tpu.memory_space<semaphore_mem>>)
      %dma_wait3A_94 = arith.constant 0 : i32
      %dma_wait3A_95 = arith.constant 0 : i32
      %dma_wait3A_96 = tpu.memref_slice %arg2[%dma_wait3A_94, %dma_wait3A_95] : memref<10000x128xf32, #tpu.memory_space<hbm>> -> memref<10000x128xf32, #tpu.memory_space<hbm>>
      tpu.wait_indirect_dma semaphore(%arg13 : memref<!tpu.dma_semaphore, #tpu.memory_space<semaphore_mem>>) src(%dma_wait3A_96 : memref<10000x128xf32, #tpu.memory_space<hbm>>) dst(%arg11 : memref<128x128xf32, #tpu.memory_space<vmem>>)
      "tpu.region"() ({
        %run_scoped3A = tpu.sem_alloc : memref<!tpu.dma_semaphore, #tpu.memory_space<semaphore_mem>>
        %dma_start3A_97 = arith.constant 0 : i32
        %dma_start3A_98 = arith.constant 0 : i32
        %dma_start3A_99 = tpu.memref_slice %arg12[%dma_start3A_97, %dma_start3A_98] : memref<10240x128xf32, #tpu.memory_space<vmem_shared>> -> memref<10240x128xf32, #tpu.memory_space<vmem_shared>>
        tpu.enqueue_indirect_dma source(%arg11 : memref<128x128xf32, #tpu.memory_space<vmem>>) target(%dma_start3A_99 : memref<10240x128xf32, #tpu.memory_space<vmem_shared>>) offsets(%arg9 : memref<128xi32, #tpu.memory_space<vmem>>) semaphore(%run_scoped3A : memref<!tpu.dma_semaphore, #tpu.memory_space<semaphore_mem>>) {add = true}
        %dma_wait3A_100 = arith.constant 0 : i32
        %dma_wait3A_101 = arith.constant 0 : i32
        %dma_wait3A_102 = tpu.memref_slice %arg12[%dma_wait3A_100, %dma_wait3A_101] : memref<10240x128xf32, #tpu.memory_space<vmem_shared>> -> memref<10240x128xf32, #tpu.memory_space<vmem_shared>>
        tpu.wait_indirect_dma semaphore(%run_scoped3A : memref<!tpu.dma_semaphore, #tpu.memory_space<semaphore_mem>>) src(%arg11 : memref<128x128xf32, #tpu.memory_space<vmem>>) dst(%dma_wait3A_102 : memref<10240x128xf32, #tpu.memory_space<vmem_shared>>)
        tpu.yield
      }) : () -> ()
    }
    %scan3A_19 = arith.constant 80 : i32
    %barrier3A_20 = arith.constant 0 : index
    tpu.barrier barrier_id(%barrier3A_20)
    %add3A_21 = arith.constant 0 : i32
    %add3A_22 = arith.addi %mul3A_2, %add3A_21 : i32
    "tpu.region"() ({
      %run_scoped3A = tpu.sem_alloc : memref<!tpu.dma_semaphore, #tpu.memory_space<semaphore_mem>>
      %dma_start3A_84 = tpu.memref_slice %arg6[%add3A_22] : memref<10240xi32, #tpu.memory_space<hbm>> -> memref<128xi32, #tpu.memory_space<hbm>>
      %dma_start3A_85 = tpu.memref_slice %arg6[%add3A_22] : memref<10240xi32, #tpu.memory_space<hbm>> -> memref<128xi32, #tpu.memory_space<hbm>>
      tpu.enqueue_dma source(%dma_start3A_85 : memref<128xi32, #tpu.memory_space<hbm>>) target(%arg10 : memref<128xi32, #tpu.memory_space<vmem>>) target_semaphore(%run_scoped3A : memref<!tpu.dma_semaphore, #tpu.memory_space<semaphore_mem>>)
      %dma_wait3A_86 = tpu.memref_slice %arg6[%add3A_22] : memref<10240xi32, #tpu.memory_space<hbm>> -> memref<128xi32, #tpu.memory_space<hbm>>
      %dma_wait3A_87 = tpu.memref_slice %arg6[%add3A_22] : memref<10240xi32, #tpu.memory_space<hbm>> -> memref<128xi32, #tpu.memory_space<hbm>>
      tpu.wait_dma2 semaphore(%run_scoped3A : memref<!tpu.dma_semaphore, #tpu.memory_space<semaphore_mem>>) src(%dma_wait3A_87 : memref<128xi32, #tpu.memory_space<hbm>>) dst(%arg10 : memref<128xi32, #tpu.memory_space<vmem>>)
      tpu.yield
    }) : () -> ()
    %mul3A_23 = arith.constant 10240 : i32
    %mul3A_24 = arith.muli %arg0, %mul3A_23 : i32
    %add3A_25 = arith.addi %mul3A_24, %mul3A_2 : i32
    %add3A_26 = arith.constant 0 : i32
    %add3A_27 = arith.addi %add3A_25, %add3A_26 : i32
    %dma_start3A = arith.constant 0 : i32
    %dma_start3A_28 = arith.constant 0 : i32
    %dma_start3A_29 = tpu.memref_slice %arg12[%dma_start3A, %dma_start3A_28] : memref<10240x128xf32, #tpu.memory_space<vmem_shared>> -> memref<10240x128xf32, #tpu.memory_space<vmem_shared>>
    tpu.enqueue_indirect_dma source(%dma_start3A_29 : memref<10240x128xf32, #tpu.memory_space<vmem_shared>>) target(%arg11 : memref<128x128xf32, #tpu.memory_space<vmem>>) offsets(%arg10 : memref<128xi32, #tpu.memory_space<vmem>>) semaphore(%arg13 : memref<!tpu.dma_semaphore, #tpu.memory_space<semaphore_mem>>)
    %dma_wait3A = arith.constant 0 : i32
    %dma_wait3A_30 = arith.constant 0 : i32
    %dma_wait3A_31 = tpu.memref_slice %arg12[%dma_wait3A, %dma_wait3A_30] : memref<10240x128xf32, #tpu.memory_space<vmem_shared>> -> memref<10240x128xf32, #tpu.memory_space<vmem_shared>>
    tpu.wait_indirect_dma semaphore(%arg13 : memref<!tpu.dma_semaphore, #tpu.memory_space<semaphore_mem>>) src(%dma_wait3A_31 : memref<10240x128xf32, #tpu.memory_space<vmem_shared>>) dst(%arg11 : memref<128x128xf32, #tpu.memory_space<vmem>>)
    "tpu.region"() ({
      %run_scoped3A = tpu.sem_alloc : memref<!tpu.dma_semaphore, #tpu.memory_space<semaphore_mem>>
      %dma_start3A_84 = arith.constant 0 : i32
      %dma_start3A_85 = tpu.memref_slice %arg7[%add3A_27, %dma_start3A_84] : memref<20480x128xf32, #tpu.memory_space<hbm>> -> memref<128x128xf32, #tpu.memory_space<hbm>>
      %dma_start3A_86 = arith.constant 0 : i32
      %dma_start3A_87 = tpu.memref_slice %arg7[%add3A_27, %dma_start3A_86] : memref<20480x128xf32, #tpu.memory_space<hbm>> -> memref<128x128xf32, #tpu.memory_space<hbm>>
      tpu.enqueue_dma source(%arg11 : memref<128x128xf32, #tpu.memory_space<vmem>>) target(%dma_start3A_87 : memref<128x128xf32, #tpu.memory_space<hbm>>) target_semaphore(%run_scoped3A : memref<!tpu.dma_semaphore, #tpu.memory_space<semaphore_mem>>)
      %dma_wait3A_88 = arith.constant 0 : i32
      %dma_wait3A_89 = tpu.memref_slice %arg7[%add3A_27, %dma_wait3A_88] : memref<20480x128xf32, #tpu.memory_space<hbm>> -> memref<128x128xf32, #tpu.memory_space<hbm>>
      %dma_wait3A_90 = arith.constant 0 : i32
      %dma_wait3A_91 = tpu.memref_slice %arg7[%add3A_27, %dma_wait3A_90] : memref<20480x128xf32, #tpu.memory_space<hbm>> -> memref<128x128xf32, #tpu.memory_space<hbm>>
      tpu.wait_dma2 semaphore(%run_scoped3A : memref<!tpu.dma_semaphore, #tpu.memory_space<semaphore_mem>>) src(%arg11 : memref<128x128xf32, #tpu.memory_space<vmem>>) dst(%dma_wait3A_91 : memref<128x128xf32, #tpu.memory_space<hbm>>)
      tpu.yield
    }) : () -> ()
    %add3A_32 = arith.constant 128 : i32
    %add3A_33 = arith.addi %mul3A_2, %add3A_32 : i32
    "tpu.region"() ({
      %run_scoped3A = tpu.sem_alloc : memref<!tpu.dma_semaphore, #tpu.memory_space<semaphore_mem>>
      %dma_start3A_84 = tpu.memref_slice %arg6[%add3A_33] : memref<10240xi32, #tpu.memory_space<hbm>> -> memref<128xi32, #tpu.memory_space<hbm>>
      %dma_start3A_85 = tpu.memref_slice %arg6[%add3A_33] : memref<10240xi32, #tpu.memory_space<hbm>> -> memref<128xi32, #tpu.memory_space<hbm>>
      tpu.enqueue_dma source(%dma_start3A_85 : memref<128xi32, #tpu.memory_space<hbm>>) target(%arg10 : memref<128xi32, #tpu.memory_space<vmem>>) target_semaphore(%run_scoped3A : memref<!tpu.dma_semaphore, #tpu.memory_space<semaphore_mem>>)
      %dma_wait3A_86 = tpu.memref_slice %arg6[%add3A_33] : memref<10240xi32, #tpu.memory_space<hbm>> -> memref<128xi32, #tpu.memory_space<hbm>>
      %dma_wait3A_87 = tpu.memref_slice %arg6[%add3A_33] : memref<10240xi32, #tpu.memory_space<hbm>> -> memref<128xi32, #tpu.memory_space<hbm>>
      tpu.wait_dma2 semaphore(%run_scoped3A : memref<!tpu.dma_semaphore, #tpu.memory_space<semaphore_mem>>) src(%dma_wait3A_87 : memref<128xi32, #tpu.memory_space<hbm>>) dst(%arg10 : memref<128xi32, #tpu.memory_space<vmem>>)
      tpu.yield
    }) : () -> ()
    %mul3A_34 = arith.constant 10240 : i32
    %mul3A_35 = arith.muli %arg0, %mul3A_34 : i32
    %add3A_36 = arith.addi %mul3A_35, %mul3A_2 : i32
    %add3A_37 = arith.constant 128 : i32
    %add3A_38 = arith.addi %add3A_36, %add3A_37 : i32
    %dma_start3A_39 = arith.constant 0 : i32
    %dma_start3A_40 = arith.constant 0 : i32
    %dma_start3A_41 = tpu.memref_slice %arg12[%dma_start3A_39, %dma_start3A_40] : memref<10240x128xf32, #tpu.memory_space<vmem_shared>> -> memref<10240x128xf32, #tpu.memory_space<vmem_shared>>
    tpu.enqueue_indirect_dma source(%dma_start3A_41 : memref<10240x128xf32, #tpu.memory_space<vmem_shared>>) target(%arg11 : memref<128x128xf32, #tpu.memory_space<vmem>>) offsets(%arg10 : memref<128xi32, #tpu.memory_space<vmem>>) semaphore(%arg13 : memref<!tpu.dma_semaphore, #tpu.memory_space<semaphore_mem>>)
    %dma_wait3A_42 = arith.constant 0 : i32
    %dma_wait3A_43 = arith.constant 0 : i32
    %dma_wait3A_44 = tpu.memref_slice %arg12[%dma_wait3A_42, %dma_wait3A_43] : memref<10240x128xf32, #tpu.memory_space<vmem_shared>> -> memref<10240x128xf32, #tpu.memory_space<vmem_shared>>
    tpu.wait_indirect_dma semaphore(%arg13 : memref<!tpu.dma_semaphore, #tpu.memory_space<semaphore_mem>>) src(%dma_wait3A_44 : memref<10240x128xf32, #tpu.memory_space<vmem_shared>>) dst(%arg11 : memref<128x128xf32, #tpu.memory_space<vmem>>)
    "tpu.region"() ({
      %run_scoped3A = tpu.sem_alloc : memref<!tpu.dma_semaphore, #tpu.memory_space<semaphore_mem>>
      %dma_start3A_84 = arith.constant 0 : i32
      %dma_start3A_85 = tpu.memref_slice %arg7[%add3A_38, %dma_start3A_84] : memref<20480x128xf32, #tpu.memory_space<hbm>> -> memref<128x128xf32, #tpu.memory_space<hbm>>
      %dma_start3A_86 = arith.constant 0 : i32
      %dma_start3A_87 = tpu.memref_slice %arg7[%add3A_38, %dma_start3A_86] : memref<20480x128xf32, #tpu.memory_space<hbm>> -> memref<128x128xf32, #tpu.memory_space<hbm>>
      tpu.enqueue_dma source(%arg11 : memref<128x128xf32, #tpu.memory_space<vmem>>) target(%dma_start3A_87 : memref<128x128xf32, #tpu.memory_space<hbm>>) target_semaphore(%run_scoped3A : memref<!tpu.dma_semaphore, #tpu.memory_space<semaphore_mem>>)
      %dma_wait3A_88 = arith.constant 0 : i32
      %dma_wait3A_89 = tpu.memref_slice %arg7[%add3A_38, %dma_wait3A_88] : memref<20480x128xf32, #tpu.memory_space<hbm>> -> memref<128x128xf32, #tpu.memory_space<hbm>>
      %dma_wait3A_90 = arith.constant 0 : i32
      %dma_wait3A_91 = tpu.memref_slice %arg7[%add3A_38, %dma_wait3A_90] : memref<20480x128xf32, #tpu.memory_space<hbm>> -> memref<128x128xf32, #tpu.memory_space<hbm>>
      tpu.wait_dma2 semaphore(%run_scoped3A : memref<!tpu.dma_semaphore, #tpu.memory_space<semaphore_mem>>) src(%arg11 : memref<128x128xf32, #tpu.memory_space<vmem>>) dst(%dma_wait3A_91 : memref<128x128xf32, #tpu.memory_space<hbm>>)
      tpu.yield
    }) : () -> ()
    %add3A_45 = arith.constant 256 : i32
    %add3A_46 = arith.addi %mul3A_2, %add3A_45 : i32
    "tpu.region"() ({
      %run_scoped3A = tpu.sem_alloc : memref<!tpu.dma_semaphore, #tpu.memory_space<semaphore_mem>>
      %dma_start3A_84 = tpu.memref_slice %arg6[%add3A_46] : memref<10240xi32, #tpu.memory_space<hbm>> -> memref<128xi32, #tpu.memory_space<hbm>>
      %dma_start3A_85 = tpu.memref_slice %arg6[%add3A_46] : memref<10240xi32, #tpu.memory_space<hbm>> -> memref<128xi32, #tpu.memory_space<hbm>>
      tpu.enqueue_dma source(%dma_start3A_85 : memref<128xi32, #tpu.memory_space<hbm>>) target(%arg10 : memref<128xi32, #tpu.memory_space<vmem>>) target_semaphore(%run_scoped3A : memref<!tpu.dma_semaphore, #tpu.memory_space<semaphore_mem>>)
      %dma_wait3A_86 = tpu.memref_slice %arg6[%add3A_46] : memref<10240xi32, #tpu.memory_space<hbm>> -> memref<128xi32, #tpu.memory_space<hbm>>
      %dma_wait3A_87 = tpu.memref_slice %arg6[%add3A_46] : memref<10240xi32, #tpu.memory_space<hbm>> -> memref<128xi32, #tpu.memory_space<hbm>>
      tpu.wait_dma2 semaphore(%run_scoped3A : memref<!tpu.dma_semaphore, #tpu.memory_space<semaphore_mem>>) src(%dma_wait3A_87 : memref<128xi32, #tpu.memory_space<hbm>>) dst(%arg10 : memref<128xi32, #tpu.memory_space<vmem>>)
      tpu.yield
    }) : () -> ()
    %mul3A_47 = arith.constant 10240 : i32
    %mul3A_48 = arith.muli %arg0, %mul3A_47 : i32
    %add3A_49 = arith.addi %mul3A_48, %mul3A_2 : i32
    %add3A_50 = arith.constant 256 : i32
    %add3A_51 = arith.addi %add3A_49, %add3A_50 : i32
    %dma_start3A_52 = arith.constant 0 : i32
    %dma_start3A_53 = arith.constant 0 : i32
    %dma_start3A_54 = tpu.memref_slice %arg12[%dma_start3A_52, %dma_start3A_53] : memref<10240x128xf32, #tpu.memory_space<vmem_shared>> -> memref<10240x128xf32, #tpu.memory_space<vmem_shared>>
    tpu.enqueue_indirect_dma source(%dma_start3A_54 : memref<10240x128xf32, #tpu.memory_space<vmem_shared>>) target(%arg11 : memref<128x128xf32, #tpu.memory_space<vmem>>) offsets(%arg10 : memref<128xi32, #tpu.memory_space<vmem>>) semaphore(%arg13 : memref<!tpu.dma_semaphore, #tpu.memory_space<semaphore_mem>>)
    %dma_wait3A_55 = arith.constant 0 : i32
    %dma_wait3A_56 = arith.constant 0 : i32
    %dma_wait3A_57 = tpu.memref_slice %arg12[%dma_wait3A_55, %dma_wait3A_56] : memref<10240x128xf32, #tpu.memory_space<vmem_shared>> -> memref<10240x128xf32, #tpu.memory_space<vmem_shared>>
    tpu.wait_indirect_dma semaphore(%arg13 : memref<!tpu.dma_semaphore, #tpu.memory_space<semaphore_mem>>) src(%dma_wait3A_57 : memref<10240x128xf32, #tpu.memory_space<vmem_shared>>) dst(%arg11 : memref<128x128xf32, #tpu.memory_space<vmem>>)
    "tpu.region"() ({
      %run_scoped3A = tpu.sem_alloc : memref<!tpu.dma_semaphore, #tpu.memory_space<semaphore_mem>>
      %dma_start3A_84 = arith.constant 0 : i32
      %dma_start3A_85 = tpu.memref_slice %arg7[%add3A_51, %dma_start3A_84] : memref<20480x128xf32, #tpu.memory_space<hbm>> -> memref<128x128xf32, #tpu.memory_space<hbm>>
      %dma_start3A_86 = arith.constant 0 : i32
      %dma_start3A_87 = tpu.memref_slice %arg7[%add3A_51, %dma_start3A_86] : memref<20480x128xf32, #tpu.memory_space<hbm>> -> memref<128x128xf32, #tpu.memory_space<hbm>>
      tpu.enqueue_dma source(%arg11 : memref<128x128xf32, #tpu.memory_space<vmem>>) target(%dma_start3A_87 : memref<128x128xf32, #tpu.memory_space<hbm>>) target_semaphore(%run_scoped3A : memref<!tpu.dma_semaphore, #tpu.memory_space<semaphore_mem>>)
      %dma_wait3A_88 = arith.constant 0 : i32
      %dma_wait3A_89 = tpu.memref_slice %arg7[%add3A_51, %dma_wait3A_88] : memref<20480x128xf32, #tpu.memory_space<hbm>> -> memref<128x128xf32, #tpu.memory_space<hbm>>
      %dma_wait3A_90 = arith.constant 0 : i32
      %dma_wait3A_91 = tpu.memref_slice %arg7[%add3A_51, %dma_wait3A_90] : memref<20480x128xf32, #tpu.memory_space<hbm>> -> memref<128x128xf32, #tpu.memory_space<hbm>>
      tpu.wait_dma2 semaphore(%run_scoped3A : memref<!tpu.dma_semaphore, #tpu.memory_space<semaphore_mem>>) src(%arg11 : memref<128x128xf32, #tpu.memory_space<vmem>>) dst(%dma_wait3A_91 : memref<128x128xf32, #tpu.memory_space<hbm>>)
      tpu.yield
    }) : () -> ()
    %add3A_58 = arith.constant 384 : i32
    %add3A_59 = arith.addi %mul3A_2, %add3A_58 : i32
    "tpu.region"() ({
      %run_scoped3A = tpu.sem_alloc : memref<!tpu.dma_semaphore, #tpu.memory_space<semaphore_mem>>
      %dma_start3A_84 = tpu.memref_slice %arg6[%add3A_59] : memref<10240xi32, #tpu.memory_space<hbm>> -> memref<128xi32, #tpu.memory_space<hbm>>
      %dma_start3A_85 = tpu.memref_slice %arg6[%add3A_59] : memref<10240xi32, #tpu.memory_space<hbm>> -> memref<128xi32, #tpu.memory_space<hbm>>
      tpu.enqueue_dma source(%dma_start3A_85 : memref<128xi32, #tpu.memory_space<hbm>>) target(%arg10 : memref<128xi32, #tpu.memory_space<vmem>>) target_semaphore(%run_scoped3A : memref<!tpu.dma_semaphore, #tpu.memory_space<semaphore_mem>>)
      %dma_wait3A_86 = tpu.memref_slice %arg6[%add3A_59] : memref<10240xi32, #tpu.memory_space<hbm>> -> memref<128xi32, #tpu.memory_space<hbm>>
      %dma_wait3A_87 = tpu.memref_slice %arg6[%add3A_59] : memref<10240xi32, #tpu.memory_space<hbm>> -> memref<128xi32, #tpu.memory_space<hbm>>
      tpu.wait_dma2 semaphore(%run_scoped3A : memref<!tpu.dma_semaphore, #tpu.memory_space<semaphore_mem>>) src(%dma_wait3A_87 : memref<128xi32, #tpu.memory_space<hbm>>) dst(%arg10 : memref<128xi32, #tpu.memory_space<vmem>>)
      tpu.yield
    }) : () -> ()
    %mul3A_60 = arith.constant 10240 : i32
    %mul3A_61 = arith.muli %arg0, %mul3A_60 : i32
    %add3A_62 = arith.addi %mul3A_61, %mul3A_2 : i32
    %add3A_63 = arith.constant 384 : i32
    %add3A_64 = arith.addi %add3A_62, %add3A_63 : i32
    %dma_start3A_65 = arith.constant 0 : i32
    %dma_start3A_66 = arith.constant 0 : i32
    %dma_start3A_67 = tpu.memref_slice %arg12[%dma_start3A_65, %dma_start3A_66] : memref<10240x128xf32, #tpu.memory_space<vmem_shared>> -> memref<10240x128xf32, #tpu.memory_space<vmem_shared>>
    tpu.enqueue_indirect_dma source(%dma_start3A_67 : memref<10240x128xf32, #tpu.memory_space<vmem_shared>>) target(%arg11 : memref<128x128xf32, #tpu.memory_space<vmem>>) offsets(%arg10 : memref<128xi32, #tpu.memory_space<vmem>>) semaphore(%arg13 : memref<!tpu.dma_semaphore, #tpu.memory_space<semaphore_mem>>)
    %dma_wait3A_68 = arith.constant 0 : i32
    %dma_wait3A_69 = arith.constant 0 : i32
    %dma_wait3A_70 = tpu.memref_slice %arg12[%dma_wait3A_68, %dma_wait3A_69] : memref<10240x128xf32, #tpu.memory_space<vmem_shared>> -> memref<10240x128xf32, #tpu.memory_space<vmem_shared>>
    tpu.wait_indirect_dma semaphore(%arg13 : memref<!tpu.dma_semaphore, #tpu.memory_space<semaphore_mem>>) src(%dma_wait3A_70 : memref<10240x128xf32, #tpu.memory_space<vmem_shared>>) dst(%arg11 : memref<128x128xf32, #tpu.memory_space<vmem>>)
    "tpu.region"() ({
      %run_scoped3A = tpu.sem_alloc : memref<!tpu.dma_semaphore, #tpu.memory_space<semaphore_mem>>
      %dma_start3A_84 = arith.constant 0 : i32
      %dma_start3A_85 = tpu.memref_slice %arg7[%add3A_64, %dma_start3A_84] : memref<20480x128xf32, #tpu.memory_space<hbm>> -> memref<128x128xf32, #tpu.memory_space<hbm>>
      %dma_start3A_86 = arith.constant 0 : i32
      %dma_start3A_87 = tpu.memref_slice %arg7[%add3A_64, %dma_start3A_86] : memref<20480x128xf32, #tpu.memory_space<hbm>> -> memref<128x128xf32, #tpu.memory_space<hbm>>
      tpu.enqueue_dma source(%arg11 : memref<128x128xf32, #tpu.memory_space<vmem>>) target(%dma_start3A_87 : memref<128x128xf32, #tpu.memory_space<hbm>>) target_semaphore(%run_scoped3A : memref<!tpu.dma_semaphore, #tpu.memory_space<semaphore_mem>>)
      %dma_wait3A_88 = arith.constant 0 : i32
      %dma_wait3A_89 = tpu.memref_slice %arg7[%add3A_64, %dma_wait3A_88] : memref<20480x128xf32, #tpu.memory_space<hbm>> -> memref<128x128xf32, #tpu.memory_space<hbm>>
      %dma_wait3A_90 = arith.constant 0 : i32
      %dma_wait3A_91 = tpu.memref_slice %arg7[%add3A_64, %dma_wait3A_90] : memref<20480x128xf32, #tpu.memory_space<hbm>> -> memref<128x128xf32, #tpu.memory_space<hbm>>
      tpu.wait_dma2 semaphore(%run_scoped3A : memref<!tpu.dma_semaphore, #tpu.memory_space<semaphore_mem>>) src(%arg11 : memref<128x128xf32, #tpu.memory_space<vmem>>) dst(%dma_wait3A_91 : memref<128x128xf32, #tpu.memory_space<hbm>>)
      tpu.yield
    }) : () -> ()
    %add3A_71 = arith.constant 512 : i32
    %add3A_72 = arith.addi %mul3A_2, %add3A_71 : i32
    "tpu.region"() ({
      %run_scoped3A = tpu.sem_alloc : memref<!tpu.dma_semaphore, #tpu.memory_space<semaphore_mem>>
      %dma_start3A_84 = tpu.memref_slice %arg6[%add3A_72] : memref<10240xi32, #tpu.memory_space<hbm>> -> memref<128xi32, #tpu.memory_space<hbm>>
      %dma_start3A_85 = tpu.memref_slice %arg6[%add3A_72] : memref<10240xi32, #tpu.memory_space<hbm>> -> memref<128xi32, #tpu.memory_space<hbm>>
      tpu.enqueue_dma source(%dma_start3A_85 : memref<128xi32, #tpu.memory_space<hbm>>) target(%arg10 : memref<128xi32, #tpu.memory_space<vmem>>) target_semaphore(%run_scoped3A : memref<!tpu.dma_semaphore, #tpu.memory_space<semaphore_mem>>)
      %dma_wait3A_86 = tpu.memref_slice %arg6[%add3A_72] : memref<10240xi32, #tpu.memory_space<hbm>> -> memref<128xi32, #tpu.memory_space<hbm>>
      %dma_wait3A_87 = tpu.memref_slice %arg6[%add3A_72] : memref<10240xi32, #tpu.memory_space<hbm>> -> memref<128xi32, #tpu.memory_space<hbm>>
      tpu.wait_dma2 semaphore(%run_scoped3A : memref<!tpu.dma_semaphore, #tpu.memory_space<semaphore_mem>>) src(%dma_wait3A_87 : memref<128xi32, #tpu.memory_space<hbm>>) dst(%arg10 : memref<128xi32, #tpu.memory_space<vmem>>)
      tpu.yield
    }) : () -> ()
    %mul3A_73 = arith.constant 10240 : i32
    %mul3A_74 = arith.muli %arg0, %mul3A_73 : i32
    %add3A_75 = arith.addi %mul3A_74, %mul3A_2 : i32
    %add3A_76 = arith.constant 512 : i32
    %add3A_77 = arith.addi %add3A_75, %add3A_76 : i32
    %dma_start3A_78 = arith.constant 0 : i32
    %dma_start3A_79 = arith.constant 0 : i32
    %dma_start3A_80 = tpu.memref_slice %arg12[%dma_start3A_78, %dma_start3A_79] : memref<10240x128xf32, #tpu.memory_space<vmem_shared>> -> memref<10240x128xf32, #tpu.memory_space<vmem_shared>>
    tpu.enqueue_indirect_dma source(%dma_start3A_80 : memref<10240x128xf32, #tpu.memory_space<vmem_shared>>) target(%arg11 : memref<128x128xf32, #tpu.memory_space<vmem>>) offsets(%arg10 : memref<128xi32, #tpu.memory_space<vmem>>) semaphore(%arg13 : memref<!tpu.dma_semaphore, #tpu.memory_space<semaphore_mem>>)
    %dma_wait3A_81 = arith.constant 0 : i32
    %dma_wait3A_82 = arith.constant 0 : i32
    %dma_wait3A_83 = tpu.memref_slice %arg12[%dma_wait3A_81, %dma_wait3A_82] : memref<10240x128xf32, #tpu.memory_space<vmem_shared>> -> memref<10240x128xf32, #tpu.memory_space<vmem_shared>>
    tpu.wait_indirect_dma semaphore(%arg13 : memref<!tpu.dma_semaphore, #tpu.memory_space<semaphore_mem>>) src(%dma_wait3A_83 : memref<10240x128xf32, #tpu.memory_space<vmem_shared>>) dst(%arg11 : memref<128x128xf32, #tpu.memory_space<vmem>>)
    "tpu.region"() ({
      %run_scoped3A = tpu.sem_alloc : memref<!tpu.dma_semaphore, #tpu.memory_space<semaphore_mem>>
      %dma_start3A_84 = arith.constant 0 : i32
      %dma_start3A_85 = tpu.memref_slice %arg7[%add3A_77, %dma_start3A_84] : memref<20480x128xf32, #tpu.memory_space<hbm>> -> memref<128x128xf32, #tpu.memory_space<hbm>>
      %dma_start3A_86 = arith.constant 0 : i32
      %dma_start3A_87 = tpu.memref_slice %arg7[%add3A_77, %dma_start3A_86] : memref<20480x128xf32, #tpu.memory_space<hbm>> -> memref<128x128xf32, #tpu.memory_space<hbm>>
      tpu.enqueue_dma source(%arg11 : memref<128x128xf32, #tpu.memory_space<vmem>>) target(%dma_start3A_87 : memref<128x128xf32, #tpu.memory_space<hbm>>) target_semaphore(%run_scoped3A : memref<!tpu.dma_semaphore, #tpu.memory_space<semaphore_mem>>)
      %dma_wait3A_88 = arith.constant 0 : i32
      %dma_wait3A_89 = tpu.memref_slice %arg7[%add3A_77, %dma_wait3A_88] : memref<20480x128xf32, #tpu.memory_space<hbm>> -> memref<128x128xf32, #tpu.memory_space<hbm>>
      %dma_wait3A_90 = arith.constant 0 : i32
      %dma_wait3A_91 = tpu.memref_slice %arg7[%add3A_77, %dma_wait3A_90] : memref<20480x128xf32, #tpu.memory_space<hbm>> -> memref<128x128xf32, #tpu.memory_space<hbm>>
      tpu.wait_dma2 semaphore(%run_scoped3A : memref<!tpu.dma_semaphore, #tpu.memory_space<semaphore_mem>>) src(%arg11 : memref<128x128xf32, #tpu.memory_space<vmem>>) dst(%dma_wait3A_91 : memref<128x128xf32, #tpu.memory_space<hbm>>)
      tpu.yield
    }) : () -> ()
    return
  }
}

#map = affine_map<(d0, d1) -> (0)>
#map1 = affine_map<(d0, d1) -> (0, 0)>
module attributes {stable_mosaic.version = 14 : i64} {
  func.func @_sc_degree_body(%arg0: i32, %arg1: i32, %arg2: memref<327680xi32, #tpu.memory_space<hbm>>, %arg3: memref<128x128xf32, #tpu.memory_space<hbm>>, %arg4: memref<10240x128xf32, #tpu.memory_space<hbm>>, %arg5: memref<10240xi32, #tpu.memory_space<hbm>>, %arg6: memref<20480x128xf32, #tpu.memory_space<hbm>>, %arg7: memref<128xi32, #tpu.memory_space<vmem>>, %arg8: memref<128xi32, #tpu.memory_space<vmem>>, %arg9: memref<128x128xf32, #tpu.memory_space<vmem>>, %arg10: memref<10240x128xf32, #tpu.memory_space<vmem_shared>>, %arg11: memref<!tpu.dma_semaphore, #tpu.memory_space<semaphore_mem>>) attributes {dimension_semantics = [#tpu.dimension_semantics<core_parallel>, #tpu.dimension_semantics<subcore_parallel>], iteration_bounds = array<i64: 2, 16>, scalar_prefetch = 0 : i64, scratch_operands = 5 : i64, tpu.core_type = #tpu.core_type<sc_vector_subcore>, window_params = [{transform_indices = #map}, {transform_indices = #map1}, {transform_indices = #map1}, {transform_indices = #map}, {transform_indices = #map1}]} {
    %mul3A = arith.constant 16 : i32
    %mul3A_0 = arith.muli %arg0, %mul3A : i32
    %add3A = arith.addi %mul3A_0, %arg1 : i32
    %mul3A_1 = arith.constant 640 : i32
    %mul3A_2 = arith.muli %arg1, %mul3A_1 : i32
    "tpu.region"() ({
      %run_scoped3A = tpu.sem_alloc : memref<!tpu.dma_semaphore, #tpu.memory_space<semaphore_mem>>
      %dma_start3A_84 = arith.constant 0 : i32
      %dma_start3A_85 = arith.constant 0 : i32
      %dma_start3A_86 = tpu.memref_slice %arg4[%dma_start3A_84, %dma_start3A_85] : memref<10240x128xf32, #tpu.memory_space<hbm>> -> memref<128x128xf32, #tpu.memory_space<hbm>>
      %dma_start3A_87 = arith.constant 0 : i32
      %dma_start3A_88 = arith.constant 0 : i32
      %dma_start3A_89 = tpu.memref_slice %arg4[%dma_start3A_87, %dma_start3A_88] : memref<10240x128xf32, #tpu.memory_space<hbm>> -> memref<128x128xf32, #tpu.memory_space<hbm>>
      tpu.enqueue_dma source(%dma_start3A_89 : memref<128x128xf32, #tpu.memory_space<hbm>>) target(%arg9 : memref<128x128xf32, #tpu.memory_space<vmem>>) target_semaphore(%run_scoped3A : memref<!tpu.dma_semaphore, #tpu.memory_space<semaphore_mem>>)
      %dma_wait3A_90 = arith.constant 0 : i32
      %dma_wait3A_91 = arith.constant 0 : i32
      %dma_wait3A_92 = tpu.memref_slice %arg4[%dma_wait3A_90, %dma_wait3A_91] : memref<10240x128xf32, #tpu.memory_space<hbm>> -> memref<128x128xf32, #tpu.memory_space<hbm>>
      %dma_wait3A_93 = arith.constant 0 : i32
      %dma_wait3A_94 = arith.constant 0 : i32
      %dma_wait3A_95 = tpu.memref_slice %arg4[%dma_wait3A_93, %dma_wait3A_94] : memref<10240x128xf32, #tpu.memory_space<hbm>> -> memref<128x128xf32, #tpu.memory_space<hbm>>
      tpu.wait_dma2 semaphore(%run_scoped3A : memref<!tpu.dma_semaphore, #tpu.memory_space<semaphore_mem>>) src(%dma_wait3A_95 : memref<128x128xf32, #tpu.memory_space<hbm>>) dst(%arg9 : memref<128x128xf32, #tpu.memory_space<vmem>>)
      tpu.yield
    }) : () -> ()
    %add3A_3 = arith.constant 0 : i32
    %add3A_4 = arith.addi %mul3A_2, %add3A_3 : i32
    "tpu.region"() ({
      %run_scoped3A = tpu.sem_alloc : memref<!tpu.dma_semaphore, #tpu.memory_space<semaphore_mem>>
      %dma_start3A_84 = tpu.memref_slice %arg5[%add3A_4] : memref<10240xi32, #tpu.memory_space<hbm>> -> memref<128xi32, #tpu.memory_space<hbm>>
      %dma_start3A_85 = tpu.memref_slice %arg5[%add3A_4] : memref<10240xi32, #tpu.memory_space<hbm>> -> memref<128xi32, #tpu.memory_space<hbm>>
      tpu.enqueue_dma source(%dma_start3A_85 : memref<128xi32, #tpu.memory_space<hbm>>) target(%arg8 : memref<128xi32, #tpu.memory_space<vmem>>) target_semaphore(%run_scoped3A : memref<!tpu.dma_semaphore, #tpu.memory_space<semaphore_mem>>)
      %dma_wait3A_86 = tpu.memref_slice %arg5[%add3A_4] : memref<10240xi32, #tpu.memory_space<hbm>> -> memref<128xi32, #tpu.memory_space<hbm>>
      %dma_wait3A_87 = tpu.memref_slice %arg5[%add3A_4] : memref<10240xi32, #tpu.memory_space<hbm>> -> memref<128xi32, #tpu.memory_space<hbm>>
      tpu.wait_dma2 semaphore(%run_scoped3A : memref<!tpu.dma_semaphore, #tpu.memory_space<semaphore_mem>>) src(%dma_wait3A_87 : memref<128xi32, #tpu.memory_space<hbm>>) dst(%arg8 : memref<128xi32, #tpu.memory_space<vmem>>)
      tpu.yield
    }) : () -> ()
    "tpu.region"() ({
      %run_scoped3A = tpu.sem_alloc : memref<!tpu.dma_semaphore, #tpu.memory_space<semaphore_mem>>
      %dma_start3A_84 = arith.constant 0 : i32
      %dma_start3A_85 = arith.constant 0 : i32
      %dma_start3A_86 = tpu.memref_slice %arg10[%dma_start3A_84, %dma_start3A_85] : memref<10240x128xf32, #tpu.memory_space<vmem_shared>> -> memref<10240x128xf32, #tpu.memory_space<vmem_shared>>
      tpu.enqueue_indirect_dma source(%arg9 : memref<128x128xf32, #tpu.memory_space<vmem>>) target(%dma_start3A_86 : memref<10240x128xf32, #tpu.memory_space<vmem_shared>>) offsets(%arg8 : memref<128xi32, #tpu.memory_space<vmem>>) semaphore(%run_scoped3A : memref<!tpu.dma_semaphore, #tpu.memory_space<semaphore_mem>>)
      %dma_wait3A_87 = arith.constant 0 : i32
      %dma_wait3A_88 = arith.constant 0 : i32
      %dma_wait3A_89 = tpu.memref_slice %arg10[%dma_wait3A_87, %dma_wait3A_88] : memref<10240x128xf32, #tpu.memory_space<vmem_shared>> -> memref<10240x128xf32, #tpu.memory_space<vmem_shared>>
      tpu.wait_indirect_dma semaphore(%run_scoped3A : memref<!tpu.dma_semaphore, #tpu.memory_space<semaphore_mem>>) src(%arg9 : memref<128x128xf32, #tpu.memory_space<vmem>>) dst(%dma_wait3A_89 : memref<10240x128xf32, #tpu.memory_space<vmem_shared>>)
      tpu.yield
    }) : () -> ()
    %add3A_5 = arith.constant 128 : i32
    %add3A_6 = arith.addi %mul3A_2, %add3A_5 : i32
    "tpu.region"() ({
      %run_scoped3A = tpu.sem_alloc : memref<!tpu.dma_semaphore, #tpu.memory_space<semaphore_mem>>
      %dma_start3A_84 = tpu.memref_slice %arg5[%add3A_6] : memref<10240xi32, #tpu.memory_space<hbm>> -> memref<128xi32, #tpu.memory_space<hbm>>
      %dma_start3A_85 = tpu.memref_slice %arg5[%add3A_6] : memref<10240xi32, #tpu.memory_space<hbm>> -> memref<128xi32, #tpu.memory_space<hbm>>
      tpu.enqueue_dma source(%dma_start3A_85 : memref<128xi32, #tpu.memory_space<hbm>>) target(%arg8 : memref<128xi32, #tpu.memory_space<vmem>>) target_semaphore(%run_scoped3A : memref<!tpu.dma_semaphore, #tpu.memory_space<semaphore_mem>>)
      %dma_wait3A_86 = tpu.memref_slice %arg5[%add3A_6] : memref<10240xi32, #tpu.memory_space<hbm>> -> memref<128xi32, #tpu.memory_space<hbm>>
      %dma_wait3A_87 = tpu.memref_slice %arg5[%add3A_6] : memref<10240xi32, #tpu.memory_space<hbm>> -> memref<128xi32, #tpu.memory_space<hbm>>
      tpu.wait_dma2 semaphore(%run_scoped3A : memref<!tpu.dma_semaphore, #tpu.memory_space<semaphore_mem>>) src(%dma_wait3A_87 : memref<128xi32, #tpu.memory_space<hbm>>) dst(%arg8 : memref<128xi32, #tpu.memory_space<vmem>>)
      tpu.yield
    }) : () -> ()
    "tpu.region"() ({
      %run_scoped3A = tpu.sem_alloc : memref<!tpu.dma_semaphore, #tpu.memory_space<semaphore_mem>>
      %dma_start3A_84 = arith.constant 0 : i32
      %dma_start3A_85 = arith.constant 0 : i32
      %dma_start3A_86 = tpu.memref_slice %arg10[%dma_start3A_84, %dma_start3A_85] : memref<10240x128xf32, #tpu.memory_space<vmem_shared>> -> memref<10240x128xf32, #tpu.memory_space<vmem_shared>>
      tpu.enqueue_indirect_dma source(%arg9 : memref<128x128xf32, #tpu.memory_space<vmem>>) target(%dma_start3A_86 : memref<10240x128xf32, #tpu.memory_space<vmem_shared>>) offsets(%arg8 : memref<128xi32, #tpu.memory_space<vmem>>) semaphore(%run_scoped3A : memref<!tpu.dma_semaphore, #tpu.memory_space<semaphore_mem>>)
      %dma_wait3A_87 = arith.constant 0 : i32
      %dma_wait3A_88 = arith.constant 0 : i32
      %dma_wait3A_89 = tpu.memref_slice %arg10[%dma_wait3A_87, %dma_wait3A_88] : memref<10240x128xf32, #tpu.memory_space<vmem_shared>> -> memref<10240x128xf32, #tpu.memory_space<vmem_shared>>
      tpu.wait_indirect_dma semaphore(%run_scoped3A : memref<!tpu.dma_semaphore, #tpu.memory_space<semaphore_mem>>) src(%arg9 : memref<128x128xf32, #tpu.memory_space<vmem>>) dst(%dma_wait3A_89 : memref<10240x128xf32, #tpu.memory_space<vmem_shared>>)
      tpu.yield
    }) : () -> ()
    %add3A_7 = arith.constant 256 : i32
    %add3A_8 = arith.addi %mul3A_2, %add3A_7 : i32
    "tpu.region"() ({
      %run_scoped3A = tpu.sem_alloc : memref<!tpu.dma_semaphore, #tpu.memory_space<semaphore_mem>>
      %dma_start3A_84 = tpu.memref_slice %arg5[%add3A_8] : memref<10240xi32, #tpu.memory_space<hbm>> -> memref<128xi32, #tpu.memory_space<hbm>>
      %dma_start3A_85 = tpu.memref_slice %arg5[%add3A_8] : memref<10240xi32, #tpu.memory_space<hbm>> -> memref<128xi32, #tpu.memory_space<hbm>>
      tpu.enqueue_dma source(%dma_start3A_85 : memref<128xi32, #tpu.memory_space<hbm>>) target(%arg8 : memref<128xi32, #tpu.memory_space<vmem>>) target_semaphore(%run_scoped3A : memref<!tpu.dma_semaphore, #tpu.memory_space<semaphore_mem>>)
      %dma_wait3A_86 = tpu.memref_slice %arg5[%add3A_8] : memref<10240xi32, #tpu.memory_space<hbm>> -> memref<128xi32, #tpu.memory_space<hbm>>
      %dma_wait3A_87 = tpu.memref_slice %arg5[%add3A_8] : memref<10240xi32, #tpu.memory_space<hbm>> -> memref<128xi32, #tpu.memory_space<hbm>>
      tpu.wait_dma2 semaphore(%run_scoped3A : memref<!tpu.dma_semaphore, #tpu.memory_space<semaphore_mem>>) src(%dma_wait3A_87 : memref<128xi32, #tpu.memory_space<hbm>>) dst(%arg8 : memref<128xi32, #tpu.memory_space<vmem>>)
      tpu.yield
    }) : () -> ()
    "tpu.region"() ({
      %run_scoped3A = tpu.sem_alloc : memref<!tpu.dma_semaphore, #tpu.memory_space<semaphore_mem>>
      %dma_start3A_84 = arith.constant 0 : i32
      %dma_start3A_85 = arith.constant 0 : i32
      %dma_start3A_86 = tpu.memref_slice %arg10[%dma_start3A_84, %dma_start3A_85] : memref<10240x128xf32, #tpu.memory_space<vmem_shared>> -> memref<10240x128xf32, #tpu.memory_space<vmem_shared>>
      tpu.enqueue_indirect_dma source(%arg9 : memref<128x128xf32, #tpu.memory_space<vmem>>) target(%dma_start3A_86 : memref<10240x128xf32, #tpu.memory_space<vmem_shared>>) offsets(%arg8 : memref<128xi32, #tpu.memory_space<vmem>>) semaphore(%run_scoped3A : memref<!tpu.dma_semaphore, #tpu.memory_space<semaphore_mem>>)
      %dma_wait3A_87 = arith.constant 0 : i32
      %dma_wait3A_88 = arith.constant 0 : i32
      %dma_wait3A_89 = tpu.memref_slice %arg10[%dma_wait3A_87, %dma_wait3A_88] : memref<10240x128xf32, #tpu.memory_space<vmem_shared>> -> memref<10240x128xf32, #tpu.memory_space<vmem_shared>>
      tpu.wait_indirect_dma semaphore(%run_scoped3A : memref<!tpu.dma_semaphore, #tpu.memory_space<semaphore_mem>>) src(%arg9 : memref<128x128xf32, #tpu.memory_space<vmem>>) dst(%dma_wait3A_89 : memref<10240x128xf32, #tpu.memory_space<vmem_shared>>)
      tpu.yield
    }) : () -> ()
    %add3A_9 = arith.constant 384 : i32
    %add3A_10 = arith.addi %mul3A_2, %add3A_9 : i32
    "tpu.region"() ({
      %run_scoped3A = tpu.sem_alloc : memref<!tpu.dma_semaphore, #tpu.memory_space<semaphore_mem>>
      %dma_start3A_84 = tpu.memref_slice %arg5[%add3A_10] : memref<10240xi32, #tpu.memory_space<hbm>> -> memref<128xi32, #tpu.memory_space<hbm>>
      %dma_start3A_85 = tpu.memref_slice %arg5[%add3A_10] : memref<10240xi32, #tpu.memory_space<hbm>> -> memref<128xi32, #tpu.memory_space<hbm>>
      tpu.enqueue_dma source(%dma_start3A_85 : memref<128xi32, #tpu.memory_space<hbm>>) target(%arg8 : memref<128xi32, #tpu.memory_space<vmem>>) target_semaphore(%run_scoped3A : memref<!tpu.dma_semaphore, #tpu.memory_space<semaphore_mem>>)
      %dma_wait3A_86 = tpu.memref_slice %arg5[%add3A_10] : memref<10240xi32, #tpu.memory_space<hbm>> -> memref<128xi32, #tpu.memory_space<hbm>>
      %dma_wait3A_87 = tpu.memref_slice %arg5[%add3A_10] : memref<10240xi32, #tpu.memory_space<hbm>> -> memref<128xi32, #tpu.memory_space<hbm>>
      tpu.wait_dma2 semaphore(%run_scoped3A : memref<!tpu.dma_semaphore, #tpu.memory_space<semaphore_mem>>) src(%dma_wait3A_87 : memref<128xi32, #tpu.memory_space<hbm>>) dst(%arg8 : memref<128xi32, #tpu.memory_space<vmem>>)
      tpu.yield
    }) : () -> ()
    "tpu.region"() ({
      %run_scoped3A = tpu.sem_alloc : memref<!tpu.dma_semaphore, #tpu.memory_space<semaphore_mem>>
      %dma_start3A_84 = arith.constant 0 : i32
      %dma_start3A_85 = arith.constant 0 : i32
      %dma_start3A_86 = tpu.memref_slice %arg10[%dma_start3A_84, %dma_start3A_85] : memref<10240x128xf32, #tpu.memory_space<vmem_shared>> -> memref<10240x128xf32, #tpu.memory_space<vmem_shared>>
      tpu.enqueue_indirect_dma source(%arg9 : memref<128x128xf32, #tpu.memory_space<vmem>>) target(%dma_start3A_86 : memref<10240x128xf32, #tpu.memory_space<vmem_shared>>) offsets(%arg8 : memref<128xi32, #tpu.memory_space<vmem>>) semaphore(%run_scoped3A : memref<!tpu.dma_semaphore, #tpu.memory_space<semaphore_mem>>)
      %dma_wait3A_87 = arith.constant 0 : i32
      %dma_wait3A_88 = arith.constant 0 : i32
      %dma_wait3A_89 = tpu.memref_slice %arg10[%dma_wait3A_87, %dma_wait3A_88] : memref<10240x128xf32, #tpu.memory_space<vmem_shared>> -> memref<10240x128xf32, #tpu.memory_space<vmem_shared>>
      tpu.wait_indirect_dma semaphore(%run_scoped3A : memref<!tpu.dma_semaphore, #tpu.memory_space<semaphore_mem>>) src(%arg9 : memref<128x128xf32, #tpu.memory_space<vmem>>) dst(%dma_wait3A_89 : memref<10240x128xf32, #tpu.memory_space<vmem_shared>>)
      tpu.yield
    }) : () -> ()
    %add3A_11 = arith.constant 512 : i32
    %add3A_12 = arith.addi %mul3A_2, %add3A_11 : i32
    "tpu.region"() ({
      %run_scoped3A = tpu.sem_alloc : memref<!tpu.dma_semaphore, #tpu.memory_space<semaphore_mem>>
      %dma_start3A_84 = tpu.memref_slice %arg5[%add3A_12] : memref<10240xi32, #tpu.memory_space<hbm>> -> memref<128xi32, #tpu.memory_space<hbm>>
      %dma_start3A_85 = tpu.memref_slice %arg5[%add3A_12] : memref<10240xi32, #tpu.memory_space<hbm>> -> memref<128xi32, #tpu.memory_space<hbm>>
      tpu.enqueue_dma source(%dma_start3A_85 : memref<128xi32, #tpu.memory_space<hbm>>) target(%arg8 : memref<128xi32, #tpu.memory_space<vmem>>) target_semaphore(%run_scoped3A : memref<!tpu.dma_semaphore, #tpu.memory_space<semaphore_mem>>)
      %dma_wait3A_86 = tpu.memref_slice %arg5[%add3A_12] : memref<10240xi32, #tpu.memory_space<hbm>> -> memref<128xi32, #tpu.memory_space<hbm>>
      %dma_wait3A_87 = tpu.memref_slice %arg5[%add3A_12] : memref<10240xi32, #tpu.memory_space<hbm>> -> memref<128xi32, #tpu.memory_space<hbm>>
      tpu.wait_dma2 semaphore(%run_scoped3A : memref<!tpu.dma_semaphore, #tpu.memory_space<semaphore_mem>>) src(%dma_wait3A_87 : memref<128xi32, #tpu.memory_space<hbm>>) dst(%arg8 : memref<128xi32, #tpu.memory_space<vmem>>)
      tpu.yield
    }) : () -> ()
    "tpu.region"() ({
      %run_scoped3A = tpu.sem_alloc : memref<!tpu.dma_semaphore, #tpu.memory_space<semaphore_mem>>
      %dma_start3A_84 = arith.constant 0 : i32
      %dma_start3A_85 = arith.constant 0 : i32
      %dma_start3A_86 = tpu.memref_slice %arg10[%dma_start3A_84, %dma_start3A_85] : memref<10240x128xf32, #tpu.memory_space<vmem_shared>> -> memref<10240x128xf32, #tpu.memory_space<vmem_shared>>
      tpu.enqueue_indirect_dma source(%arg9 : memref<128x128xf32, #tpu.memory_space<vmem>>) target(%dma_start3A_86 : memref<10240x128xf32, #tpu.memory_space<vmem_shared>>) offsets(%arg8 : memref<128xi32, #tpu.memory_space<vmem>>) semaphore(%run_scoped3A : memref<!tpu.dma_semaphore, #tpu.memory_space<semaphore_mem>>)
      %dma_wait3A_87 = arith.constant 0 : i32
      %dma_wait3A_88 = arith.constant 0 : i32
      %dma_wait3A_89 = tpu.memref_slice %arg10[%dma_wait3A_87, %dma_wait3A_88] : memref<10240x128xf32, #tpu.memory_space<vmem_shared>> -> memref<10240x128xf32, #tpu.memory_space<vmem_shared>>
      tpu.wait_indirect_dma semaphore(%run_scoped3A : memref<!tpu.dma_semaphore, #tpu.memory_space<semaphore_mem>>) src(%arg9 : memref<128x128xf32, #tpu.memory_space<vmem>>) dst(%dma_wait3A_89 : memref<10240x128xf32, #tpu.memory_space<vmem_shared>>)
      tpu.yield
    }) : () -> ()
    "tpu.region"() ({
      %run_scoped3A = tpu.sem_alloc : memref<!tpu.dma_semaphore, #tpu.memory_space<semaphore_mem>>
      tpu.enqueue_dma source(%arg3 : memref<128x128xf32, #tpu.memory_space<hbm>>) target(%arg9 : memref<128x128xf32, #tpu.memory_space<vmem>>) target_semaphore(%run_scoped3A : memref<!tpu.dma_semaphore, #tpu.memory_space<semaphore_mem>>)
      tpu.wait_dma2 semaphore(%run_scoped3A : memref<!tpu.dma_semaphore, #tpu.memory_space<semaphore_mem>>) src(%arg3 : memref<128x128xf32, #tpu.memory_space<hbm>>) dst(%arg9 : memref<128x128xf32, #tpu.memory_space<vmem>>)
      tpu.yield
    }) : () -> ()
    %barrier3A = arith.constant 0 : index
    tpu.barrier barrier_id(%barrier3A)
    %mul3A_13 = arith.constant 10240 : i32
    %mul3A_14 = arith.muli %add3A, %mul3A_13 : i32
    %scan3A = arith.constant 0 : i32
    %scan3A_15 = arith.constant 0 : i32
    %scan3A_16 = arith.constant 80 : i32
    %scan3A_17 = arith.addi %scan3A_15, %scan3A_16 : i32
    %scan3A_18 = arith.constant 1 : i32
    scf.for %scan3A_84 = %scan3A_15 to %scan3A_17 step %scan3A_18  : i32 {
      %mul3A_85 = arith.constant 128 : i32
      %mul3A_86 = arith.muli %scan3A_84, %mul3A_85 : i32
      %add3A_87 = arith.addi %mul3A_14, %mul3A_86 : i32
      "tpu.region"() ({
        %run_scoped3A = tpu.sem_alloc : memref<!tpu.dma_semaphore, #tpu.memory_space<semaphore_mem>>
        %dma_start3A_88 = tpu.memref_slice %arg2[%add3A_87] : memref<327680xi32, #tpu.memory_space<hbm>> -> memref<128xi32, #tpu.memory_space<hbm>>
        %dma_start3A_89 = tpu.memref_slice %arg2[%add3A_87] : memref<327680xi32, #tpu.memory_space<hbm>> -> memref<128xi32, #tpu.memory_space<hbm>>
        tpu.enqueue_dma source(%dma_start3A_89 : memref<128xi32, #tpu.memory_space<hbm>>) target(%arg7 : memref<128xi32, #tpu.memory_space<vmem>>) target_semaphore(%run_scoped3A : memref<!tpu.dma_semaphore, #tpu.memory_space<semaphore_mem>>)
        %dma_wait3A_90 = tpu.memref_slice %arg2[%add3A_87] : memref<327680xi32, #tpu.memory_space<hbm>> -> memref<128xi32, #tpu.memory_space<hbm>>
        %dma_wait3A_91 = tpu.memref_slice %arg2[%add3A_87] : memref<327680xi32, #tpu.memory_space<hbm>> -> memref<128xi32, #tpu.memory_space<hbm>>
        tpu.wait_dma2 semaphore(%run_scoped3A : memref<!tpu.dma_semaphore, #tpu.memory_space<semaphore_mem>>) src(%dma_wait3A_91 : memref<128xi32, #tpu.memory_space<hbm>>) dst(%arg7 : memref<128xi32, #tpu.memory_space<vmem>>)
        tpu.yield
      }) : () -> ()
      "tpu.region"() ({
        %run_scoped3A = tpu.sem_alloc : memref<!tpu.dma_semaphore, #tpu.memory_space<semaphore_mem>>
        %dma_start3A_88 = arith.constant 0 : i32
        %dma_start3A_89 = arith.constant 0 : i32
        %dma_start3A_90 = tpu.memref_slice %arg10[%dma_start3A_88, %dma_start3A_89] : memref<10240x128xf32, #tpu.memory_space<vmem_shared>> -> memref<10240x128xf32, #tpu.memory_space<vmem_shared>>
        tpu.enqueue_indirect_dma source(%arg9 : memref<128x128xf32, #tpu.memory_space<vmem>>) target(%dma_start3A_90 : memref<10240x128xf32, #tpu.memory_space<vmem_shared>>) offsets(%arg7 : memref<128xi32, #tpu.memory_space<vmem>>) semaphore(%run_scoped3A : memref<!tpu.dma_semaphore, #tpu.memory_space<semaphore_mem>>) {add = true}
        %dma_wait3A_91 = arith.constant 0 : i32
        %dma_wait3A_92 = arith.constant 0 : i32
        %dma_wait3A_93 = tpu.memref_slice %arg10[%dma_wait3A_91, %dma_wait3A_92] : memref<10240x128xf32, #tpu.memory_space<vmem_shared>> -> memref<10240x128xf32, #tpu.memory_space<vmem_shared>>
        tpu.wait_indirect_dma semaphore(%run_scoped3A : memref<!tpu.dma_semaphore, #tpu.memory_space<semaphore_mem>>) src(%arg9 : memref<128x128xf32, #tpu.memory_space<vmem>>) dst(%dma_wait3A_93 : memref<10240x128xf32, #tpu.memory_space<vmem_shared>>)
        tpu.yield
      }) : () -> ()
    }
    %scan3A_19 = arith.constant 80 : i32
    %barrier3A_20 = arith.constant 0 : index
    tpu.barrier barrier_id(%barrier3A_20)
    %add3A_21 = arith.constant 0 : i32
    %add3A_22 = arith.addi %mul3A_2, %add3A_21 : i32
    "tpu.region"() ({
      %run_scoped3A = tpu.sem_alloc : memref<!tpu.dma_semaphore, #tpu.memory_space<semaphore_mem>>
      %dma_start3A_84 = tpu.memref_slice %arg5[%add3A_22] : memref<10240xi32, #tpu.memory_space<hbm>> -> memref<128xi32, #tpu.memory_space<hbm>>
      %dma_start3A_85 = tpu.memref_slice %arg5[%add3A_22] : memref<10240xi32, #tpu.memory_space<hbm>> -> memref<128xi32, #tpu.memory_space<hbm>>
      tpu.enqueue_dma source(%dma_start3A_85 : memref<128xi32, #tpu.memory_space<hbm>>) target(%arg8 : memref<128xi32, #tpu.memory_space<vmem>>) target_semaphore(%run_scoped3A : memref<!tpu.dma_semaphore, #tpu.memory_space<semaphore_mem>>)
      %dma_wait3A_86 = tpu.memref_slice %arg5[%add3A_22] : memref<10240xi32, #tpu.memory_space<hbm>> -> memref<128xi32, #tpu.memory_space<hbm>>
      %dma_wait3A_87 = tpu.memref_slice %arg5[%add3A_22] : memref<10240xi32, #tpu.memory_space<hbm>> -> memref<128xi32, #tpu.memory_space<hbm>>
      tpu.wait_dma2 semaphore(%run_scoped3A : memref<!tpu.dma_semaphore, #tpu.memory_space<semaphore_mem>>) src(%dma_wait3A_87 : memref<128xi32, #tpu.memory_space<hbm>>) dst(%arg8 : memref<128xi32, #tpu.memory_space<vmem>>)
      tpu.yield
    }) : () -> ()
    %mul3A_23 = arith.constant 10240 : i32
    %mul3A_24 = arith.muli %arg0, %mul3A_23 : i32
    %add3A_25 = arith.addi %mul3A_24, %mul3A_2 : i32
    %add3A_26 = arith.constant 0 : i32
    %add3A_27 = arith.addi %add3A_25, %add3A_26 : i32
    %dma_start3A = arith.constant 0 : i32
    %dma_start3A_28 = arith.constant 0 : i32
    %dma_start3A_29 = tpu.memref_slice %arg10[%dma_start3A, %dma_start3A_28] : memref<10240x128xf32, #tpu.memory_space<vmem_shared>> -> memref<10240x128xf32, #tpu.memory_space<vmem_shared>>
    tpu.enqueue_indirect_dma source(%dma_start3A_29 : memref<10240x128xf32, #tpu.memory_space<vmem_shared>>) target(%arg9 : memref<128x128xf32, #tpu.memory_space<vmem>>) offsets(%arg8 : memref<128xi32, #tpu.memory_space<vmem>>) semaphore(%arg11 : memref<!tpu.dma_semaphore, #tpu.memory_space<semaphore_mem>>)
    %dma_wait3A = arith.constant 0 : i32
    %dma_wait3A_30 = arith.constant 0 : i32
    %dma_wait3A_31 = tpu.memref_slice %arg10[%dma_wait3A, %dma_wait3A_30] : memref<10240x128xf32, #tpu.memory_space<vmem_shared>> -> memref<10240x128xf32, #tpu.memory_space<vmem_shared>>
    tpu.wait_indirect_dma semaphore(%arg11 : memref<!tpu.dma_semaphore, #tpu.memory_space<semaphore_mem>>) src(%dma_wait3A_31 : memref<10240x128xf32, #tpu.memory_space<vmem_shared>>) dst(%arg9 : memref<128x128xf32, #tpu.memory_space<vmem>>)
    "tpu.region"() ({
      %run_scoped3A = tpu.sem_alloc : memref<!tpu.dma_semaphore, #tpu.memory_space<semaphore_mem>>
      %dma_start3A_84 = arith.constant 0 : i32
      %dma_start3A_85 = tpu.memref_slice %arg6[%add3A_27, %dma_start3A_84] : memref<20480x128xf32, #tpu.memory_space<hbm>> -> memref<128x128xf32, #tpu.memory_space<hbm>>
      %dma_start3A_86 = arith.constant 0 : i32
      %dma_start3A_87 = tpu.memref_slice %arg6[%add3A_27, %dma_start3A_86] : memref<20480x128xf32, #tpu.memory_space<hbm>> -> memref<128x128xf32, #tpu.memory_space<hbm>>
      tpu.enqueue_dma source(%arg9 : memref<128x128xf32, #tpu.memory_space<vmem>>) target(%dma_start3A_87 : memref<128x128xf32, #tpu.memory_space<hbm>>) target_semaphore(%run_scoped3A : memref<!tpu.dma_semaphore, #tpu.memory_space<semaphore_mem>>)
      %dma_wait3A_88 = arith.constant 0 : i32
      %dma_wait3A_89 = tpu.memref_slice %arg6[%add3A_27, %dma_wait3A_88] : memref<20480x128xf32, #tpu.memory_space<hbm>> -> memref<128x128xf32, #tpu.memory_space<hbm>>
      %dma_wait3A_90 = arith.constant 0 : i32
      %dma_wait3A_91 = tpu.memref_slice %arg6[%add3A_27, %dma_wait3A_90] : memref<20480x128xf32, #tpu.memory_space<hbm>> -> memref<128x128xf32, #tpu.memory_space<hbm>>
      tpu.wait_dma2 semaphore(%run_scoped3A : memref<!tpu.dma_semaphore, #tpu.memory_space<semaphore_mem>>) src(%arg9 : memref<128x128xf32, #tpu.memory_space<vmem>>) dst(%dma_wait3A_91 : memref<128x128xf32, #tpu.memory_space<hbm>>)
      tpu.yield
    }) : () -> ()
    %add3A_32 = arith.constant 128 : i32
    %add3A_33 = arith.addi %mul3A_2, %add3A_32 : i32
    "tpu.region"() ({
      %run_scoped3A = tpu.sem_alloc : memref<!tpu.dma_semaphore, #tpu.memory_space<semaphore_mem>>
      %dma_start3A_84 = tpu.memref_slice %arg5[%add3A_33] : memref<10240xi32, #tpu.memory_space<hbm>> -> memref<128xi32, #tpu.memory_space<hbm>>
      %dma_start3A_85 = tpu.memref_slice %arg5[%add3A_33] : memref<10240xi32, #tpu.memory_space<hbm>> -> memref<128xi32, #tpu.memory_space<hbm>>
      tpu.enqueue_dma source(%dma_start3A_85 : memref<128xi32, #tpu.memory_space<hbm>>) target(%arg8 : memref<128xi32, #tpu.memory_space<vmem>>) target_semaphore(%run_scoped3A : memref<!tpu.dma_semaphore, #tpu.memory_space<semaphore_mem>>)
      %dma_wait3A_86 = tpu.memref_slice %arg5[%add3A_33] : memref<10240xi32, #tpu.memory_space<hbm>> -> memref<128xi32, #tpu.memory_space<hbm>>
      %dma_wait3A_87 = tpu.memref_slice %arg5[%add3A_33] : memref<10240xi32, #tpu.memory_space<hbm>> -> memref<128xi32, #tpu.memory_space<hbm>>
      tpu.wait_dma2 semaphore(%run_scoped3A : memref<!tpu.dma_semaphore, #tpu.memory_space<semaphore_mem>>) src(%dma_wait3A_87 : memref<128xi32, #tpu.memory_space<hbm>>) dst(%arg8 : memref<128xi32, #tpu.memory_space<vmem>>)
      tpu.yield
    }) : () -> ()
    %mul3A_34 = arith.constant 10240 : i32
    %mul3A_35 = arith.muli %arg0, %mul3A_34 : i32
    %add3A_36 = arith.addi %mul3A_35, %mul3A_2 : i32
    %add3A_37 = arith.constant 128 : i32
    %add3A_38 = arith.addi %add3A_36, %add3A_37 : i32
    %dma_start3A_39 = arith.constant 0 : i32
    %dma_start3A_40 = arith.constant 0 : i32
    %dma_start3A_41 = tpu.memref_slice %arg10[%dma_start3A_39, %dma_start3A_40] : memref<10240x128xf32, #tpu.memory_space<vmem_shared>> -> memref<10240x128xf32, #tpu.memory_space<vmem_shared>>
    tpu.enqueue_indirect_dma source(%dma_start3A_41 : memref<10240x128xf32, #tpu.memory_space<vmem_shared>>) target(%arg9 : memref<128x128xf32, #tpu.memory_space<vmem>>) offsets(%arg8 : memref<128xi32, #tpu.memory_space<vmem>>) semaphore(%arg11 : memref<!tpu.dma_semaphore, #tpu.memory_space<semaphore_mem>>)
    %dma_wait3A_42 = arith.constant 0 : i32
    %dma_wait3A_43 = arith.constant 0 : i32
    %dma_wait3A_44 = tpu.memref_slice %arg10[%dma_wait3A_42, %dma_wait3A_43] : memref<10240x128xf32, #tpu.memory_space<vmem_shared>> -> memref<10240x128xf32, #tpu.memory_space<vmem_shared>>
    tpu.wait_indirect_dma semaphore(%arg11 : memref<!tpu.dma_semaphore, #tpu.memory_space<semaphore_mem>>) src(%dma_wait3A_44 : memref<10240x128xf32, #tpu.memory_space<vmem_shared>>) dst(%arg9 : memref<128x128xf32, #tpu.memory_space<vmem>>)
    "tpu.region"() ({
      %run_scoped3A = tpu.sem_alloc : memref<!tpu.dma_semaphore, #tpu.memory_space<semaphore_mem>>
      %dma_start3A_84 = arith.constant 0 : i32
      %dma_start3A_85 = tpu.memref_slice %arg6[%add3A_38, %dma_start3A_84] : memref<20480x128xf32, #tpu.memory_space<hbm>> -> memref<128x128xf32, #tpu.memory_space<hbm>>
      %dma_start3A_86 = arith.constant 0 : i32
      %dma_start3A_87 = tpu.memref_slice %arg6[%add3A_38, %dma_start3A_86] : memref<20480x128xf32, #tpu.memory_space<hbm>> -> memref<128x128xf32, #tpu.memory_space<hbm>>
      tpu.enqueue_dma source(%arg9 : memref<128x128xf32, #tpu.memory_space<vmem>>) target(%dma_start3A_87 : memref<128x128xf32, #tpu.memory_space<hbm>>) target_semaphore(%run_scoped3A : memref<!tpu.dma_semaphore, #tpu.memory_space<semaphore_mem>>)
      %dma_wait3A_88 = arith.constant 0 : i32
      %dma_wait3A_89 = tpu.memref_slice %arg6[%add3A_38, %dma_wait3A_88] : memref<20480x128xf32, #tpu.memory_space<hbm>> -> memref<128x128xf32, #tpu.memory_space<hbm>>
      %dma_wait3A_90 = arith.constant 0 : i32
      %dma_wait3A_91 = tpu.memref_slice %arg6[%add3A_38, %dma_wait3A_90] : memref<20480x128xf32, #tpu.memory_space<hbm>> -> memref<128x128xf32, #tpu.memory_space<hbm>>
      tpu.wait_dma2 semaphore(%run_scoped3A : memref<!tpu.dma_semaphore, #tpu.memory_space<semaphore_mem>>) src(%arg9 : memref<128x128xf32, #tpu.memory_space<vmem>>) dst(%dma_wait3A_91 : memref<128x128xf32, #tpu.memory_space<hbm>>)
      tpu.yield
    }) : () -> ()
    %add3A_45 = arith.constant 256 : i32
    %add3A_46 = arith.addi %mul3A_2, %add3A_45 : i32
    "tpu.region"() ({
      %run_scoped3A = tpu.sem_alloc : memref<!tpu.dma_semaphore, #tpu.memory_space<semaphore_mem>>
      %dma_start3A_84 = tpu.memref_slice %arg5[%add3A_46] : memref<10240xi32, #tpu.memory_space<hbm>> -> memref<128xi32, #tpu.memory_space<hbm>>
      %dma_start3A_85 = tpu.memref_slice %arg5[%add3A_46] : memref<10240xi32, #tpu.memory_space<hbm>> -> memref<128xi32, #tpu.memory_space<hbm>>
      tpu.enqueue_dma source(%dma_start3A_85 : memref<128xi32, #tpu.memory_space<hbm>>) target(%arg8 : memref<128xi32, #tpu.memory_space<vmem>>) target_semaphore(%run_scoped3A : memref<!tpu.dma_semaphore, #tpu.memory_space<semaphore_mem>>)
      %dma_wait3A_86 = tpu.memref_slice %arg5[%add3A_46] : memref<10240xi32, #tpu.memory_space<hbm>> -> memref<128xi32, #tpu.memory_space<hbm>>
      %dma_wait3A_87 = tpu.memref_slice %arg5[%add3A_46] : memref<10240xi32, #tpu.memory_space<hbm>> -> memref<128xi32, #tpu.memory_space<hbm>>
      tpu.wait_dma2 semaphore(%run_scoped3A : memref<!tpu.dma_semaphore, #tpu.memory_space<semaphore_mem>>) src(%dma_wait3A_87 : memref<128xi32, #tpu.memory_space<hbm>>) dst(%arg8 : memref<128xi32, #tpu.memory_space<vmem>>)
      tpu.yield
    }) : () -> ()
    %mul3A_47 = arith.constant 10240 : i32
    %mul3A_48 = arith.muli %arg0, %mul3A_47 : i32
    %add3A_49 = arith.addi %mul3A_48, %mul3A_2 : i32
    %add3A_50 = arith.constant 256 : i32
    %add3A_51 = arith.addi %add3A_49, %add3A_50 : i32
    %dma_start3A_52 = arith.constant 0 : i32
    %dma_start3A_53 = arith.constant 0 : i32
    %dma_start3A_54 = tpu.memref_slice %arg10[%dma_start3A_52, %dma_start3A_53] : memref<10240x128xf32, #tpu.memory_space<vmem_shared>> -> memref<10240x128xf32, #tpu.memory_space<vmem_shared>>
    tpu.enqueue_indirect_dma source(%dma_start3A_54 : memref<10240x128xf32, #tpu.memory_space<vmem_shared>>) target(%arg9 : memref<128x128xf32, #tpu.memory_space<vmem>>) offsets(%arg8 : memref<128xi32, #tpu.memory_space<vmem>>) semaphore(%arg11 : memref<!tpu.dma_semaphore, #tpu.memory_space<semaphore_mem>>)
    %dma_wait3A_55 = arith.constant 0 : i32
    %dma_wait3A_56 = arith.constant 0 : i32
    %dma_wait3A_57 = tpu.memref_slice %arg10[%dma_wait3A_55, %dma_wait3A_56] : memref<10240x128xf32, #tpu.memory_space<vmem_shared>> -> memref<10240x128xf32, #tpu.memory_space<vmem_shared>>
    tpu.wait_indirect_dma semaphore(%arg11 : memref<!tpu.dma_semaphore, #tpu.memory_space<semaphore_mem>>) src(%dma_wait3A_57 : memref<10240x128xf32, #tpu.memory_space<vmem_shared>>) dst(%arg9 : memref<128x128xf32, #tpu.memory_space<vmem>>)
    "tpu.region"() ({
      %run_scoped3A = tpu.sem_alloc : memref<!tpu.dma_semaphore, #tpu.memory_space<semaphore_mem>>
      %dma_start3A_84 = arith.constant 0 : i32
      %dma_start3A_85 = tpu.memref_slice %arg6[%add3A_51, %dma_start3A_84] : memref<20480x128xf32, #tpu.memory_space<hbm>> -> memref<128x128xf32, #tpu.memory_space<hbm>>
      %dma_start3A_86 = arith.constant 0 : i32
      %dma_start3A_87 = tpu.memref_slice %arg6[%add3A_51, %dma_start3A_86] : memref<20480x128xf32, #tpu.memory_space<hbm>> -> memref<128x128xf32, #tpu.memory_space<hbm>>
      tpu.enqueue_dma source(%arg9 : memref<128x128xf32, #tpu.memory_space<vmem>>) target(%dma_start3A_87 : memref<128x128xf32, #tpu.memory_space<hbm>>) target_semaphore(%run_scoped3A : memref<!tpu.dma_semaphore, #tpu.memory_space<semaphore_mem>>)
      %dma_wait3A_88 = arith.constant 0 : i32
      %dma_wait3A_89 = tpu.memref_slice %arg6[%add3A_51, %dma_wait3A_88] : memref<20480x128xf32, #tpu.memory_space<hbm>> -> memref<128x128xf32, #tpu.memory_space<hbm>>
      %dma_wait3A_90 = arith.constant 0 : i32
      %dma_wait3A_91 = tpu.memref_slice %arg6[%add3A_51, %dma_wait3A_90] : memref<20480x128xf32, #tpu.memory_space<hbm>> -> memref<128x128xf32, #tpu.memory_space<hbm>>
      tpu.wait_dma2 semaphore(%run_scoped3A : memref<!tpu.dma_semaphore, #tpu.memory_space<semaphore_mem>>) src(%arg9 : memref<128x128xf32, #tpu.memory_space<vmem>>) dst(%dma_wait3A_91 : memref<128x128xf32, #tpu.memory_space<hbm>>)
      tpu.yield
    }) : () -> ()
    %add3A_58 = arith.constant 384 : i32
    %add3A_59 = arith.addi %mul3A_2, %add3A_58 : i32
    "tpu.region"() ({
      %run_scoped3A = tpu.sem_alloc : memref<!tpu.dma_semaphore, #tpu.memory_space<semaphore_mem>>
      %dma_start3A_84 = tpu.memref_slice %arg5[%add3A_59] : memref<10240xi32, #tpu.memory_space<hbm>> -> memref<128xi32, #tpu.memory_space<hbm>>
      %dma_start3A_85 = tpu.memref_slice %arg5[%add3A_59] : memref<10240xi32, #tpu.memory_space<hbm>> -> memref<128xi32, #tpu.memory_space<hbm>>
      tpu.enqueue_dma source(%dma_start3A_85 : memref<128xi32, #tpu.memory_space<hbm>>) target(%arg8 : memref<128xi32, #tpu.memory_space<vmem>>) target_semaphore(%run_scoped3A : memref<!tpu.dma_semaphore, #tpu.memory_space<semaphore_mem>>)
      %dma_wait3A_86 = tpu.memref_slice %arg5[%add3A_59] : memref<10240xi32, #tpu.memory_space<hbm>> -> memref<128xi32, #tpu.memory_space<hbm>>
      %dma_wait3A_87 = tpu.memref_slice %arg5[%add3A_59] : memref<10240xi32, #tpu.memory_space<hbm>> -> memref<128xi32, #tpu.memory_space<hbm>>
      tpu.wait_dma2 semaphore(%run_scoped3A : memref<!tpu.dma_semaphore, #tpu.memory_space<semaphore_mem>>) src(%dma_wait3A_87 : memref<128xi32, #tpu.memory_space<hbm>>) dst(%arg8 : memref<128xi32, #tpu.memory_space<vmem>>)
      tpu.yield
    }) : () -> ()
    %mul3A_60 = arith.constant 10240 : i32
    %mul3A_61 = arith.muli %arg0, %mul3A_60 : i32
    %add3A_62 = arith.addi %mul3A_61, %mul3A_2 : i32
    %add3A_63 = arith.constant 384 : i32
    %add3A_64 = arith.addi %add3A_62, %add3A_63 : i32
    %dma_start3A_65 = arith.constant 0 : i32
    %dma_start3A_66 = arith.constant 0 : i32
    %dma_start3A_67 = tpu.memref_slice %arg10[%dma_start3A_65, %dma_start3A_66] : memref<10240x128xf32, #tpu.memory_space<vmem_shared>> -> memref<10240x128xf32, #tpu.memory_space<vmem_shared>>
    tpu.enqueue_indirect_dma source(%dma_start3A_67 : memref<10240x128xf32, #tpu.memory_space<vmem_shared>>) target(%arg9 : memref<128x128xf32, #tpu.memory_space<vmem>>) offsets(%arg8 : memref<128xi32, #tpu.memory_space<vmem>>) semaphore(%arg11 : memref<!tpu.dma_semaphore, #tpu.memory_space<semaphore_mem>>)
    %dma_wait3A_68 = arith.constant 0 : i32
    %dma_wait3A_69 = arith.constant 0 : i32
    %dma_wait3A_70 = tpu.memref_slice %arg10[%dma_wait3A_68, %dma_wait3A_69] : memref<10240x128xf32, #tpu.memory_space<vmem_shared>> -> memref<10240x128xf32, #tpu.memory_space<vmem_shared>>
    tpu.wait_indirect_dma semaphore(%arg11 : memref<!tpu.dma_semaphore, #tpu.memory_space<semaphore_mem>>) src(%dma_wait3A_70 : memref<10240x128xf32, #tpu.memory_space<vmem_shared>>) dst(%arg9 : memref<128x128xf32, #tpu.memory_space<vmem>>)
    "tpu.region"() ({
      %run_scoped3A = tpu.sem_alloc : memref<!tpu.dma_semaphore, #tpu.memory_space<semaphore_mem>>
      %dma_start3A_84 = arith.constant 0 : i32
      %dma_start3A_85 = tpu.memref_slice %arg6[%add3A_64, %dma_start3A_84] : memref<20480x128xf32, #tpu.memory_space<hbm>> -> memref<128x128xf32, #tpu.memory_space<hbm>>
      %dma_start3A_86 = arith.constant 0 : i32
      %dma_start3A_87 = tpu.memref_slice %arg6[%add3A_64, %dma_start3A_86] : memref<20480x128xf32, #tpu.memory_space<hbm>> -> memref<128x128xf32, #tpu.memory_space<hbm>>
      tpu.enqueue_dma source(%arg9 : memref<128x128xf32, #tpu.memory_space<vmem>>) target(%dma_start3A_87 : memref<128x128xf32, #tpu.memory_space<hbm>>) target_semaphore(%run_scoped3A : memref<!tpu.dma_semaphore, #tpu.memory_space<semaphore_mem>>)
      %dma_wait3A_88 = arith.constant 0 : i32
      %dma_wait3A_89 = tpu.memref_slice %arg6[%add3A_64, %dma_wait3A_88] : memref<20480x128xf32, #tpu.memory_space<hbm>> -> memref<128x128xf32, #tpu.memory_space<hbm>>
      %dma_wait3A_90 = arith.constant 0 : i32
      %dma_wait3A_91 = tpu.memref_slice %arg6[%add3A_64, %dma_wait3A_90] : memref<20480x128xf32, #tpu.memory_space<hbm>> -> memref<128x128xf32, #tpu.memory_space<hbm>>
      tpu.wait_dma2 semaphore(%run_scoped3A : memref<!tpu.dma_semaphore, #tpu.memory_space<semaphore_mem>>) src(%arg9 : memref<128x128xf32, #tpu.memory_space<vmem>>) dst(%dma_wait3A_91 : memref<128x128xf32, #tpu.memory_space<hbm>>)
      tpu.yield
    }) : () -> ()
    %add3A_71 = arith.constant 512 : i32
    %add3A_72 = arith.addi %mul3A_2, %add3A_71 : i32
    "tpu.region"() ({
      %run_scoped3A = tpu.sem_alloc : memref<!tpu.dma_semaphore, #tpu.memory_space<semaphore_mem>>
      %dma_start3A_84 = tpu.memref_slice %arg5[%add3A_72] : memref<10240xi32, #tpu.memory_space<hbm>> -> memref<128xi32, #tpu.memory_space<hbm>>
      %dma_start3A_85 = tpu.memref_slice %arg5[%add3A_72] : memref<10240xi32, #tpu.memory_space<hbm>> -> memref<128xi32, #tpu.memory_space<hbm>>
      tpu.enqueue_dma source(%dma_start3A_85 : memref<128xi32, #tpu.memory_space<hbm>>) target(%arg8 : memref<128xi32, #tpu.memory_space<vmem>>) target_semaphore(%run_scoped3A : memref<!tpu.dma_semaphore, #tpu.memory_space<semaphore_mem>>)
      %dma_wait3A_86 = tpu.memref_slice %arg5[%add3A_72] : memref<10240xi32, #tpu.memory_space<hbm>> -> memref<128xi32, #tpu.memory_space<hbm>>
      %dma_wait3A_87 = tpu.memref_slice %arg5[%add3A_72] : memref<10240xi32, #tpu.memory_space<hbm>> -> memref<128xi32, #tpu.memory_space<hbm>>
      tpu.wait_dma2 semaphore(%run_scoped3A : memref<!tpu.dma_semaphore, #tpu.memory_space<semaphore_mem>>) src(%dma_wait3A_87 : memref<128xi32, #tpu.memory_space<hbm>>) dst(%arg8 : memref<128xi32, #tpu.memory_space<vmem>>)
      tpu.yield
    }) : () -> ()
    %mul3A_73 = arith.constant 10240 : i32
    %mul3A_74 = arith.muli %arg0, %mul3A_73 : i32
    %add3A_75 = arith.addi %mul3A_74, %mul3A_2 : i32
    %add3A_76 = arith.constant 512 : i32
    %add3A_77 = arith.addi %add3A_75, %add3A_76 : i32
    %dma_start3A_78 = arith.constant 0 : i32
    %dma_start3A_79 = arith.constant 0 : i32
    %dma_start3A_80 = tpu.memref_slice %arg10[%dma_start3A_78, %dma_start3A_79] : memref<10240x128xf32, #tpu.memory_space<vmem_shared>> -> memref<10240x128xf32, #tpu.memory_space<vmem_shared>>
    tpu.enqueue_indirect_dma source(%dma_start3A_80 : memref<10240x128xf32, #tpu.memory_space<vmem_shared>>) target(%arg9 : memref<128x128xf32, #tpu.memory_space<vmem>>) offsets(%arg8 : memref<128xi32, #tpu.memory_space<vmem>>) semaphore(%arg11 : memref<!tpu.dma_semaphore, #tpu.memory_space<semaphore_mem>>)
    %dma_wait3A_81 = arith.constant 0 : i32
    %dma_wait3A_82 = arith.constant 0 : i32
    %dma_wait3A_83 = tpu.memref_slice %arg10[%dma_wait3A_81, %dma_wait3A_82] : memref<10240x128xf32, #tpu.memory_space<vmem_shared>> -> memref<10240x128xf32, #tpu.memory_space<vmem_shared>>
    tpu.wait_indirect_dma semaphore(%arg11 : memref<!tpu.dma_semaphore, #tpu.memory_space<semaphore_mem>>) src(%dma_wait3A_83 : memref<10240x128xf32, #tpu.memory_space<vmem_shared>>) dst(%arg9 : memref<128x128xf32, #tpu.memory_space<vmem>>)
    "tpu.region"() ({
      %run_scoped3A = tpu.sem_alloc : memref<!tpu.dma_semaphore, #tpu.memory_space<semaphore_mem>>
      %dma_start3A_84 = arith.constant 0 : i32
      %dma_start3A_85 = tpu.memref_slice %arg6[%add3A_77, %dma_start3A_84] : memref<20480x128xf32, #tpu.memory_space<hbm>> -> memref<128x128xf32, #tpu.memory_space<hbm>>
      %dma_start3A_86 = arith.constant 0 : i32
      %dma_start3A_87 = tpu.memref_slice %arg6[%add3A_77, %dma_start3A_86] : memref<20480x128xf32, #tpu.memory_space<hbm>> -> memref<128x128xf32, #tpu.memory_space<hbm>>
      tpu.enqueue_dma source(%arg9 : memref<128x128xf32, #tpu.memory_space<vmem>>) target(%dma_start3A_87 : memref<128x128xf32, #tpu.memory_space<hbm>>) target_semaphore(%run_scoped3A : memref<!tpu.dma_semaphore, #tpu.memory_space<semaphore_mem>>)
      %dma_wait3A_88 = arith.constant 0 : i32
      %dma_wait3A_89 = tpu.memref_slice %arg6[%add3A_77, %dma_wait3A_88] : memref<20480x128xf32, #tpu.memory_space<hbm>> -> memref<128x128xf32, #tpu.memory_space<hbm>>
      %dma_wait3A_90 = arith.constant 0 : i32
      %dma_wait3A_91 = tpu.memref_slice %arg6[%add3A_77, %dma_wait3A_90] : memref<20480x128xf32, #tpu.memory_space<hbm>> -> memref<128x128xf32, #tpu.memory_space<hbm>>
      tpu.wait_dma2 semaphore(%run_scoped3A : memref<!tpu.dma_semaphore, #tpu.memory_space<semaphore_mem>>) src(%arg9 : memref<128x128xf32, #tpu.memory_space<vmem>>) dst(%dma_wait3A_91 : memref<128x128xf32, #tpu.memory_space<hbm>>)
      tpu.yield
    }) : () -> ()
    return
  }
}

#map = affine_map<(d0, d1) -> (0, 0)>
#map1 = affine_map<(d0, d1) -> (0)>
module attributes {stable_mosaic.version = 14 : i64} {
  func.func @_sc_agg_body(%arg0: i32, %arg1: i32, %arg2: memref<10000x128xf32, #tpu.memory_space<hbm>>, %arg3: memref<327680xi32, #tpu.memory_space<hbm>>, %arg4: memref<327680xi32, #tpu.memory_space<hbm>>, %arg5: memref<10240x128xf32, #tpu.memory_space<hbm>>, %arg6: memref<10240xi32, #tpu.memory_space<hbm>>, %arg7: memref<20480x128xf32, #tpu.memory_space<hbm>>, %arg8: memref<128xi32, #tpu.memory_space<vmem>>, %arg9: memref<128xi32, #tpu.memory_space<vmem>>, %arg10: memref<128xi32, #tpu.memory_space<vmem>>, %arg11: memref<128x128xf32, #tpu.memory_space<vmem>>, %arg12: memref<10240x128xf32, #tpu.memory_space<vmem_shared>>, %arg13: memref<!tpu.dma_semaphore, #tpu.memory_space<semaphore_mem>>) attributes {dimension_semantics = [#tpu.dimension_semantics<core_parallel>, #tpu.dimension_semantics<subcore_parallel>], iteration_bounds = array<i64: 2, 16>, scalar_prefetch = 0 : i64, scratch_operands = 6 : i64, tpu.core_type = #tpu.core_type<sc_vector_subcore>, window_params = [{transform_indices = #map}, {transform_indices = #map1}, {transform_indices = #map1}, {transform_indices = #map}, {transform_indices = #map1}, {transform_indices = #map}]} {
    %mul3A = arith.constant 16 : i32
    %mul3A_0 = arith.muli %arg0, %mul3A : i32
    %add3A = arith.addi %mul3A_0, %arg1 : i32
    %mul3A_1 = arith.constant 640 : i32
    %mul3A_2 = arith.muli %arg1, %mul3A_1 : i32
    "tpu.region"() ({
      %run_scoped3A = tpu.sem_alloc : memref<!tpu.dma_semaphore, #tpu.memory_space<semaphore_mem>>
      %dma_start3A_84 = arith.constant 0 : i32
      %dma_start3A_85 = arith.constant 0 : i32
      %dma_start3A_86 = tpu.memref_slice %arg5[%dma_start3A_84, %dma_start3A_85] : memref<10240x128xf32, #tpu.memory_space<hbm>> -> memref<128x128xf32, #tpu.memory_space<hbm>>
      %dma_start3A_87 = arith.constant 0 : i32
      %dma_start3A_88 = arith.constant 0 : i32
      %dma_start3A_89 = tpu.memref_slice %arg5[%dma_start3A_87, %dma_start3A_88] : memref<10240x128xf32, #tpu.memory_space<hbm>> -> memref<128x128xf32, #tpu.memory_space<hbm>>
      tpu.enqueue_dma source(%dma_start3A_89 : memref<128x128xf32, #tpu.memory_space<hbm>>) target(%arg11 : memref<128x128xf32, #tpu.memory_space<vmem>>) target_semaphore(%run_scoped3A : memref<!tpu.dma_semaphore, #tpu.memory_space<semaphore_mem>>)
      %dma_wait3A_90 = arith.constant 0 : i32
      %dma_wait3A_91 = arith.constant 0 : i32
      %dma_wait3A_92 = tpu.memref_slice %arg5[%dma_wait3A_90, %dma_wait3A_91] : memref<10240x128xf32, #tpu.memory_space<hbm>> -> memref<128x128xf32, #tpu.memory_space<hbm>>
      %dma_wait3A_93 = arith.constant 0 : i32
      %dma_wait3A_94 = arith.constant 0 : i32
      %dma_wait3A_95 = tpu.memref_slice %arg5[%dma_wait3A_93, %dma_wait3A_94] : memref<10240x128xf32, #tpu.memory_space<hbm>> -> memref<128x128xf32, #tpu.memory_space<hbm>>
      tpu.wait_dma2 semaphore(%run_scoped3A : memref<!tpu.dma_semaphore, #tpu.memory_space<semaphore_mem>>) src(%dma_wait3A_95 : memref<128x128xf32, #tpu.memory_space<hbm>>) dst(%arg11 : memref<128x128xf32, #tpu.memory_space<vmem>>)
      tpu.yield
    }) : () -> ()
    %add3A_3 = arith.constant 0 : i32
    %add3A_4 = arith.addi %mul3A_2, %add3A_3 : i32
    "tpu.region"() ({
      %run_scoped3A = tpu.sem_alloc : memref<!tpu.dma_semaphore, #tpu.memory_space<semaphore_mem>>
      %dma_start3A_84 = tpu.memref_slice %arg6[%add3A_4] : memref<10240xi32, #tpu.memory_space<hbm>> -> memref<128xi32, #tpu.memory_space<hbm>>
      %dma_start3A_85 = tpu.memref_slice %arg6[%add3A_4] : memref<10240xi32, #tpu.memory_space<hbm>> -> memref<128xi32, #tpu.memory_space<hbm>>
      tpu.enqueue_dma source(%dma_start3A_85 : memref<128xi32, #tpu.memory_space<hbm>>) target(%arg10 : memref<128xi32, #tpu.memory_space<vmem>>) target_semaphore(%run_scoped3A : memref<!tpu.dma_semaphore, #tpu.memory_space<semaphore_mem>>)
      %dma_wait3A_86 = tpu.memref_slice %arg6[%add3A_4] : memref<10240xi32, #tpu.memory_space<hbm>> -> memref<128xi32, #tpu.memory_space<hbm>>
      %dma_wait3A_87 = tpu.memref_slice %arg6[%add3A_4] : memref<10240xi32, #tpu.memory_space<hbm>> -> memref<128xi32, #tpu.memory_space<hbm>>
      tpu.wait_dma2 semaphore(%run_scoped3A : memref<!tpu.dma_semaphore, #tpu.memory_space<semaphore_mem>>) src(%dma_wait3A_87 : memref<128xi32, #tpu.memory_space<hbm>>) dst(%arg10 : memref<128xi32, #tpu.memory_space<vmem>>)
      tpu.yield
    }) : () -> ()
    "tpu.region"() ({
      %run_scoped3A = tpu.sem_alloc : memref<!tpu.dma_semaphore, #tpu.memory_space<semaphore_mem>>
      %dma_start3A_84 = arith.constant 0 : i32
      %dma_start3A_85 = arith.constant 0 : i32
      %dma_start3A_86 = tpu.memref_slice %arg12[%dma_start3A_84, %dma_start3A_85] : memref<10240x128xf32, #tpu.memory_space<vmem_shared>> -> memref<10240x128xf32, #tpu.memory_space<vmem_shared>>
      tpu.enqueue_indirect_dma source(%arg11 : memref<128x128xf32, #tpu.memory_space<vmem>>) target(%dma_start3A_86 : memref<10240x128xf32, #tpu.memory_space<vmem_shared>>) offsets(%arg10 : memref<128xi32, #tpu.memory_space<vmem>>) semaphore(%run_scoped3A : memref<!tpu.dma_semaphore, #tpu.memory_space<semaphore_mem>>)
      %dma_wait3A_87 = arith.constant 0 : i32
      %dma_wait3A_88 = arith.constant 0 : i32
      %dma_wait3A_89 = tpu.memref_slice %arg12[%dma_wait3A_87, %dma_wait3A_88] : memref<10240x128xf32, #tpu.memory_space<vmem_shared>> -> memref<10240x128xf32, #tpu.memory_space<vmem_shared>>
      tpu.wait_indirect_dma semaphore(%run_scoped3A : memref<!tpu.dma_semaphore, #tpu.memory_space<semaphore_mem>>) src(%arg11 : memref<128x128xf32, #tpu.memory_space<vmem>>) dst(%dma_wait3A_89 : memref<10240x128xf32, #tpu.memory_space<vmem_shared>>)
      tpu.yield
    }) : () -> ()
    %add3A_5 = arith.constant 128 : i32
    %add3A_6 = arith.addi %mul3A_2, %add3A_5 : i32
    "tpu.region"() ({
      %run_scoped3A = tpu.sem_alloc : memref<!tpu.dma_semaphore, #tpu.memory_space<semaphore_mem>>
      %dma_start3A_84 = tpu.memref_slice %arg6[%add3A_6] : memref<10240xi32, #tpu.memory_space<hbm>> -> memref<128xi32, #tpu.memory_space<hbm>>
      %dma_start3A_85 = tpu.memref_slice %arg6[%add3A_6] : memref<10240xi32, #tpu.memory_space<hbm>> -> memref<128xi32, #tpu.memory_space<hbm>>
      tpu.enqueue_dma source(%dma_start3A_85 : memref<128xi32, #tpu.memory_space<hbm>>) target(%arg10 : memref<128xi32, #tpu.memory_space<vmem>>) target_semaphore(%run_scoped3A : memref<!tpu.dma_semaphore, #tpu.memory_space<semaphore_mem>>)
      %dma_wait3A_86 = tpu.memref_slice %arg6[%add3A_6] : memref<10240xi32, #tpu.memory_space<hbm>> -> memref<128xi32, #tpu.memory_space<hbm>>
      %dma_wait3A_87 = tpu.memref_slice %arg6[%add3A_6] : memref<10240xi32, #tpu.memory_space<hbm>> -> memref<128xi32, #tpu.memory_space<hbm>>
      tpu.wait_dma2 semaphore(%run_scoped3A : memref<!tpu.dma_semaphore, #tpu.memory_space<semaphore_mem>>) src(%dma_wait3A_87 : memref<128xi32, #tpu.memory_space<hbm>>) dst(%arg10 : memref<128xi32, #tpu.memory_space<vmem>>)
      tpu.yield
    }) : () -> ()
    "tpu.region"() ({
      %run_scoped3A = tpu.sem_alloc : memref<!tpu.dma_semaphore, #tpu.memory_space<semaphore_mem>>
      %dma_start3A_84 = arith.constant 0 : i32
      %dma_start3A_85 = arith.constant 0 : i32
      %dma_start3A_86 = tpu.memref_slice %arg12[%dma_start3A_84, %dma_start3A_85] : memref<10240x128xf32, #tpu.memory_space<vmem_shared>> -> memref<10240x128xf32, #tpu.memory_space<vmem_shared>>
      tpu.enqueue_indirect_dma source(%arg11 : memref<128x128xf32, #tpu.memory_space<vmem>>) target(%dma_start3A_86 : memref<10240x128xf32, #tpu.memory_space<vmem_shared>>) offsets(%arg10 : memref<128xi32, #tpu.memory_space<vmem>>) semaphore(%run_scoped3A : memref<!tpu.dma_semaphore, #tpu.memory_space<semaphore_mem>>)
      %dma_wait3A_87 = arith.constant 0 : i32
      %dma_wait3A_88 = arith.constant 0 : i32
      %dma_wait3A_89 = tpu.memref_slice %arg12[%dma_wait3A_87, %dma_wait3A_88] : memref<10240x128xf32, #tpu.memory_space<vmem_shared>> -> memref<10240x128xf32, #tpu.memory_space<vmem_shared>>
      tpu.wait_indirect_dma semaphore(%run_scoped3A : memref<!tpu.dma_semaphore, #tpu.memory_space<semaphore_mem>>) src(%arg11 : memref<128x128xf32, #tpu.memory_space<vmem>>) dst(%dma_wait3A_89 : memref<10240x128xf32, #tpu.memory_space<vmem_shared>>)
      tpu.yield
    }) : () -> ()
    %add3A_7 = arith.constant 256 : i32
    %add3A_8 = arith.addi %mul3A_2, %add3A_7 : i32
    "tpu.region"() ({
      %run_scoped3A = tpu.sem_alloc : memref<!tpu.dma_semaphore, #tpu.memory_space<semaphore_mem>>
      %dma_start3A_84 = tpu.memref_slice %arg6[%add3A_8] : memref<10240xi32, #tpu.memory_space<hbm>> -> memref<128xi32, #tpu.memory_space<hbm>>
      %dma_start3A_85 = tpu.memref_slice %arg6[%add3A_8] : memref<10240xi32, #tpu.memory_space<hbm>> -> memref<128xi32, #tpu.memory_space<hbm>>
      tpu.enqueue_dma source(%dma_start3A_85 : memref<128xi32, #tpu.memory_space<hbm>>) target(%arg10 : memref<128xi32, #tpu.memory_space<vmem>>) target_semaphore(%run_scoped3A : memref<!tpu.dma_semaphore, #tpu.memory_space<semaphore_mem>>)
      %dma_wait3A_86 = tpu.memref_slice %arg6[%add3A_8] : memref<10240xi32, #tpu.memory_space<hbm>> -> memref<128xi32, #tpu.memory_space<hbm>>
      %dma_wait3A_87 = tpu.memref_slice %arg6[%add3A_8] : memref<10240xi32, #tpu.memory_space<hbm>> -> memref<128xi32, #tpu.memory_space<hbm>>
      tpu.wait_dma2 semaphore(%run_scoped3A : memref<!tpu.dma_semaphore, #tpu.memory_space<semaphore_mem>>) src(%dma_wait3A_87 : memref<128xi32, #tpu.memory_space<hbm>>) dst(%arg10 : memref<128xi32, #tpu.memory_space<vmem>>)
      tpu.yield
    }) : () -> ()
    "tpu.region"() ({
      %run_scoped3A = tpu.sem_alloc : memref<!tpu.dma_semaphore, #tpu.memory_space<semaphore_mem>>
      %dma_start3A_84 = arith.constant 0 : i32
      %dma_start3A_85 = arith.constant 0 : i32
      %dma_start3A_86 = tpu.memref_slice %arg12[%dma_start3A_84, %dma_start3A_85] : memref<10240x128xf32, #tpu.memory_space<vmem_shared>> -> memref<10240x128xf32, #tpu.memory_space<vmem_shared>>
      tpu.enqueue_indirect_dma source(%arg11 : memref<128x128xf32, #tpu.memory_space<vmem>>) target(%dma_start3A_86 : memref<10240x128xf32, #tpu.memory_space<vmem_shared>>) offsets(%arg10 : memref<128xi32, #tpu.memory_space<vmem>>) semaphore(%run_scoped3A : memref<!tpu.dma_semaphore, #tpu.memory_space<semaphore_mem>>)
      %dma_wait3A_87 = arith.constant 0 : i32
      %dma_wait3A_88 = arith.constant 0 : i32
      %dma_wait3A_89 = tpu.memref_slice %arg12[%dma_wait3A_87, %dma_wait3A_88] : memref<10240x128xf32, #tpu.memory_space<vmem_shared>> -> memref<10240x128xf32, #tpu.memory_space<vmem_shared>>
      tpu.wait_indirect_dma semaphore(%run_scoped3A : memref<!tpu.dma_semaphore, #tpu.memory_space<semaphore_mem>>) src(%arg11 : memref<128x128xf32, #tpu.memory_space<vmem>>) dst(%dma_wait3A_89 : memref<10240x128xf32, #tpu.memory_space<vmem_shared>>)
      tpu.yield
    }) : () -> ()
    %add3A_9 = arith.constant 384 : i32
    %add3A_10 = arith.addi %mul3A_2, %add3A_9 : i32
    "tpu.region"() ({
      %run_scoped3A = tpu.sem_alloc : memref<!tpu.dma_semaphore, #tpu.memory_space<semaphore_mem>>
      %dma_start3A_84 = tpu.memref_slice %arg6[%add3A_10] : memref<10240xi32, #tpu.memory_space<hbm>> -> memref<128xi32, #tpu.memory_space<hbm>>
      %dma_start3A_85 = tpu.memref_slice %arg6[%add3A_10] : memref<10240xi32, #tpu.memory_space<hbm>> -> memref<128xi32, #tpu.memory_space<hbm>>
      tpu.enqueue_dma source(%dma_start3A_85 : memref<128xi32, #tpu.memory_space<hbm>>) target(%arg10 : memref<128xi32, #tpu.memory_space<vmem>>) target_semaphore(%run_scoped3A : memref<!tpu.dma_semaphore, #tpu.memory_space<semaphore_mem>>)
      %dma_wait3A_86 = tpu.memref_slice %arg6[%add3A_10] : memref<10240xi32, #tpu.memory_space<hbm>> -> memref<128xi32, #tpu.memory_space<hbm>>
      %dma_wait3A_87 = tpu.memref_slice %arg6[%add3A_10] : memref<10240xi32, #tpu.memory_space<hbm>> -> memref<128xi32, #tpu.memory_space<hbm>>
      tpu.wait_dma2 semaphore(%run_scoped3A : memref<!tpu.dma_semaphore, #tpu.memory_space<semaphore_mem>>) src(%dma_wait3A_87 : memref<128xi32, #tpu.memory_space<hbm>>) dst(%arg10 : memref<128xi32, #tpu.memory_space<vmem>>)
      tpu.yield
    }) : () -> ()
    "tpu.region"() ({
      %run_scoped3A = tpu.sem_alloc : memref<!tpu.dma_semaphore, #tpu.memory_space<semaphore_mem>>
      %dma_start3A_84 = arith.constant 0 : i32
      %dma_start3A_85 = arith.constant 0 : i32
      %dma_start3A_86 = tpu.memref_slice %arg12[%dma_start3A_84, %dma_start3A_85] : memref<10240x128xf32, #tpu.memory_space<vmem_shared>> -> memref<10240x128xf32, #tpu.memory_space<vmem_shared>>
      tpu.enqueue_indirect_dma source(%arg11 : memref<128x128xf32, #tpu.memory_space<vmem>>) target(%dma_start3A_86 : memref<10240x128xf32, #tpu.memory_space<vmem_shared>>) offsets(%arg10 : memref<128xi32, #tpu.memory_space<vmem>>) semaphore(%run_scoped3A : memref<!tpu.dma_semaphore, #tpu.memory_space<semaphore_mem>>)
      %dma_wait3A_87 = arith.constant 0 : i32
      %dma_wait3A_88 = arith.constant 0 : i32
      %dma_wait3A_89 = tpu.memref_slice %arg12[%dma_wait3A_87, %dma_wait3A_88] : memref<10240x128xf32, #tpu.memory_space<vmem_shared>> -> memref<10240x128xf32, #tpu.memory_space<vmem_shared>>
      tpu.wait_indirect_dma semaphore(%run_scoped3A : memref<!tpu.dma_semaphore, #tpu.memory_space<semaphore_mem>>) src(%arg11 : memref<128x128xf32, #tpu.memory_space<vmem>>) dst(%dma_wait3A_89 : memref<10240x128xf32, #tpu.memory_space<vmem_shared>>)
      tpu.yield
    }) : () -> ()
    %add3A_11 = arith.constant 512 : i32
    %add3A_12 = arith.addi %mul3A_2, %add3A_11 : i32
    "tpu.region"() ({
      %run_scoped3A = tpu.sem_alloc : memref<!tpu.dma_semaphore, #tpu.memory_space<semaphore_mem>>
      %dma_start3A_84 = tpu.memref_slice %arg6[%add3A_12] : memref<10240xi32, #tpu.memory_space<hbm>> -> memref<128xi32, #tpu.memory_space<hbm>>
      %dma_start3A_85 = tpu.memref_slice %arg6[%add3A_12] : memref<10240xi32, #tpu.memory_space<hbm>> -> memref<128xi32, #tpu.memory_space<hbm>>
      tpu.enqueue_dma source(%dma_start3A_85 : memref<128xi32, #tpu.memory_space<hbm>>) target(%arg10 : memref<128xi32, #tpu.memory_space<vmem>>) target_semaphore(%run_scoped3A : memref<!tpu.dma_semaphore, #tpu.memory_space<semaphore_mem>>)
      %dma_wait3A_86 = tpu.memref_slice %arg6[%add3A_12] : memref<10240xi32, #tpu.memory_space<hbm>> -> memref<128xi32, #tpu.memory_space<hbm>>
      %dma_wait3A_87 = tpu.memref_slice %arg6[%add3A_12] : memref<10240xi32, #tpu.memory_space<hbm>> -> memref<128xi32, #tpu.memory_space<hbm>>
      tpu.wait_dma2 semaphore(%run_scoped3A : memref<!tpu.dma_semaphore, #tpu.memory_space<semaphore_mem>>) src(%dma_wait3A_87 : memref<128xi32, #tpu.memory_space<hbm>>) dst(%arg10 : memref<128xi32, #tpu.memory_space<vmem>>)
      tpu.yield
    }) : () -> ()
    "tpu.region"() ({
      %run_scoped3A = tpu.sem_alloc : memref<!tpu.dma_semaphore, #tpu.memory_space<semaphore_mem>>
      %dma_start3A_84 = arith.constant 0 : i32
      %dma_start3A_85 = arith.constant 0 : i32
      %dma_start3A_86 = tpu.memref_slice %arg12[%dma_start3A_84, %dma_start3A_85] : memref<10240x128xf32, #tpu.memory_space<vmem_shared>> -> memref<10240x128xf32, #tpu.memory_space<vmem_shared>>
      tpu.enqueue_indirect_dma source(%arg11 : memref<128x128xf32, #tpu.memory_space<vmem>>) target(%dma_start3A_86 : memref<10240x128xf32, #tpu.memory_space<vmem_shared>>) offsets(%arg10 : memref<128xi32, #tpu.memory_space<vmem>>) semaphore(%run_scoped3A : memref<!tpu.dma_semaphore, #tpu.memory_space<semaphore_mem>>)
      %dma_wait3A_87 = arith.constant 0 : i32
      %dma_wait3A_88 = arith.constant 0 : i32
      %dma_wait3A_89 = tpu.memref_slice %arg12[%dma_wait3A_87, %dma_wait3A_88] : memref<10240x128xf32, #tpu.memory_space<vmem_shared>> -> memref<10240x128xf32, #tpu.memory_space<vmem_shared>>
      tpu.wait_indirect_dma semaphore(%run_scoped3A : memref<!tpu.dma_semaphore, #tpu.memory_space<semaphore_mem>>) src(%arg11 : memref<128x128xf32, #tpu.memory_space<vmem>>) dst(%dma_wait3A_89 : memref<10240x128xf32, #tpu.memory_space<vmem_shared>>)
      tpu.yield
    }) : () -> ()
    %barrier3A = arith.constant 0 : index
    tpu.barrier barrier_id(%barrier3A)
    %mul3A_13 = arith.constant 10240 : i32
    %mul3A_14 = arith.muli %add3A, %mul3A_13 : i32
    %scan3A = arith.constant 0 : i32
    %scan3A_15 = arith.constant 0 : i32
    %scan3A_16 = arith.constant 80 : i32
    %scan3A_17 = arith.addi %scan3A_15, %scan3A_16 : i32
    %scan3A_18 = arith.constant 1 : i32
    scf.for %scan3A_84 = %scan3A_15 to %scan3A_17 step %scan3A_18  : i32 {
      %mul3A_85 = arith.constant 128 : i32
      %mul3A_86 = arith.muli %scan3A_84, %mul3A_85 : i32
      %add3A_87 = arith.addi %mul3A_14, %mul3A_86 : i32
      "tpu.region"() ({
        %run_scoped3A = tpu.sem_alloc : memref<!tpu.dma_semaphore, #tpu.memory_space<semaphore_mem>>
        %dma_start3A_97 = tpu.memref_slice %arg3[%add3A_87] : memref<327680xi32, #tpu.memory_space<hbm>> -> memref<128xi32, #tpu.memory_space<hbm>>
        %dma_start3A_98 = tpu.memref_slice %arg3[%add3A_87] : memref<327680xi32, #tpu.memory_space<hbm>> -> memref<128xi32, #tpu.memory_space<hbm>>
        tpu.enqueue_dma source(%dma_start3A_98 : memref<128xi32, #tpu.memory_space<hbm>>) target(%arg8 : memref<128xi32, #tpu.memory_space<vmem>>) target_semaphore(%run_scoped3A : memref<!tpu.dma_semaphore, #tpu.memory_space<semaphore_mem>>)
        %dma_wait3A_99 = tpu.memref_slice %arg3[%add3A_87] : memref<327680xi32, #tpu.memory_space<hbm>> -> memref<128xi32, #tpu.memory_space<hbm>>
        %dma_wait3A_100 = tpu.memref_slice %arg3[%add3A_87] : memref<327680xi32, #tpu.memory_space<hbm>> -> memref<128xi32, #tpu.memory_space<hbm>>
        tpu.wait_dma2 semaphore(%run_scoped3A : memref<!tpu.dma_semaphore, #tpu.memory_space<semaphore_mem>>) src(%dma_wait3A_100 : memref<128xi32, #tpu.memory_space<hbm>>) dst(%arg8 : memref<128xi32, #tpu.memory_space<vmem>>)
        tpu.yield
      }) : () -> ()
      %mul3A_88 = arith.constant 128 : i32
      %mul3A_89 = arith.muli %scan3A_84, %mul3A_88 : i32
      %add3A_90 = arith.addi %mul3A_14, %mul3A_89 : i32
      "tpu.region"() ({
        %run_scoped3A = tpu.sem_alloc : memref<!tpu.dma_semaphore, #tpu.memory_space<semaphore_mem>>
        %dma_start3A_97 = tpu.memref_slice %arg4[%add3A_90] : memref<327680xi32, #tpu.memory_space<hbm>> -> memref<128xi32, #tpu.memory_space<hbm>>
        %dma_start3A_98 = tpu.memref_slice %arg4[%add3A_90] : memref<327680xi32, #tpu.memory_space<hbm>> -> memref<128xi32, #tpu.memory_space<hbm>>
        tpu.enqueue_dma source(%dma_start3A_98 : memref<128xi32, #tpu.memory_space<hbm>>) target(%arg9 : memref<128xi32, #tpu.memory_space<vmem>>) target_semaphore(%run_scoped3A : memref<!tpu.dma_semaphore, #tpu.memory_space<semaphore_mem>>)
        %dma_wait3A_99 = tpu.memref_slice %arg4[%add3A_90] : memref<327680xi32, #tpu.memory_space<hbm>> -> memref<128xi32, #tpu.memory_space<hbm>>
        %dma_wait3A_100 = tpu.memref_slice %arg4[%add3A_90] : memref<327680xi32, #tpu.memory_space<hbm>> -> memref<128xi32, #tpu.memory_space<hbm>>
        tpu.wait_dma2 semaphore(%run_scoped3A : memref<!tpu.dma_semaphore, #tpu.memory_space<semaphore_mem>>) src(%dma_wait3A_100 : memref<128xi32, #tpu.memory_space<hbm>>) dst(%arg9 : memref<128xi32, #tpu.memory_space<vmem>>)
        tpu.yield
      }) : () -> ()
      %dma_start3A_91 = arith.constant 0 : i32
      %dma_start3A_92 = arith.constant 0 : i32
      %dma_start3A_93 = tpu.memref_slice %arg2[%dma_start3A_91, %dma_start3A_92] : memref<10000x128xf32, #tpu.memory_space<hbm>> -> memref<10000x128xf32, #tpu.memory_space<hbm>>
      tpu.enqueue_indirect_dma source(%dma_start3A_93 : memref<10000x128xf32, #tpu.memory_space<hbm>>) target(%arg11 : memref<128x128xf32, #tpu.memory_space<vmem>>) offsets(%arg8 : memref<128xi32, #tpu.memory_space<vmem>>) semaphore(%arg13 : memref<!tpu.dma_semaphore, #tpu.memory_space<semaphore_mem>>)
      %dma_wait3A_94 = arith.constant 0 : i32
      %dma_wait3A_95 = arith.constant 0 : i32
      %dma_wait3A_96 = tpu.memref_slice %arg2[%dma_wait3A_94, %dma_wait3A_95] : memref<10000x128xf32, #tpu.memory_space<hbm>> -> memref<10000x128xf32, #tpu.memory_space<hbm>>
      tpu.wait_indirect_dma semaphore(%arg13 : memref<!tpu.dma_semaphore, #tpu.memory_space<semaphore_mem>>) src(%dma_wait3A_96 : memref<10000x128xf32, #tpu.memory_space<hbm>>) dst(%arg11 : memref<128x128xf32, #tpu.memory_space<vmem>>)
      "tpu.region"() ({
        %run_scoped3A = tpu.sem_alloc : memref<!tpu.dma_semaphore, #tpu.memory_space<semaphore_mem>>
        %dma_start3A_97 = arith.constant 0 : i32
        %dma_start3A_98 = arith.constant 0 : i32
        %dma_start3A_99 = tpu.memref_slice %arg12[%dma_start3A_97, %dma_start3A_98] : memref<10240x128xf32, #tpu.memory_space<vmem_shared>> -> memref<10240x128xf32, #tpu.memory_space<vmem_shared>>
        tpu.enqueue_indirect_dma source(%arg11 : memref<128x128xf32, #tpu.memory_space<vmem>>) target(%dma_start3A_99 : memref<10240x128xf32, #tpu.memory_space<vmem_shared>>) offsets(%arg9 : memref<128xi32, #tpu.memory_space<vmem>>) semaphore(%run_scoped3A : memref<!tpu.dma_semaphore, #tpu.memory_space<semaphore_mem>>) {add = true}
        %dma_wait3A_100 = arith.constant 0 : i32
        %dma_wait3A_101 = arith.constant 0 : i32
        %dma_wait3A_102 = tpu.memref_slice %arg12[%dma_wait3A_100, %dma_wait3A_101] : memref<10240x128xf32, #tpu.memory_space<vmem_shared>> -> memref<10240x128xf32, #tpu.memory_space<vmem_shared>>
        tpu.wait_indirect_dma semaphore(%run_scoped3A : memref<!tpu.dma_semaphore, #tpu.memory_space<semaphore_mem>>) src(%arg11 : memref<128x128xf32, #tpu.memory_space<vmem>>) dst(%dma_wait3A_102 : memref<10240x128xf32, #tpu.memory_space<vmem_shared>>)
        tpu.yield
      }) : () -> ()
    }
    %scan3A_19 = arith.constant 80 : i32
    %barrier3A_20 = arith.constant 0 : index
    tpu.barrier barrier_id(%barrier3A_20)
    %add3A_21 = arith.constant 0 : i32
    %add3A_22 = arith.addi %mul3A_2, %add3A_21 : i32
    "tpu.region"() ({
      %run_scoped3A = tpu.sem_alloc : memref<!tpu.dma_semaphore, #tpu.memory_space<semaphore_mem>>
      %dma_start3A_84 = tpu.memref_slice %arg6[%add3A_22] : memref<10240xi32, #tpu.memory_space<hbm>> -> memref<128xi32, #tpu.memory_space<hbm>>
      %dma_start3A_85 = tpu.memref_slice %arg6[%add3A_22] : memref<10240xi32, #tpu.memory_space<hbm>> -> memref<128xi32, #tpu.memory_space<hbm>>
      tpu.enqueue_dma source(%dma_start3A_85 : memref<128xi32, #tpu.memory_space<hbm>>) target(%arg10 : memref<128xi32, #tpu.memory_space<vmem>>) target_semaphore(%run_scoped3A : memref<!tpu.dma_semaphore, #tpu.memory_space<semaphore_mem>>)
      %dma_wait3A_86 = tpu.memref_slice %arg6[%add3A_22] : memref<10240xi32, #tpu.memory_space<hbm>> -> memref<128xi32, #tpu.memory_space<hbm>>
      %dma_wait3A_87 = tpu.memref_slice %arg6[%add3A_22] : memref<10240xi32, #tpu.memory_space<hbm>> -> memref<128xi32, #tpu.memory_space<hbm>>
      tpu.wait_dma2 semaphore(%run_scoped3A : memref<!tpu.dma_semaphore, #tpu.memory_space<semaphore_mem>>) src(%dma_wait3A_87 : memref<128xi32, #tpu.memory_space<hbm>>) dst(%arg10 : memref<128xi32, #tpu.memory_space<vmem>>)
      tpu.yield
    }) : () -> ()
    %mul3A_23 = arith.constant 10240 : i32
    %mul3A_24 = arith.muli %arg0, %mul3A_23 : i32
    %add3A_25 = arith.addi %mul3A_24, %mul3A_2 : i32
    %add3A_26 = arith.constant 0 : i32
    %add3A_27 = arith.addi %add3A_25, %add3A_26 : i32
    %dma_start3A = arith.constant 0 : i32
    %dma_start3A_28 = arith.constant 0 : i32
    %dma_start3A_29 = tpu.memref_slice %arg12[%dma_start3A, %dma_start3A_28] : memref<10240x128xf32, #tpu.memory_space<vmem_shared>> -> memref<10240x128xf32, #tpu.memory_space<vmem_shared>>
    tpu.enqueue_indirect_dma source(%dma_start3A_29 : memref<10240x128xf32, #tpu.memory_space<vmem_shared>>) target(%arg11 : memref<128x128xf32, #tpu.memory_space<vmem>>) offsets(%arg10 : memref<128xi32, #tpu.memory_space<vmem>>) semaphore(%arg13 : memref<!tpu.dma_semaphore, #tpu.memory_space<semaphore_mem>>)
    %dma_wait3A = arith.constant 0 : i32
    %dma_wait3A_30 = arith.constant 0 : i32
    %dma_wait3A_31 = tpu.memref_slice %arg12[%dma_wait3A, %dma_wait3A_30] : memref<10240x128xf32, #tpu.memory_space<vmem_shared>> -> memref<10240x128xf32, #tpu.memory_space<vmem_shared>>
    tpu.wait_indirect_dma semaphore(%arg13 : memref<!tpu.dma_semaphore, #tpu.memory_space<semaphore_mem>>) src(%dma_wait3A_31 : memref<10240x128xf32, #tpu.memory_space<vmem_shared>>) dst(%arg11 : memref<128x128xf32, #tpu.memory_space<vmem>>)
    "tpu.region"() ({
      %run_scoped3A = tpu.sem_alloc : memref<!tpu.dma_semaphore, #tpu.memory_space<semaphore_mem>>
      %dma_start3A_84 = arith.constant 0 : i32
      %dma_start3A_85 = tpu.memref_slice %arg7[%add3A_27, %dma_start3A_84] : memref<20480x128xf32, #tpu.memory_space<hbm>> -> memref<128x128xf32, #tpu.memory_space<hbm>>
      %dma_start3A_86 = arith.constant 0 : i32
      %dma_start3A_87 = tpu.memref_slice %arg7[%add3A_27, %dma_start3A_86] : memref<20480x128xf32, #tpu.memory_space<hbm>> -> memref<128x128xf32, #tpu.memory_space<hbm>>
      tpu.enqueue_dma source(%arg11 : memref<128x128xf32, #tpu.memory_space<vmem>>) target(%dma_start3A_87 : memref<128x128xf32, #tpu.memory_space<hbm>>) target_semaphore(%run_scoped3A : memref<!tpu.dma_semaphore, #tpu.memory_space<semaphore_mem>>)
      %dma_wait3A_88 = arith.constant 0 : i32
      %dma_wait3A_89 = tpu.memref_slice %arg7[%add3A_27, %dma_wait3A_88] : memref<20480x128xf32, #tpu.memory_space<hbm>> -> memref<128x128xf32, #tpu.memory_space<hbm>>
      %dma_wait3A_90 = arith.constant 0 : i32
      %dma_wait3A_91 = tpu.memref_slice %arg7[%add3A_27, %dma_wait3A_90] : memref<20480x128xf32, #tpu.memory_space<hbm>> -> memref<128x128xf32, #tpu.memory_space<hbm>>
      tpu.wait_dma2 semaphore(%run_scoped3A : memref<!tpu.dma_semaphore, #tpu.memory_space<semaphore_mem>>) src(%arg11 : memref<128x128xf32, #tpu.memory_space<vmem>>) dst(%dma_wait3A_91 : memref<128x128xf32, #tpu.memory_space<hbm>>)
      tpu.yield
    }) : () -> ()
    %add3A_32 = arith.constant 128 : i32
    %add3A_33 = arith.addi %mul3A_2, %add3A_32 : i32
    "tpu.region"() ({
      %run_scoped3A = tpu.sem_alloc : memref<!tpu.dma_semaphore, #tpu.memory_space<semaphore_mem>>
      %dma_start3A_84 = tpu.memref_slice %arg6[%add3A_33] : memref<10240xi32, #tpu.memory_space<hbm>> -> memref<128xi32, #tpu.memory_space<hbm>>
      %dma_start3A_85 = tpu.memref_slice %arg6[%add3A_33] : memref<10240xi32, #tpu.memory_space<hbm>> -> memref<128xi32, #tpu.memory_space<hbm>>
      tpu.enqueue_dma source(%dma_start3A_85 : memref<128xi32, #tpu.memory_space<hbm>>) target(%arg10 : memref<128xi32, #tpu.memory_space<vmem>>) target_semaphore(%run_scoped3A : memref<!tpu.dma_semaphore, #tpu.memory_space<semaphore_mem>>)
      %dma_wait3A_86 = tpu.memref_slice %arg6[%add3A_33] : memref<10240xi32, #tpu.memory_space<hbm>> -> memref<128xi32, #tpu.memory_space<hbm>>
      %dma_wait3A_87 = tpu.memref_slice %arg6[%add3A_33] : memref<10240xi32, #tpu.memory_space<hbm>> -> memref<128xi32, #tpu.memory_space<hbm>>
      tpu.wait_dma2 semaphore(%run_scoped3A : memref<!tpu.dma_semaphore, #tpu.memory_space<semaphore_mem>>) src(%dma_wait3A_87 : memref<128xi32, #tpu.memory_space<hbm>>) dst(%arg10 : memref<128xi32, #tpu.memory_space<vmem>>)
      tpu.yield
    }) : () -> ()
    %mul3A_34 = arith.constant 10240 : i32
    %mul3A_35 = arith.muli %arg0, %mul3A_34 : i32
    %add3A_36 = arith.addi %mul3A_35, %mul3A_2 : i32
    %add3A_37 = arith.constant 128 : i32
    %add3A_38 = arith.addi %add3A_36, %add3A_37 : i32
    %dma_start3A_39 = arith.constant 0 : i32
    %dma_start3A_40 = arith.constant 0 : i32
    %dma_start3A_41 = tpu.memref_slice %arg12[%dma_start3A_39, %dma_start3A_40] : memref<10240x128xf32, #tpu.memory_space<vmem_shared>> -> memref<10240x128xf32, #tpu.memory_space<vmem_shared>>
    tpu.enqueue_indirect_dma source(%dma_start3A_41 : memref<10240x128xf32, #tpu.memory_space<vmem_shared>>) target(%arg11 : memref<128x128xf32, #tpu.memory_space<vmem>>) offsets(%arg10 : memref<128xi32, #tpu.memory_space<vmem>>) semaphore(%arg13 : memref<!tpu.dma_semaphore, #tpu.memory_space<semaphore_mem>>)
    %dma_wait3A_42 = arith.constant 0 : i32
    %dma_wait3A_43 = arith.constant 0 : i32
    %dma_wait3A_44 = tpu.memref_slice %arg12[%dma_wait3A_42, %dma_wait3A_43] : memref<10240x128xf32, #tpu.memory_space<vmem_shared>> -> memref<10240x128xf32, #tpu.memory_space<vmem_shared>>
    tpu.wait_indirect_dma semaphore(%arg13 : memref<!tpu.dma_semaphore, #tpu.memory_space<semaphore_mem>>) src(%dma_wait3A_44 : memref<10240x128xf32, #tpu.memory_space<vmem_shared>>) dst(%arg11 : memref<128x128xf32, #tpu.memory_space<vmem>>)
    "tpu.region"() ({
      %run_scoped3A = tpu.sem_alloc : memref<!tpu.dma_semaphore, #tpu.memory_space<semaphore_mem>>
      %dma_start3A_84 = arith.constant 0 : i32
      %dma_start3A_85 = tpu.memref_slice %arg7[%add3A_38, %dma_start3A_84] : memref<20480x128xf32, #tpu.memory_space<hbm>> -> memref<128x128xf32, #tpu.memory_space<hbm>>
      %dma_start3A_86 = arith.constant 0 : i32
      %dma_start3A_87 = tpu.memref_slice %arg7[%add3A_38, %dma_start3A_86] : memref<20480x128xf32, #tpu.memory_space<hbm>> -> memref<128x128xf32, #tpu.memory_space<hbm>>
      tpu.enqueue_dma source(%arg11 : memref<128x128xf32, #tpu.memory_space<vmem>>) target(%dma_start3A_87 : memref<128x128xf32, #tpu.memory_space<hbm>>) target_semaphore(%run_scoped3A : memref<!tpu.dma_semaphore, #tpu.memory_space<semaphore_mem>>)
      %dma_wait3A_88 = arith.constant 0 : i32
      %dma_wait3A_89 = tpu.memref_slice %arg7[%add3A_38, %dma_wait3A_88] : memref<20480x128xf32, #tpu.memory_space<hbm>> -> memref<128x128xf32, #tpu.memory_space<hbm>>
      %dma_wait3A_90 = arith.constant 0 : i32
      %dma_wait3A_91 = tpu.memref_slice %arg7[%add3A_38, %dma_wait3A_90] : memref<20480x128xf32, #tpu.memory_space<hbm>> -> memref<128x128xf32, #tpu.memory_space<hbm>>
      tpu.wait_dma2 semaphore(%run_scoped3A : memref<!tpu.dma_semaphore, #tpu.memory_space<semaphore_mem>>) src(%arg11 : memref<128x128xf32, #tpu.memory_space<vmem>>) dst(%dma_wait3A_91 : memref<128x128xf32, #tpu.memory_space<hbm>>)
      tpu.yield
    }) : () -> ()
    %add3A_45 = arith.constant 256 : i32
    %add3A_46 = arith.addi %mul3A_2, %add3A_45 : i32
    "tpu.region"() ({
      %run_scoped3A = tpu.sem_alloc : memref<!tpu.dma_semaphore, #tpu.memory_space<semaphore_mem>>
      %dma_start3A_84 = tpu.memref_slice %arg6[%add3A_46] : memref<10240xi32, #tpu.memory_space<hbm>> -> memref<128xi32, #tpu.memory_space<hbm>>
      %dma_start3A_85 = tpu.memref_slice %arg6[%add3A_46] : memref<10240xi32, #tpu.memory_space<hbm>> -> memref<128xi32, #tpu.memory_space<hbm>>
      tpu.enqueue_dma source(%dma_start3A_85 : memref<128xi32, #tpu.memory_space<hbm>>) target(%arg10 : memref<128xi32, #tpu.memory_space<vmem>>) target_semaphore(%run_scoped3A : memref<!tpu.dma_semaphore, #tpu.memory_space<semaphore_mem>>)
      %dma_wait3A_86 = tpu.memref_slice %arg6[%add3A_46] : memref<10240xi32, #tpu.memory_space<hbm>> -> memref<128xi32, #tpu.memory_space<hbm>>
      %dma_wait3A_87 = tpu.memref_slice %arg6[%add3A_46] : memref<10240xi32, #tpu.memory_space<hbm>> -> memref<128xi32, #tpu.memory_space<hbm>>
      tpu.wait_dma2 semaphore(%run_scoped3A : memref<!tpu.dma_semaphore, #tpu.memory_space<semaphore_mem>>) src(%dma_wait3A_87 : memref<128xi32, #tpu.memory_space<hbm>>) dst(%arg10 : memref<128xi32, #tpu.memory_space<vmem>>)
      tpu.yield
    }) : () -> ()
    %mul3A_47 = arith.constant 10240 : i32
    %mul3A_48 = arith.muli %arg0, %mul3A_47 : i32
    %add3A_49 = arith.addi %mul3A_48, %mul3A_2 : i32
    %add3A_50 = arith.constant 256 : i32
    %add3A_51 = arith.addi %add3A_49, %add3A_50 : i32
    %dma_start3A_52 = arith.constant 0 : i32
    %dma_start3A_53 = arith.constant 0 : i32
    %dma_start3A_54 = tpu.memref_slice %arg12[%dma_start3A_52, %dma_start3A_53] : memref<10240x128xf32, #tpu.memory_space<vmem_shared>> -> memref<10240x128xf32, #tpu.memory_space<vmem_shared>>
    tpu.enqueue_indirect_dma source(%dma_start3A_54 : memref<10240x128xf32, #tpu.memory_space<vmem_shared>>) target(%arg11 : memref<128x128xf32, #tpu.memory_space<vmem>>) offsets(%arg10 : memref<128xi32, #tpu.memory_space<vmem>>) semaphore(%arg13 : memref<!tpu.dma_semaphore, #tpu.memory_space<semaphore_mem>>)
    %dma_wait3A_55 = arith.constant 0 : i32
    %dma_wait3A_56 = arith.constant 0 : i32
    %dma_wait3A_57 = tpu.memref_slice %arg12[%dma_wait3A_55, %dma_wait3A_56] : memref<10240x128xf32, #tpu.memory_space<vmem_shared>> -> memref<10240x128xf32, #tpu.memory_space<vmem_shared>>
    tpu.wait_indirect_dma semaphore(%arg13 : memref<!tpu.dma_semaphore, #tpu.memory_space<semaphore_mem>>) src(%dma_wait3A_57 : memref<10240x128xf32, #tpu.memory_space<vmem_shared>>) dst(%arg11 : memref<128x128xf32, #tpu.memory_space<vmem>>)
    "tpu.region"() ({
      %run_scoped3A = tpu.sem_alloc : memref<!tpu.dma_semaphore, #tpu.memory_space<semaphore_mem>>
      %dma_start3A_84 = arith.constant 0 : i32
      %dma_start3A_85 = tpu.memref_slice %arg7[%add3A_51, %dma_start3A_84] : memref<20480x128xf32, #tpu.memory_space<hbm>> -> memref<128x128xf32, #tpu.memory_space<hbm>>
      %dma_start3A_86 = arith.constant 0 : i32
      %dma_start3A_87 = tpu.memref_slice %arg7[%add3A_51, %dma_start3A_86] : memref<20480x128xf32, #tpu.memory_space<hbm>> -> memref<128x128xf32, #tpu.memory_space<hbm>>
      tpu.enqueue_dma source(%arg11 : memref<128x128xf32, #tpu.memory_space<vmem>>) target(%dma_start3A_87 : memref<128x128xf32, #tpu.memory_space<hbm>>) target_semaphore(%run_scoped3A : memref<!tpu.dma_semaphore, #tpu.memory_space<semaphore_mem>>)
      %dma_wait3A_88 = arith.constant 0 : i32
      %dma_wait3A_89 = tpu.memref_slice %arg7[%add3A_51, %dma_wait3A_88] : memref<20480x128xf32, #tpu.memory_space<hbm>> -> memref<128x128xf32, #tpu.memory_space<hbm>>
      %dma_wait3A_90 = arith.constant 0 : i32
      %dma_wait3A_91 = tpu.memref_slice %arg7[%add3A_51, %dma_wait3A_90] : memref<20480x128xf32, #tpu.memory_space<hbm>> -> memref<128x128xf32, #tpu.memory_space<hbm>>
      tpu.wait_dma2 semaphore(%run_scoped3A : memref<!tpu.dma_semaphore, #tpu.memory_space<semaphore_mem>>) src(%arg11 : memref<128x128xf32, #tpu.memory_space<vmem>>) dst(%dma_wait3A_91 : memref<128x128xf32, #tpu.memory_space<hbm>>)
      tpu.yield
    }) : () -> ()
    %add3A_58 = arith.constant 384 : i32
    %add3A_59 = arith.addi %mul3A_2, %add3A_58 : i32
    "tpu.region"() ({
      %run_scoped3A = tpu.sem_alloc : memref<!tpu.dma_semaphore, #tpu.memory_space<semaphore_mem>>
      %dma_start3A_84 = tpu.memref_slice %arg6[%add3A_59] : memref<10240xi32, #tpu.memory_space<hbm>> -> memref<128xi32, #tpu.memory_space<hbm>>
      %dma_start3A_85 = tpu.memref_slice %arg6[%add3A_59] : memref<10240xi32, #tpu.memory_space<hbm>> -> memref<128xi32, #tpu.memory_space<hbm>>
      tpu.enqueue_dma source(%dma_start3A_85 : memref<128xi32, #tpu.memory_space<hbm>>) target(%arg10 : memref<128xi32, #tpu.memory_space<vmem>>) target_semaphore(%run_scoped3A : memref<!tpu.dma_semaphore, #tpu.memory_space<semaphore_mem>>)
      %dma_wait3A_86 = tpu.memref_slice %arg6[%add3A_59] : memref<10240xi32, #tpu.memory_space<hbm>> -> memref<128xi32, #tpu.memory_space<hbm>>
      %dma_wait3A_87 = tpu.memref_slice %arg6[%add3A_59] : memref<10240xi32, #tpu.memory_space<hbm>> -> memref<128xi32, #tpu.memory_space<hbm>>
      tpu.wait_dma2 semaphore(%run_scoped3A : memref<!tpu.dma_semaphore, #tpu.memory_space<semaphore_mem>>) src(%dma_wait3A_87 : memref<128xi32, #tpu.memory_space<hbm>>) dst(%arg10 : memref<128xi32, #tpu.memory_space<vmem>>)
      tpu.yield
    }) : () -> ()
    %mul3A_60 = arith.constant 10240 : i32
    %mul3A_61 = arith.muli %arg0, %mul3A_60 : i32
    %add3A_62 = arith.addi %mul3A_61, %mul3A_2 : i32
    %add3A_63 = arith.constant 384 : i32
    %add3A_64 = arith.addi %add3A_62, %add3A_63 : i32
    %dma_start3A_65 = arith.constant 0 : i32
    %dma_start3A_66 = arith.constant 0 : i32
    %dma_start3A_67 = tpu.memref_slice %arg12[%dma_start3A_65, %dma_start3A_66] : memref<10240x128xf32, #tpu.memory_space<vmem_shared>> -> memref<10240x128xf32, #tpu.memory_space<vmem_shared>>
    tpu.enqueue_indirect_dma source(%dma_start3A_67 : memref<10240x128xf32, #tpu.memory_space<vmem_shared>>) target(%arg11 : memref<128x128xf32, #tpu.memory_space<vmem>>) offsets(%arg10 : memref<128xi32, #tpu.memory_space<vmem>>) semaphore(%arg13 : memref<!tpu.dma_semaphore, #tpu.memory_space<semaphore_mem>>)
    %dma_wait3A_68 = arith.constant 0 : i32
    %dma_wait3A_69 = arith.constant 0 : i32
    %dma_wait3A_70 = tpu.memref_slice %arg12[%dma_wait3A_68, %dma_wait3A_69] : memref<10240x128xf32, #tpu.memory_space<vmem_shared>> -> memref<10240x128xf32, #tpu.memory_space<vmem_shared>>
    tpu.wait_indirect_dma semaphore(%arg13 : memref<!tpu.dma_semaphore, #tpu.memory_space<semaphore_mem>>) src(%dma_wait3A_70 : memref<10240x128xf32, #tpu.memory_space<vmem_shared>>) dst(%arg11 : memref<128x128xf32, #tpu.memory_space<vmem>>)
    "tpu.region"() ({
      %run_scoped3A = tpu.sem_alloc : memref<!tpu.dma_semaphore, #tpu.memory_space<semaphore_mem>>
      %dma_start3A_84 = arith.constant 0 : i32
      %dma_start3A_85 = tpu.memref_slice %arg7[%add3A_64, %dma_start3A_84] : memref<20480x128xf32, #tpu.memory_space<hbm>> -> memref<128x128xf32, #tpu.memory_space<hbm>>
      %dma_start3A_86 = arith.constant 0 : i32
      %dma_start3A_87 = tpu.memref_slice %arg7[%add3A_64, %dma_start3A_86] : memref<20480x128xf32, #tpu.memory_space<hbm>> -> memref<128x128xf32, #tpu.memory_space<hbm>>
      tpu.enqueue_dma source(%arg11 : memref<128x128xf32, #tpu.memory_space<vmem>>) target(%dma_start3A_87 : memref<128x128xf32, #tpu.memory_space<hbm>>) target_semaphore(%run_scoped3A : memref<!tpu.dma_semaphore, #tpu.memory_space<semaphore_mem>>)
      %dma_wait3A_88 = arith.constant 0 : i32
      %dma_wait3A_89 = tpu.memref_slice %arg7[%add3A_64, %dma_wait3A_88] : memref<20480x128xf32, #tpu.memory_space<hbm>> -> memref<128x128xf32, #tpu.memory_space<hbm>>
      %dma_wait3A_90 = arith.constant 0 : i32
      %dma_wait3A_91 = tpu.memref_slice %arg7[%add3A_64, %dma_wait3A_90] : memref<20480x128xf32, #tpu.memory_space<hbm>> -> memref<128x128xf32, #tpu.memory_space<hbm>>
      tpu.wait_dma2 semaphore(%run_scoped3A : memref<!tpu.dma_semaphore, #tpu.memory_space<semaphore_mem>>) src(%arg11 : memref<128x128xf32, #tpu.memory_space<vmem>>) dst(%dma_wait3A_91 : memref<128x128xf32, #tpu.memory_space<hbm>>)
      tpu.yield
    }) : () -> ()
    %add3A_71 = arith.constant 512 : i32
    %add3A_72 = arith.addi %mul3A_2, %add3A_71 : i32
    "tpu.region"() ({
      %run_scoped3A = tpu.sem_alloc : memref<!tpu.dma_semaphore, #tpu.memory_space<semaphore_mem>>
      %dma_start3A_84 = tpu.memref_slice %arg6[%add3A_72] : memref<10240xi32, #tpu.memory_space<hbm>> -> memref<128xi32, #tpu.memory_space<hbm>>
      %dma_start3A_85 = tpu.memref_slice %arg6[%add3A_72] : memref<10240xi32, #tpu.memory_space<hbm>> -> memref<128xi32, #tpu.memory_space<hbm>>
      tpu.enqueue_dma source(%dma_start3A_85 : memref<128xi32, #tpu.memory_space<hbm>>) target(%arg10 : memref<128xi32, #tpu.memory_space<vmem>>) target_semaphore(%run_scoped3A : memref<!tpu.dma_semaphore, #tpu.memory_space<semaphore_mem>>)
      %dma_wait3A_86 = tpu.memref_slice %arg6[%add3A_72] : memref<10240xi32, #tpu.memory_space<hbm>> -> memref<128xi32, #tpu.memory_space<hbm>>
      %dma_wait3A_87 = tpu.memref_slice %arg6[%add3A_72] : memref<10240xi32, #tpu.memory_space<hbm>> -> memref<128xi32, #tpu.memory_space<hbm>>
      tpu.wait_dma2 semaphore(%run_scoped3A : memref<!tpu.dma_semaphore, #tpu.memory_space<semaphore_mem>>) src(%dma_wait3A_87 : memref<128xi32, #tpu.memory_space<hbm>>) dst(%arg10 : memref<128xi32, #tpu.memory_space<vmem>>)
      tpu.yield
    }) : () -> ()
    %mul3A_73 = arith.constant 10240 : i32
    %mul3A_74 = arith.muli %arg0, %mul3A_73 : i32
    %add3A_75 = arith.addi %mul3A_74, %mul3A_2 : i32
    %add3A_76 = arith.constant 512 : i32
    %add3A_77 = arith.addi %add3A_75, %add3A_76 : i32
    %dma_start3A_78 = arith.constant 0 : i32
    %dma_start3A_79 = arith.constant 0 : i32
    %dma_start3A_80 = tpu.memref_slice %arg12[%dma_start3A_78, %dma_start3A_79] : memref<10240x128xf32, #tpu.memory_space<vmem_shared>> -> memref<10240x128xf32, #tpu.memory_space<vmem_shared>>
    tpu.enqueue_indirect_dma source(%dma_start3A_80 : memref<10240x128xf32, #tpu.memory_space<vmem_shared>>) target(%arg11 : memref<128x128xf32, #tpu.memory_space<vmem>>) offsets(%arg10 : memref<128xi32, #tpu.memory_space<vmem>>) semaphore(%arg13 : memref<!tpu.dma_semaphore, #tpu.memory_space<semaphore_mem>>)
    %dma_wait3A_81 = arith.constant 0 : i32
    %dma_wait3A_82 = arith.constant 0 : i32
    %dma_wait3A_83 = tpu.memref_slice %arg12[%dma_wait3A_81, %dma_wait3A_82] : memref<10240x128xf32, #tpu.memory_space<vmem_shared>> -> memref<10240x128xf32, #tpu.memory_space<vmem_shared>>
    tpu.wait_indirect_dma semaphore(%arg13 : memref<!tpu.dma_semaphore, #tpu.memory_space<semaphore_mem>>) src(%dma_wait3A_83 : memref<10240x128xf32, #tpu.memory_space<vmem_shared>>) dst(%arg11 : memref<128x128xf32, #tpu.memory_space<vmem>>)
    "tpu.region"() ({
      %run_scoped3A = tpu.sem_alloc : memref<!tpu.dma_semaphore, #tpu.memory_space<semaphore_mem>>
      %dma_start3A_84 = arith.constant 0 : i32
      %dma_start3A_85 = tpu.memref_slice %arg7[%add3A_77, %dma_start3A_84] : memref<20480x128xf32, #tpu.memory_space<hbm>> -> memref<128x128xf32, #tpu.memory_space<hbm>>
      %dma_start3A_86 = arith.constant 0 : i32
      %dma_start3A_87 = tpu.memref_slice %arg7[%add3A_77, %dma_start3A_86] : memref<20480x128xf32, #tpu.memory_space<hbm>> -> memref<128x128xf32, #tpu.memory_space<hbm>>
      tpu.enqueue_dma source(%arg11 : memref<128x128xf32, #tpu.memory_space<vmem>>) target(%dma_start3A_87 : memref<128x128xf32, #tpu.memory_space<hbm>>) target_semaphore(%run_scoped3A : memref<!tpu.dma_semaphore, #tpu.memory_space<semaphore_mem>>)
      %dma_wait3A_88 = arith.constant 0 : i32
      %dma_wait3A_89 = tpu.memref_slice %arg7[%add3A_77, %dma_wait3A_88] : memref<20480x128xf32, #tpu.memory_space<hbm>> -> memref<128x128xf32, #tpu.memory_space<hbm>>
      %dma_wait3A_90 = arith.constant 0 : i32
      %dma_wait3A_91 = tpu.memref_slice %arg7[%add3A_77, %dma_wait3A_90] : memref<20480x128xf32, #tpu.memory_space<hbm>> -> memref<128x128xf32, #tpu.memory_space<hbm>>
      tpu.wait_dma2 semaphore(%run_scoped3A : memref<!tpu.dma_semaphore, #tpu.memory_space<semaphore_mem>>) src(%arg11 : memref<128x128xf32, #tpu.memory_space<vmem>>) dst(%dma_wait3A_91 : memref<128x128xf32, #tpu.memory_space<hbm>>)
      tpu.yield
    }) : () -> ()
    return
  }
}

module attributes {stable_mosaic.version = 14 : i64} {
  func.func @_dense_body(%arg0: i32, %arg1: memref<2x1000x128xf32, #tpu.memory_space<vmem>>, %arg2: memref<2x1000x128xf32, #tpu.memory_space<vmem>>, %arg3: memref<1000x128xf32, #tpu.memory_space<vmem>>, %arg4: memref<128x128xf32, #tpu.memory_space<vmem>>, %arg5: memref<1x128xf32, #tpu.memory_space<vmem>>, %arg6: memref<128x128xf32, #tpu.memory_space<vmem>>, %arg7: memref<1000x128xf32, #tpu.memory_space<vmem>>, %arg8: memref<1x128xf32, #tpu.memory_space<vmem>>, %arg9: memref<1x128xf32, #tpu.memory_space<vmem>>) attributes {dimension_semantics = [#tpu.dimension_semantics<arbitrary>], iteration_bounds = array<i64: 10>, scalar_prefetch = 0 : i64, scratch_operands = 0 : i64, tpu.core_type = #tpu.core_type<tc>, window_params = [{transform_indices = @transform_0, window_bounds = array<i64: 2, 1000, 128>}, {transform_indices = @transform_1, window_bounds = array<i64: 2, 1000, 128>}, {transform_indices = @transform_2, window_bounds = array<i64: 1000, 128>}, {pipeline_mode = #tpu.pipeline_mode<synchronous>, transform_indices = @transform_3, window_bounds = array<i64: 128, 128>}, {pipeline_mode = #tpu.pipeline_mode<synchronous>, transform_indices = @transform_4, window_bounds = array<i64: 1, 128>}, {pipeline_mode = #tpu.pipeline_mode<synchronous>, transform_indices = @transform_5, window_bounds = array<i64: 128, 128>}, {transform_indices = @transform_6, window_bounds = array<i64: 1000, 128>}, {pipeline_mode = #tpu.pipeline_mode<synchronous>, transform_indices = @transform_7, window_bounds = array<i64: 1, 128>}, {pipeline_mode = #tpu.pipeline_mode<synchronous>, transform_indices = @transform_8, window_bounds = array<i64: 1, 128>}]} {
    %get3A = arith.constant 0 : index
    %get3A_0 = arith.constant 0 : index
    %get3A_1 = arith.constant 0 : index
    %get3A_2 = vector.load %arg1[%get3A, %get3A_0, %get3A_1] : memref<2x1000x128xf32, #tpu.memory_space<vmem>>, vector<1x1000x128xf32>
    %get3A_3 = vector.shape_cast %get3A_2 : vector<1x1000x128xf32> to vector<1000x128xf32>
    %get3A_4 = arith.constant 1 : index
    %get3A_5 = arith.constant 0 : index
    %get3A_6 = arith.constant 0 : index
    %get3A_7 = vector.load %arg1[%get3A_4, %get3A_5, %get3A_6] : memref<2x1000x128xf32, #tpu.memory_space<vmem>>, vector<1x1000x128xf32>
    %get3A_8 = vector.shape_cast %get3A_7 : vector<1x1000x128xf32> to vector<1000x128xf32>
    %add3A = arith.addf %get3A_3, %get3A_8 : vector<1000x128xf32>
    %get3A_9 = arith.constant 0 : index
    %get3A_10 = arith.constant 0 : index
    %get3A_11 = arith.constant 0 : index
    %get3A_12 = vector.load %arg2[%get3A_9, %get3A_10, %get3A_11] : memref<2x1000x128xf32, #tpu.memory_space<vmem>>, vector<1x1000x1xf32>
    %get3A_13 = vector.shape_cast %get3A_12 : vector<1x1000x1xf32> to vector<1000x1xf32>
    %get3A_14 = arith.constant 1 : index
    %get3A_15 = arith.constant 0 : index
    %get3A_16 = arith.constant 0 : index
    %get3A_17 = vector.load %arg2[%get3A_14, %get3A_15, %get3A_16] : memref<2x1000x128xf32, #tpu.memory_space<vmem>>, vector<1x1000x1xf32>
    %get3A_18 = vector.shape_cast %get3A_17 : vector<1x1000x1xf32> to vector<1000x1xf32>
    %add3A_19 = arith.addf %get3A_13, %get3A_18 : vector<1000x1xf32>
    %max3A = arith.constant 1.000000e+00 : f32
    %max3A_20 = vector.broadcast %max3A : f32 to vector<1000x1xf32>
    %max3A_21 = arith.maximumf %add3A_19, %max3A_20 : vector<1000x1xf32>
    %div3A = vector.broadcast %max3A_21 : vector<1000x1xf32> to vector<1000x128xf32>
    %div3A_22 = arith.divf %add3A, %div3A : vector<1000x128xf32>
    %get3A_23 = arith.constant 0 : index
    %get3A_24 = arith.constant 0 : index
    %get3A_25 = vector.load %arg4[%get3A_23, %get3A_24] : memref<128x128xf32, #tpu.memory_space<vmem>>, vector<128x128xf32>
    %dot_general3A = arith.constant dense<0.000000e+00> : vector<1000x128xf32>
    %dot_general3A_26 = tpu.matmul %div3A_22, %get3A_25, %dot_general3A {dimension_numbers = #tpu.dot_dimension_numbers<[1], [1], [0], [0], [0, 0, 1, 0], [], []>, transpose_lhs_hint = false} : vector<1000x128xf32>, vector<128x128xf32>, vector<1000x128xf32> -> vector<1000x128xf32>
    %get3A_27 = arith.constant 0 : index
    %get3A_28 = arith.constant 0 : index
    %get3A_29 = vector.load %arg5[%get3A_27, %get3A_28] : memref<1x128xf32, #tpu.memory_space<vmem>>, vector<1x128xf32>
    %add3A_30 = vector.broadcast %get3A_29 : vector<1x128xf32> to vector<1000x128xf32>
    %add3A_31 = arith.addf %dot_general3A_26, %add3A_30 : vector<1000x128xf32>
    %get3A_32 = arith.constant 0 : index
    %get3A_33 = arith.constant 0 : index
    %get3A_34 = vector.load %arg3[%get3A_32, %get3A_33] : memref<1000x128xf32, #tpu.memory_space<vmem>>, vector<1000x128xf32>
    %get3A_35 = arith.constant 0 : index
    %get3A_36 = arith.constant 0 : index
    %get3A_37 = vector.load %arg6[%get3A_35, %get3A_36] : memref<128x128xf32, #tpu.memory_space<vmem>>, vector<128x128xf32>
    %dot_general3A_38 = arith.constant dense<0.000000e+00> : vector<1000x128xf32>
    %dot_general3A_39 = tpu.matmul %get3A_34, %get3A_37, %dot_general3A_38 {dimension_numbers = #tpu.dot_dimension_numbers<[1], [1], [0], [0], [0, 0, 1, 0], [], []>, transpose_lhs_hint = false} : vector<1000x128xf32>, vector<128x128xf32>, vector<1000x128xf32> -> vector<1000x128xf32>
    %add3A_40 = arith.addf %add3A_31, %dot_general3A_39 : vector<1000x128xf32>
    %swap3A = arith.constant 0 : index
    %swap3A_41 = arith.constant 0 : index
    %swap3A_42 = vector.load %arg7[%swap3A, %swap3A_41] : memref<1000x128xf32, #tpu.memory_space<vmem>>, vector<1000x128xf32>
    tpu.vector_store %arg7[%swap3A, %swap3A_41], %add3A_40 {strides = array<i32>} : memref<1000x128xf32, #tpu.memory_space<vmem>>, vector<1000x128xf32>,
    %eq3A = arith.constant 0 : i32
    %eq3A_43 = arith.cmpi eq, %arg0, %eq3A : i32
    %convert_element_type3A = arith.extui %eq3A_43 : i1 to i32
    %cond3A = arith.constant 0 : i32
    %cond3A_44 = arith.cmpi ne, %convert_element_type3A, %cond3A : i32
    scf.if %cond3A_44 {
      %broadcast_in_dim3A_63 = arith.constant 0.000000e+00 : f32
      %broadcast_in_dim3A_64 = vector.broadcast %broadcast_in_dim3A_63 : f32 to vector<1x128xf32>
      %swap3A_65 = arith.constant 0 : index
      %swap3A_66 = arith.constant 0 : index
      %swap3A_67 = vector.load %arg8[%swap3A_65, %swap3A_66] : memref<1x128xf32, #tpu.memory_space<vmem>>, vector<1x128xf32>
      tpu.vector_store %arg8[%swap3A_65, %swap3A_66], %broadcast_in_dim3A_64 {strides = array<i32>} : memref<1x128xf32, #tpu.memory_space<vmem>>, vector<1x128xf32>,
      %broadcast_in_dim3A_68 = arith.constant 0.000000e+00 : f32
      %broadcast_in_dim3A_69 = vector.broadcast %broadcast_in_dim3A_68 : f32 to vector<1x128xf32>
      %swap3A_70 = arith.constant 0 : index
      %swap3A_71 = arith.constant 0 : index
      %swap3A_72 = vector.load %arg9[%swap3A_70, %swap3A_71] : memref<1x128xf32, #tpu.memory_space<vmem>>, vector<1x128xf32>
      tpu.vector_store %arg9[%swap3A_70, %swap3A_71], %broadcast_in_dim3A_69 {strides = array<i32>} : memref<1x128xf32, #tpu.memory_space<vmem>>, vector<1x128xf32>,
    } else {
    }
    %get3A_45 = arith.constant 0 : index
    %get3A_46 = arith.constant 0 : index
    %get3A_47 = vector.load %arg8[%get3A_45, %get3A_46] : memref<1x128xf32, #tpu.memory_space<vmem>>, vector<1x128xf32>
    %reduce_sum3A = arith.constant dense<0.000000e+00> : vector<128xf32>
    %reduce_sum3A_48 = vector.multi_reduction <add>, %add3A_40, %reduce_sum3A [0] : vector<1000x128xf32> to vector<128xf32>
    %broadcast_in_dim3A = vector.shape_cast %reduce_sum3A_48 : vector<128xf32> to vector<1x128xf32>
    %add3A_49 = arith.addf %get3A_47, %broadcast_in_dim3A : vector<1x128xf32>
    %swap3A_50 = arith.constant 0 : index
    %swap3A_51 = arith.constant 0 : index
    %swap3A_52 = vector.load %arg8[%swap3A_50, %swap3A_51] : memref<1x128xf32, #tpu.memory_space<vmem>>, vector<1x128xf32>
    tpu.vector_store %arg8[%swap3A_50, %swap3A_51], %add3A_49 {strides = array<i32>} : memref<1x128xf32, #tpu.memory_space<vmem>>, vector<1x128xf32>,
    %get3A_53 = arith.constant 0 : index
    %get3A_54 = arith.constant 0 : index
    %get3A_55 = vector.load %arg9[%get3A_53, %get3A_54] : memref<1x128xf32, #tpu.memory_space<vmem>>, vector<1x128xf32>
    %mul3A = arith.mulf %add3A_40, %add3A_40 : vector<1000x128xf32>
    %reduce_sum3A_56 = arith.constant dense<0.000000e+00> : vector<128xf32>
    %reduce_sum3A_57 = vector.multi_reduction <add>, %mul3A, %reduce_sum3A_56 [0] : vector<1000x128xf32> to vector<128xf32>
    %broadcast_in_dim3A_58 = vector.shape_cast %reduce_sum3A_57 : vector<128xf32> to vector<1x128xf32>
    %add3A_59 = arith.addf %get3A_55, %broadcast_in_dim3A_58 : vector<1x128xf32>
    %swap3A_60 = arith.constant 0 : index
    %swap3A_61 = arith.constant 0 : index
    %swap3A_62 = vector.load %arg9[%swap3A_60, %swap3A_61] : memref<1x128xf32, #tpu.memory_space<vmem>>, vector<1x128xf32>
    tpu.vector_store %arg9[%swap3A_60, %swap3A_61], %add3A_59 {strides = array<i32>} : memref<1x128xf32, #tpu.memory_space<vmem>>, vector<1x128xf32>,
    return
  }
  func.func @transform_0(%arg0: i32) -> (i32, i32, i32) {
    %c0_i32 = arith.constant 0 : i32
    %c0_i32_0 = arith.constant 0 : i32
    %c0_i32_1 = arith.constant 0 : i32
    return %c0_i32, %arg0, %c0_i32_0 : i32, i32, i32
  }
  func.func @transform_1(%arg0: i32) -> (i32, i32, i32) {
    %c0_i32 = arith.constant 0 : i32
    %c0_i32_0 = arith.constant 0 : i32
    %c0_i32_1 = arith.constant 0 : i32
    return %c0_i32, %arg0, %c0_i32_0 : i32, i32, i32
  }
  func.func @transform_2(%arg0: i32) -> (i32, i32) {
    %c0_i32 = arith.constant 0 : i32
    %c0_i32_0 = arith.constant 0 : i32
    return %arg0, %c0_i32 : i32, i32
  }
  func.func @transform_3(%arg0: i32) -> (i32, i32) {
    %c0_i32 = arith.constant 0 : i32
    %c0_i32_0 = arith.constant 0 : i32
    %c0_i32_1 = arith.constant 0 : i32
    return %c0_i32, %c0_i32_0 : i32, i32
  }
  func.func @transform_4(%arg0: i32) -> (i32, i32) {
    %c0_i32 = arith.constant 0 : i32
    %c0_i32_0 = arith.constant 0 : i32
    %c0_i32_1 = arith.constant 0 : i32
    return %c0_i32, %c0_i32_0 : i32, i32
  }
  func.func @transform_5(%arg0: i32) -> (i32, i32) {
    %c0_i32 = arith.constant 0 : i32
    %c0_i32_0 = arith.constant 0 : i32
    %c0_i32_1 = arith.constant 0 : i32
    return %c0_i32, %c0_i32_0 : i32, i32
  }
  func.func @transform_6(%arg0: i32) -> (i32, i32) {
    %c0_i32 = arith.constant 0 : i32
    %c0_i32_0 = arith.constant 0 : i32
    return %arg0, %c0_i32 : i32, i32
  }
  func.func @transform_7(%arg0: i32) -> (i32, i32) {
    %c0_i32 = arith.constant 0 : i32
    %c0_i32_0 = arith.constant 0 : i32
    %c0_i32_1 = arith.constant 0 : i32
    return %c0_i32, %c0_i32_0 : i32, i32
  }
  func.func @transform_8(%arg0: i32) -> (i32, i32) {
    %c0_i32 = arith.constant 0 : i32
    %c0_i32_0 = arith.constant 0 : i32
    %c0_i32_1 = arith.constant 0 : i32
    return %c0_i32, %c0_i32_0 : i32, i32
  }
}

module attributes {stable_mosaic.version = 14 : i64} {
  func.func @_bn_relu_body(%arg0: i32, %arg1: memref<1000x128xf32, #tpu.memory_space<vmem>>, %arg2: memref<1x128xf32, #tpu.memory_space<vmem>>, %arg3: memref<1x128xf32, #tpu.memory_space<vmem>>, %arg4: memref<1x128xf32, #tpu.memory_space<vmem>>, %arg5: memref<1x128xf32, #tpu.memory_space<vmem>>, %arg6: memref<1000x128xf32, #tpu.memory_space<vmem>>) attributes {dimension_semantics = [#tpu.dimension_semantics<arbitrary>], iteration_bounds = array<i64: 10>, scalar_prefetch = 0 : i64, scratch_operands = 0 : i64, tpu.core_type = #tpu.core_type<tc>, window_params = [{transform_indices = @transform_0, window_bounds = array<i64: 1000, 128>}, {pipeline_mode = #tpu.pipeline_mode<synchronous>, transform_indices = @transform_1, window_bounds = array<i64: 1, 128>}, {pipeline_mode = #tpu.pipeline_mode<synchronous>, transform_indices = @transform_2, window_bounds = array<i64: 1, 128>}, {pipeline_mode = #tpu.pipeline_mode<synchronous>, transform_indices = @transform_3, window_bounds = array<i64: 1, 128>}, {pipeline_mode = #tpu.pipeline_mode<synchronous>, transform_indices = @transform_4, window_bounds = array<i64: 1, 128>}, {transform_indices = @transform_5, window_bounds = array<i64: 1000, 128>}]} {
    %get3A = arith.constant 0 : index
    %get3A_0 = arith.constant 0 : index
    %get3A_1 = vector.load %arg2[%get3A, %get3A_0] : memref<1x128xf32, #tpu.memory_space<vmem>>, vector<1x128xf32>
    %div3A = arith.constant 1.000000e+04 : f32
    %div3A_2 = vector.broadcast %div3A : f32 to vector<1x128xf32>
    %div3A_3 = arith.divf %get3A_1, %div3A_2 : vector<1x128xf32>
    %get3A_4 = arith.constant 0 : index
    %get3A_5 = arith.constant 0 : index
    %get3A_6 = vector.load %arg3[%get3A_4, %get3A_5] : memref<1x128xf32, #tpu.memory_space<vmem>>, vector<1x128xf32>
    %div3A_7 = arith.constant 1.000000e+04 : f32
    %div3A_8 = vector.broadcast %div3A_7 : f32 to vector<1x128xf32>
    %div3A_9 = arith.divf %get3A_6, %div3A_8 : vector<1x128xf32>
    %mul3A = arith.mulf %div3A_3, %div3A_3 : vector<1x128xf32>
    %sub3A = arith.subf %div3A_9, %mul3A : vector<1x128xf32>
    %add3A = arith.constant 9.99999974E-6 : f32
    %add3A_10 = vector.broadcast %add3A : f32 to vector<1x128xf32>
    %add3A_11 = arith.addf %sub3A, %add3A_10 : vector<1x128xf32>
    %rsqrt3A = math.rsqrt %add3A_11 : vector<1x128xf32>
    %get3A_12 = arith.constant 0 : index
    %get3A_13 = arith.constant 0 : index
    %get3A_14 = vector.load %arg4[%get3A_12, %get3A_13] : memref<1x128xf32, #tpu.memory_space<vmem>>, vector<1x128xf32>
    %get3A_15 = arith.constant 0 : index
    %get3A_16 = arith.constant 0 : index
    %get3A_17 = vector.load %arg1[%get3A_15, %get3A_16] : memref<1000x128xf32, #tpu.memory_space<vmem>>, vector<1000x128xf32>
    %sub3A_18 = vector.broadcast %div3A_3 : vector<1x128xf32> to vector<1000x128xf32>
    %sub3A_19 = arith.subf %get3A_17, %sub3A_18 : vector<1000x128xf32>
    %mul3A_20 = vector.broadcast %get3A_14 : vector<1x128xf32> to vector<1000x128xf32>
    %mul3A_21 = arith.mulf %mul3A_20, %sub3A_19 : vector<1000x128xf32>
    %mul3A_22 = vector.broadcast %rsqrt3A : vector<1x128xf32> to vector<1000x128xf32>
    %mul3A_23 = arith.mulf %mul3A_21, %mul3A_22 : vector<1000x128xf32>
    %get3A_24 = arith.constant 0 : index
    %get3A_25 = arith.constant 0 : index
    %get3A_26 = vector.load %arg5[%get3A_24, %get3A_25] : memref<1x128xf32, #tpu.memory_space<vmem>>, vector<1x128xf32>
    %add3A_27 = vector.broadcast %get3A_26 : vector<1x128xf32> to vector<1000x128xf32>
    %add3A_28 = arith.addf %mul3A_23, %add3A_27 : vector<1000x128xf32>
    %max3A = arith.constant 0.000000e+00 : f32
    %max3A_29 = vector.broadcast %max3A : f32 to vector<1000x128xf32>
    %max3A_30 = arith.maximumf %add3A_28, %max3A_29 : vector<1000x128xf32>
    %swap3A = arith.constant 0 : index
    %swap3A_31 = arith.constant 0 : index
    %swap3A_32 = vector.load %arg6[%swap3A, %swap3A_31] : memref<1000x128xf32, #tpu.memory_space<vmem>>, vector<1000x128xf32>
    tpu.vector_store %arg6[%swap3A, %swap3A_31], %max3A_30 {strides = array<i32>} : memref<1000x128xf32, #tpu.memory_space<vmem>>, vector<1000x128xf32>,
    return
  }
  func.func @transform_0(%arg0: i32) -> (i32, i32) {
    %c0_i32 = arith.constant 0 : i32
    %c0_i32_0 = arith.constant 0 : i32
    return %arg0, %c0_i32 : i32, i32
  }
  func.func @transform_1(%arg0: i32) -> (i32, i32) {
    %c0_i32 = arith.constant 0 : i32
    %c0_i32_0 = arith.constant 0 : i32
    %c0_i32_1 = arith.constant 0 : i32
    return %c0_i32, %c0_i32_0 : i32, i32
  }
  func.func @transform_2(%arg0: i32) -> (i32, i32) {
    %c0_i32 = arith.constant 0 : i32
    %c0_i32_0 = arith.constant 0 : i32
    %c0_i32_1 = arith.constant 0 : i32
    return %c0_i32, %c0_i32_0 : i32, i32
  }
  func.func @transform_3(%arg0: i32) -> (i32, i32) {
    %c0_i32 = arith.constant 0 : i32
    %c0_i32_0 = arith.constant 0 : i32
    %c0_i32_1 = arith.constant 0 : i32
    return %c0_i32, %c0_i32_0 : i32, i32
  }
  func.func @transform_4(%arg0: i32) -> (i32, i32) {
    %c0_i32 = arith.constant 0 : i32
    %c0_i32_0 = arith.constant 0 : i32
    %c0_i32_1 = arith.constant 0 : i32
    return %c0_i32, %c0_i32_0 : i32, i32
  }
  func.func @transform_5(%arg0: i32) -> (i32, i32) {
    %c0_i32 = arith.constant 0 : i32
    %c0_i32_0 = arith.constant 0 : i32
    return %arg0, %c0_i32 : i32, i32
  }
}

module attributes {stable_mosaic.version = 14 : i64} {
  func.func @_dense_body(%arg0: i32, %arg1: memref<2x1000x128xf32, #tpu.memory_space<vmem>>, %arg2: memref<2x1000x128xf32, #tpu.memory_space<vmem>>, %arg3: memref<1000x128xf32, #tpu.memory_space<vmem>>, %arg4: memref<128x128xf32, #tpu.memory_space<vmem>>, %arg5: memref<1x128xf32, #tpu.memory_space<vmem>>, %arg6: memref<128x128xf32, #tpu.memory_space<vmem>>, %arg7: memref<1000x128xf32, #tpu.memory_space<vmem>>) attributes {dimension_semantics = [#tpu.dimension_semantics<arbitrary>], iteration_bounds = array<i64: 10>, scalar_prefetch = 0 : i64, scratch_operands = 0 : i64, tpu.core_type = #tpu.core_type<tc>, window_params = [{transform_indices = @transform_0, window_bounds = array<i64: 2, 1000, 128>}, {transform_indices = @transform_1, window_bounds = array<i64: 2, 1000, 128>}, {transform_indices = @transform_2, window_bounds = array<i64: 1000, 128>}, {pipeline_mode = #tpu.pipeline_mode<synchronous>, transform_indices = @transform_3, window_bounds = array<i64: 128, 128>}, {pipeline_mode = #tpu.pipeline_mode<synchronous>, transform_indices = @transform_4, window_bounds = array<i64: 1, 128>}, {pipeline_mode = #tpu.pipeline_mode<synchronous>, transform_indices = @transform_5, window_bounds = array<i64: 128, 128>}, {transform_indices = @transform_6, window_bounds = array<i64: 1000, 128>}]} {
    %get3A = arith.constant 0 : index
    %get3A_0 = arith.constant 0 : index
    %get3A_1 = arith.constant 0 : index
    %get3A_2 = vector.load %arg1[%get3A, %get3A_0, %get3A_1] : memref<2x1000x128xf32, #tpu.memory_space<vmem>>, vector<1x1000x128xf32>
    %get3A_3 = vector.shape_cast %get3A_2 : vector<1x1000x128xf32> to vector<1000x128xf32>
    %get3A_4 = arith.constant 1 : index
    %get3A_5 = arith.constant 0 : index
    %get3A_6 = arith.constant 0 : index
    %get3A_7 = vector.load %arg1[%get3A_4, %get3A_5, %get3A_6] : memref<2x1000x128xf32, #tpu.memory_space<vmem>>, vector<1x1000x128xf32>
    %get3A_8 = vector.shape_cast %get3A_7 : vector<1x1000x128xf32> to vector<1000x128xf32>
    %add3A = arith.addf %get3A_3, %get3A_8 : vector<1000x128xf32>
    %get3A_9 = arith.constant 0 : index
    %get3A_10 = arith.constant 0 : index
    %get3A_11 = arith.constant 0 : index
    %get3A_12 = vector.load %arg2[%get3A_9, %get3A_10, %get3A_11] : memref<2x1000x128xf32, #tpu.memory_space<vmem>>, vector<1x1000x1xf32>
    %get3A_13 = vector.shape_cast %get3A_12 : vector<1x1000x1xf32> to vector<1000x1xf32>
    %get3A_14 = arith.constant 1 : index
    %get3A_15 = arith.constant 0 : index
    %get3A_16 = arith.constant 0 : index
    %get3A_17 = vector.load %arg2[%get3A_14, %get3A_15, %get3A_16] : memref<2x1000x128xf32, #tpu.memory_space<vmem>>, vector<1x1000x1xf32>
    %get3A_18 = vector.shape_cast %get3A_17 : vector<1x1000x1xf32> to vector<1000x1xf32>
    %add3A_19 = arith.addf %get3A_13, %get3A_18 : vector<1000x1xf32>
    %max3A = arith.constant 1.000000e+00 : f32
    %max3A_20 = vector.broadcast %max3A : f32 to vector<1000x1xf32>
    %max3A_21 = arith.maximumf %add3A_19, %max3A_20 : vector<1000x1xf32>
    %div3A = vector.broadcast %max3A_21 : vector<1000x1xf32> to vector<1000x128xf32>
    %div3A_22 = arith.divf %add3A, %div3A : vector<1000x128xf32>
    %get3A_23 = arith.constant 0 : index
    %get3A_24 = arith.constant 0 : index
    %get3A_25 = vector.load %arg4[%get3A_23, %get3A_24] : memref<128x128xf32, #tpu.memory_space<vmem>>, vector<128x128xf32>
    %dot_general3A = arith.constant dense<0.000000e+00> : vector<1000x128xf32>
    %dot_general3A_26 = tpu.matmul %div3A_22, %get3A_25, %dot_general3A {dimension_numbers = #tpu.dot_dimension_numbers<[1], [1], [0], [0], [0, 0, 1, 0], [], []>, transpose_lhs_hint = false} : vector<1000x128xf32>, vector<128x128xf32>, vector<1000x128xf32> -> vector<1000x128xf32>
    %get3A_27 = arith.constant 0 : index
    %get3A_28 = arith.constant 0 : index
    %get3A_29 = vector.load %arg5[%get3A_27, %get3A_28] : memref<1x128xf32, #tpu.memory_space<vmem>>, vector<1x128xf32>
    %add3A_30 = vector.broadcast %get3A_29 : vector<1x128xf32> to vector<1000x128xf32>
    %add3A_31 = arith.addf %dot_general3A_26, %add3A_30 : vector<1000x128xf32>
    %get3A_32 = arith.constant 0 : index
    %get3A_33 = arith.constant 0 : index
    %get3A_34 = vector.load %arg3[%get3A_32, %get3A_33] : memref<1000x128xf32, #tpu.memory_space<vmem>>, vector<1000x128xf32>
    %get3A_35 = arith.constant 0 : index
    %get3A_36 = arith.constant 0 : index
    %get3A_37 = vector.load %arg6[%get3A_35, %get3A_36] : memref<128x128xf32, #tpu.memory_space<vmem>>, vector<128x128xf32>
    %dot_general3A_38 = arith.constant dense<0.000000e+00> : vector<1000x128xf32>
    %dot_general3A_39 = tpu.matmul %get3A_34, %get3A_37, %dot_general3A_38 {dimension_numbers = #tpu.dot_dimension_numbers<[1], [1], [0], [0], [0, 0, 1, 0], [], []>, transpose_lhs_hint = false} : vector<1000x128xf32>, vector<128x128xf32>, vector<1000x128xf32> -> vector<1000x128xf32>
    %add3A_40 = arith.addf %add3A_31, %dot_general3A_39 : vector<1000x128xf32>
    %swap3A = arith.constant 0 : index
    %swap3A_41 = arith.constant 0 : index
    %swap3A_42 = vector.load %arg7[%swap3A, %swap3A_41] : memref<1000x128xf32, #tpu.memory_space<vmem>>, vector<1000x128xf32>
    tpu.vector_store %arg7[%swap3A, %swap3A_41], %add3A_40 {strides = array<i32>} : memref<1000x128xf32, #tpu.memory_space<vmem>>, vector<1000x128xf32>,
    return
  }
  func.func @transform_0(%arg0: i32) -> (i32, i32, i32) {
    %c0_i32 = arith.constant 0 : i32
    %c0_i32_0 = arith.constant 0 : i32
    %c0_i32_1 = arith.constant 0 : i32
    return %c0_i32, %arg0, %c0_i32_0 : i32, i32, i32
  }
  func.func @transform_1(%arg0: i32) -> (i32, i32, i32) {
    %c0_i32 = arith.constant 0 : i32
    %c0_i32_0 = arith.constant 0 : i32
    %c0_i32_1 = arith.constant 0 : i32
    return %c0_i32, %arg0, %c0_i32_0 : i32, i32, i32
  }
  func.func @transform_2(%arg0: i32) -> (i32, i32) {
    %c0_i32 = arith.constant 0 : i32
    %c0_i32_0 = arith.constant 0 : i32
    return %arg0, %c0_i32 : i32, i32
  }
  func.func @transform_3(%arg0: i32) -> (i32, i32) {
    %c0_i32 = arith.constant 0 : i32
    %c0_i32_0 = arith.constant 0 : i32
    %c0_i32_1 = arith.constant 0 : i32
    return %c0_i32, %c0_i32_0 : i32, i32
  }
  func.func @transform_4(%arg0: i32) -> (i32, i32) {
    %c0_i32 = arith.constant 0 : i32
    %c0_i32_0 = arith.constant 0 : i32
    %c0_i32_1 = arith.constant 0 : i32
    return %c0_i32, %c0_i32_0 : i32, i32
  }
  func.func @transform_5(%arg0: i32) -> (i32, i32) {
    %c0_i32 = arith.constant 0 : i32
    %c0_i32_0 = arith.constant 0 : i32
    %c0_i32_1 = arith.constant 0 : i32
    return %c0_i32, %c0_i32_0 : i32, i32
  }
  func.func @transform_6(%arg0: i32) -> (i32, i32) {
    %c0_i32 = arith.constant 0 : i32
    %c0_i32_0 = arith.constant 0 : i32
    return %arg0, %c0_i32 : i32, i32
  }
}

</mosaic_0001>

<sc_bundles>
// kernel: kernel.11.cloned.1.call-start
scs
__scs_entry_jumppad:
0x0: {  	(pc) =	sbr.rel $0x88, $3  }
0x1: {  	(tag) =	ssettag $0x0;
	lr =	simm.s32 $0x1  }
0x2: {  	[smem:$0x3F97] =	sst lr;
	_ =	strace $0xD0000000  }
0x3: {  	_ = 	snop  }
0x4: {  	_ = 	snop  }
0x5: {  	_ = 	snop  }
0x6: {  	_ = 	snop  }
0x7: {  	_ = 	snop  }
__scs_overlays_trampoline_lowered:
0x8: {  	[smem:$0x3FA6] =	sst s0  }
0x9: {  	[smem:$0x3FA7] =	sst s1  }
0xa: {  	[smem:$0x3FA8] =	sst s2  }
0xb: {  	[smem:$0x3FA9] =	sst s3  }
0xc: {  	[smem:$0x3FAA] =	sst s4  }
0xd: {  	[smem:$0x3FAB] =	sst s5  }
0xe: {  	[smem:$0x3FAC] =	sst s6  }
0xf: {  	[smem:$0x3FAD] =	sst s7  }
0x10: {  	[smem:$0x3FAE] =	sst s8  }
0x11: {  	[smem:$0x3FAF] =	sst s9;
	s0 =	simm.s32 @!p0 $0x0  }
0x12: {  	s1 =	sld [smem:$0x3F95];
	s0 =	simm.s32 @p0 $0x1  }
0x13: {  	[smem:$0x3FB0] =	sst s0;
	s0 =	simm.s32 @!p1 $0x0  }
0x14: {  	s2 =	sld [smem:$0x3F94];
	s0 =	simm.s32 @p1 $0x1  }
0x15: {  	[smem:$0x3FB1] =	sst s0;
	s0 =	simm.s32 @!p2 $0x0  }
0x16: {  	s3 =	sld [smem:$0x3FDB];
	s0 =	simm.s32 @p2 $0x1  }
0x17: {  	s4 =	simm.s32 $0x1BF5;
	[smem:$0x3FB3] =	sst s0  }
0x18: {  	s0 =	sld [smem:$0x3F96];
	_ =	swait.ge [sflag:s4], $0x0  }
0x19: {  	s7 =	sld [smem:$0x3F97]  }
0x1a: {  	s8 =	sadd.s32 $0xFFFFE003, lr  }
0x1b: {  	s9 =	sadd.s32 $0xFFFFFEF7, lr;
	s5 =	simm.s32 $0xFFFFFFFF;
	p2 =	slt.u32 s8, $0xFFFFF086  }
0x1c: {  	p1 =	slt.u32 s9, $0xF7A;
	s5 =	simm.s32 @!p2 $0x0  }
0x1d: {  	s5 =	simm.s32 @p1 $0x1;
	p0 =	seq.s32 s7, s2  }
0x1e: {  	s7 =	smul.u32 @!p0 $0xF7A, s2;
	p2 =	seq.s32 @!p0 s5, $0x0  }
0x1f: {  	s9 =	smul.u32 $0xF7A, s1;
	s8 =	simm.s32 @!p0 $0x1BF5;
	p2 =	por !p2, p0  }
0x20: {  	[sflag:s8] =	ssyncset.s32 @!p0 $0xFFFFF086;
	s6 =	sadd.s32 @!p0 s3, s7;
	s7 =	simm.s32 @!p0 $0x108  }
0x21: {  	s3 =	sadd.s32 s3, s9;
	s6 =	sadd.s32 @!p0 $0x88, s6;
	s7 =	simm.s32 @p2 $0x1082  }
0x22: {  	[simem:s7], [sflag:s8] =	dma.local @!p0 [hbm:s6], $0xF7A  }
0x23: {  	s9 =	sor.u32 $0xD0000000, s2;
	s6 =	simm.s32 $0x108;
	_ =	swait.ge @!p0 [sflag:s8], $0x0  }
0x24: {  	s3 =	sadd.s32 $0x88, s3;
	s6 =	simm.s32 @!p1 $0x1082;
	[sflag:s4] =	ssyncset.s32 $0xFFFFF086  }
0x25: {  	[simem:s6], [sflag:s4] =	dma.local [hbm:s3], $0xF7A  }
0x26: {  	[smem:$0x3F97] =	sst s1;
	(tag) =	ssettag s2;
	_ =	strace s9  }
0x27: {  	s1 =	sld [smem:$0x3FA7]  }
0x28: {  	s2 =	sld [smem:$0x3FA8]  }
0x29: {  	s4 =	sld [smem:$0x3FAA]  }
0x2a: {  	p0 =	seq.s32 s5, $0x0;
	s5 =	sld [smem:$0x3FAB]  }
0x2b: {  	s6 =	sld [smem:$0x3FAC]  }
0x2c: {  	s7 =	sld [smem:$0x3FAD]  }
0x2d: {  	s3 =	simm.s32 $0x108;
	s8 =	sld [smem:$0x3FAE]  }
0x2e: {  	s3 =	simm.s32 @!p0 $0x1082;
	s9 =	sld [smem:$0x3FAF]  }
0x2f: {  	lr =	sadd.s32 s0, s3;
	s0 =	sld [smem:$0x3FA6]  }
0x30: {  	s3 =	sld [smem:$0x3FA9]  }
0x31: {  	[smem:$0x3FB2] =	sst s10  }
0x32: {  	s10 =	sld [smem:$0x3FB0];
	_ =	sdelay $0x3  }
0x33: {  	p0 =	seq.s32 s10, $0x1;
	s10 =	sld [smem:$0x3FB2];
	_ =	sdelay $0x3  }
0x34: {  	[smem:$0x3FB2] =	sst s10  }
0x35: {  	s10 =	sld [smem:$0x3FB1];
	_ =	sdelay $0x3  }
0x36: {  	p1 =	seq.s32 s10, $0x1;
	s10 =	sld [smem:$0x3FB2];
	_ =	sdelay $0x3  }
0x37: {  	[smem:$0x3FB2] =	sst s10  }
0x38: {  	s10 =	sld [smem:$0x3FB3]  }
0x39: {  	_ = 	snop;
	(pc) =	sbr.ind lr, $3  }
0x3a: {  	_ = 	snop  }
0x3b: {  	_ = 	snop  }
0x3c: {  	p2 =	seq.s32 s10, $0x1;
	s10 =	sld [smem:$0x3FB2]  }
0x3d: {  	_ =	shalt  }
0x3e: {  	_ =	shalt  }
0x3f: {  	_ =	shalt  }
0x40: {  	_ =	shalt  }
0x41: {  	_ =	shalt  }
0x42: {  	_ =	shalt  }
0x43: {  	_ =	shalt  }
0x44: {  	_ =	shalt  }
0x45: {  	_ =	shalt  }
0x46: {  	_ =	shalt  }
0x47: {  	_ =	shalt  }
0x48: {  	_ =	shalt  }
0x49: {  	_ =	shalt  }
0x4a: {  	_ =	shalt  }
0x4b: {  	_ =	shalt  }
0x4c: {  	_ =	shalt  }
0x4d: {  	_ =	shalt  }
0x4e: {  	_ =	shalt  }
0x4f: {  	_ =	shalt  }
0x50: {  	_ =	shalt  }
0x51: {  	_ =	shalt  }
0x52: {  	_ =	shalt  }
0x53: {  	_ =	shalt  }
0x54: {  	_ =	shalt  }
0x55: {  	_ =	shalt  }
0x56: {  	_ =	shalt  }
0x57: {  	_ =	shalt  }
0x58: {  	_ =	shalt  }
0x59: {  	_ =	shalt  }
0x5a: {  	_ =	shalt  }
0x5b: {  	_ =	shalt  }
0x5c: {  	_ =	shalt  }
0x5d: {  	_ =	shalt  }
0x5e: {  	_ =	shalt  }
0x5f: {  	_ =	shalt  }
0x60: {  	_ =	shalt  }
0x61: {  	_ =	shalt  }
0x62: {  	_ =	shalt  }
0x63: {  	_ =	shalt  }
0x64: {  	_ =	shalt  }
0x65: {  	_ =	shalt  }
0x66: {  	_ =	shalt  }
0x67: {  	_ =	shalt  }
0x68: {  	_ =	shalt  }
0x69: {  	_ =	shalt  }
0x6a: {  	_ =	shalt  }
0x6b: {  	_ =	shalt  }
0x6c: {  	_ =	shalt  }
0x6d: {  	_ =	shalt  }
0x6e: {  	_ =	shalt  }
0x6f: {  	_ =	shalt  }
0x70: {  	_ =	shalt  }
0x71: {  	_ =	shalt  }
0x72: {  	_ =	shalt  }
0x73: {  	_ =	shalt  }
0x74: {  	_ =	shalt  }
0x75: {  	_ =	shalt  }
0x76: {  	_ =	shalt  }
0x77: {  	_ =	shalt  }
0x78: {  	_ =	shalt  }
0x79: {  	_ =	shalt  }
0x7a: {  	_ =	shalt  }
0x7b: {  	_ =	shalt  }
0x7c: {  	_ =	shalt  }
0x7d: {  	_ =	shalt  }
0x7e: {  	_ =	shalt  }
0x7f: {  	_ =	shalt  }
0x80: {  	_ =	shalt  }
0x81: {  	_ =	shalt  }
0x82: {  	_ =	shalt  }
0x83: {  	_ =	shalt  }
0x84: {  	_ =	shalt  }
0x85: {  	_ =	shalt  }
0x86: {  	_ =	shalt  }
0x87: {  	_ =	shalt  }
.Lfunc_end0:
.L_simem_size_0:
called_computation.1_lowered:
.L_overlay_start_0:
0x88: {  	s2 =	sld [smem:$0x3FD9]  }
0x89: {  	s3 =	sld [smem:$0x3FFE];
	_ =	sdelay $0x1  }
0x8a: {  	s1 =	srdreg.scid  }
0x8b: {  	s0 =	sand.u32 $0x1, s1  }
0x8c: {  	s17 =	sshll.u32 s0, $0xA;
	s2 =	sadd.s32 s3, s2  }
0x8d: {  	s2 =	sadd.s32 s2, s17  }
0x8e: {  	[smem:$0x3FBE] =	sst s2  }
0x8f: {  	_ = 	snop  }
0x90: {  	s18 =	sld [smem:$0x3FC9];
	(tm) =	ssettm $0x1  }
0x91: {  	s19 =	sld [smem:$0x3FFB];
	_ =	sdelay $0x3  }
0x92: {  	_ =	strace s19  }
0x93: {  	s2 =	sld [smem:$0x3FFC];
	_ =	sdelay $0x3  }
0x94: {  	_ =	strace s2  }
0x95: {  	s2 =	sld [smem:$0x3FFD];
	_ =	sdelay $0x3  }
0x96: {  	_ =	strace s2  }
0x97: {  	_ =	strace $0x8FFFFFFF  }
0x98: {  	s20 =	sld [smem:$0x3FDB];
	_ =	sdelay $0x1  }
0x99: {  	s4 =	simm.s32 $_scs_section_size  }
0x9a: {  	s5 =	simm.s32 $_size__tile_overlayer_lowered;
	s6 =	simm.s32 $_tile_overlayer_lowered  }
0x9b: {  	s7 =	simm.s32 $0x1BFF;
	s21 =	sshll.u32 s6, $0x1;
	s4 =	sadd.s32 s4, s20  }
0x9c: {  	s22 =	simm.s32 $0x0;
	s5 =	sshll.u32 s5, $0x1;
	s6 =	sadd.s32 s21, s4  }
0x9d: {  	[timem:s22], [sflag:s7] =	dma.local [hbm:s6], s5  }
0x9e: {  	_ =	swait.ge [sflag:s7], s5  }
0x9f: {  	s5 =	ssub.s32 $0x0, s5;
	[sflag:s7] =	ssyncset.done $0x0  }
0xa0: {  	[sflag:s7] =	ssyncadd.s32 s5;
	_ =	sdelay $0x1  }
0xa1: {  	s23 =	simm.s32 $0x1B8B  }
0xa2: {  	_ =	swait.ge [sflag:s23], $0x1  }
0xa3: {  	[sflag:s23] =	ssyncset.done $0x0  }
0xa4: {  	[sflag:s23] =	ssyncadd.s32 $0xFFFFFFFF  }
0xa5: {  	s5 =	sld [smem:$0x0]  }
0xa6: {  	s6 =	sand.u32 $0xFFFFFFFE, s1  }
0xa7: {  	p0 =	sne.s32 s1, s6  }
0xa8: {  	s6 =	sshll.u32 @p0 s6, $0xE  }
0xa9: {  	s6 =	sadd.s32 @p0 $0x11B8D, s6;
	s7 =	sshll.u32 @p0 s5, $0x11  }
0xaa: {  	s6 =	sor.u32 @p0 s7, s6  }
0xab: {  	[sflag:s6] =	ssyncadd.remote.s32 @p0 $0x1;
	_ =	sdelay $0x1  }
0xac: {  	s6 =	simm.s32 @p0 $0x1B8D  }
0xad: {  	_ =	swait.eq @p0 [sflag:s6], $0x1  }
0xae: {  	[sflag:s6] =	ssyncadd.s32 @p0 $0xFFFFFFFF  }
0xaf: {  	s7 =	sshll.u32 @!p0 s1, $0xE  }
0xb0: {  	s7 =	sor.u32 @!p0 $0x4000, s7;
	s6 =	simm.s32 @!p0 $0x1B8D  }
0xb1: {  	s5 =	sshll.u32 @!p0 s5, $0x11;
	s7 =	sadd.s32 @!p0 $0x11B8D, s7;
	_ =	swait.eq @!p0 [sflag:s6], $0x1  }
0xb2: {  	s5 =	sor.u32 @!p0 s5, s7;
	[sflag:s6] =	ssyncadd.s32 @!p0 $0xFFFFFFFF  }
0xb3: {  	s25 =	simm.s32 $0x1B8E;
	s24 =	sld [smem:$0x3FFE];
	[sflag:s5] =	ssyncadd.remote.s32 @!p0 $0x1  }
0xb4: {  	s26 =	simm.s32 $execute0_lowered;
	[smem:$0x3FD2] =	sst s25  }
0xb5: {  	s6 =	sshll.u32 s26, $0x1;
	_ =	strace $0x80000049;
	[dreg:$0x1] =	wrdreg $0xFFFFFFFF  }
0xb6: {  	s28 =	simm.s32 $_size_execute0_lowered;
	s4 =	sadd.s32 s4, s6;
	[dreg:$0x0] =	wrdreg $0x0  }
0xb7: {  	s6 =	sshll.u32 s28, $0x1;
	[dreg:$0x2] =	wrdreg s4  }
0xb8: {  	[dreg:$0x3] =	wrdreg s6  }
0xb9: {  	[dreg:$0x4] =	wrdreg $0xC0  }
0xba: {  	_ =	task [dreg:s22], $0x5FFFF  }
0xbb: {  	[dreg:$0x1] =	wrdreg $0xFFFFFFFF  }
0xbc: {  	[dreg:$0x0] =	wrdreg $0x60  }
0xbd: {  	[dreg:$0x2] =	wrdreg s18  }
0xbe: {  	[dreg:$0x3] =	wrdreg s24  }
0xbf: {  	[dreg:$0x4] =	wrdreg $0x41800  }
0xc0: {  	[dreg:$0x5] =	wrdreg $0xA  }
0xc1: {  	_ =	task.clear_ibuf [dreg:s22], $0x6FFFF;
	_ =	strace $0x90000049  }
0xc2: {  	s29 =	simm.s32 $0xA;
	_ =	strace $0x8000004B  }
0xc3: {  	_ =	swait.ge [sflag:s29], $0x1  }
0xc4: {  	[sflag:s29] =	ssyncadd.s32 $0xFFFFFFFF  }
0xc5: {  	_ =	strace $0x9000004B  }
0xc6: {  	_ =	sfence  }
0xc7: {  	s30 =	sld [smem:$0x0];
	_ =	sdelay $0x2  }
0xc8: {  	s31 =	sshll.u32 s1, $0xD;
	s1 =	sshrl.u32 s1, $0x2  }
0xc9: {  	s4 =	sand.u32 $0x4000, s31;
	s1 =	sadd.s32 s1, s30  }
0xca: {  	s0 =	sor.u32 s4, s0;
	s1 =	sshll.u32 s1, $0x11  }
0xcb: {  	s0 =	sor.u32 s1, s0  }
0xcc: {  	s0 =	sadd.s32 $0x8F2B, s0  }
0xcd: {  	[sflag:s0] =	ssyncadd.remote.s32 $0x1  }
0xce: {  	_ =	sfence.sel $0xFFFF  }
0xcf: {  	[dreg:$0x0] =	wrdreg $0xFFFFFFFF;
	(pc) =	sbr.abs _section_cstart, $3  }
0xd0: {  	[dreg:$0x1] =	wrdreg $0xFFFFFFFF  }
0xd1: {  	_ =	task.clear_ibuf [dreg:s22], $0x2FFFF;
	_ =	strace $0x9FFFFFFF  }
0xd2: {  	(tm) =	ssettm $0x7FFFFFFF  }
0xd3: {  	_ =	shalt  }
tec
execute0_lowered:
.L_overlay_start_1:
0x0: {  	(tag) =	ssettag $0x1  }
0x1: {  	s0 =	rddreg [dreg:$0x0]  }
0x2: {  	s6 =	rddreg [dreg:$0x1];
	s1 =	srdreg.scid  }
0x3: {  	s3 =	rddreg [dreg:$0x2];
	s2 =	stileid.u32  }
0x4: {  	s4 =	simm.s32 $0x0;
	s19 =	simm.s32 $0x180;
	s20 =	simm.s32 $0x2  }
0x5: {  	s21 =	simm.s32 $0x100;
	s22 =	simm.s32 $0x80;
	s8 =	smul.u32 $0x280, s2  }
0x6: {  	s23 =	simm.s32 $0x1;
	s7 =	sand.u32 $0x1, s1;
	s18 =	smul.u32 $0x500, s2  }
0x7: {  	s24 =	simm.s32 $0x0;
	s1 =	rddreg [dreg:$0x3];
	s5 =	smul.u32 $0x5000, s7  }
0x8: {  	[smem:$0x7FF] =	sst s4;
	s9 =	smul.u32 $0x2800, s7;
	s7 =	ssub.s32 $0x2, s7  }
0x9: {  	_ =	strace $0x8000004A;
	s10 =	sshrl.u32 s7, $0x1;
	s16 =	sadd.s32 s5, s6  }
0xa: {  	s5 =	sadd.s32 $0xCC00, s6;
	s9 =	sadd.s32 s8, s9;
	s8 =	sshrl.u32 s8, $0x3  }
0xb: {  	s17 =	ssub.s32 s7, s10;
	s9 =	sshll.u32 s9, $0x4;
	s11 =	sadd.s32 s8, s6  }
0xc: {  	s18 =	sadd.s32 s18, s16;
	s16 =	smax.u32 s17, $0x1;
	s15 =	sadd.s32 s9, s6  }
0xd: {  	s6 =	sadd.s32 $0xC600, s11;
	s7 =	sadd.s32 $0xC610, s11;
	s8 =	sadd.s32 $0xC620, s11  }
0xe: {  	s9 =	sadd.s32 $0xC630, s11;
	s10 =	sadd.s32 $0xC640, s11;
	s17 =	sadd.s32 $0x2600, s18  }
0xf: {  	s18 =	sadd.s32 $0x84C00, s18;
	s11 =	sadd.s32 $0x8EC00, s15;
	s12 =	sadd.s32 $0x8F400, s15  }
0x10: {  	s13 =	sadd.s32 $0x8FC00, s15;
	s14 =	sadd.s32 $0x90400, s15;
	s15 =	sadd.s32 $0x90C00, s15  }
.LBB2_1:
0x11: {  	[tilespmem:s19], [sflag:$0x2] =	stream.linear.gather [hbm4b:s5+s4], $0x4000, $0x38;
	[tilespmem:$0x18180] =	vst v63  }
0x12: {  	_ =	swait.ge [sflag:s20], $0x4000  }
0x13: {  	[sflag:s20] =	ssyncset.done $0x0  }
0x14: {  	[sflag:s20] =	ssyncadd.s32 $0xFFFFC000  }
0x15: {  	[tilespmem:s21], [sflag:$0x2] =	stream.linear.gather [hbm4b:s6+s4], $0x80, $0x38;
	[tilespmem:$0x18180] =	vst v63  }
0x16: {  	_ =	swait.ge [sflag:s20], $0x80  }
0x17: {  	[sflag:s20] =	ssyncset.done $0x0  }
0x18: {  	[sflag:s20] =	ssyncadd.s32 $0xFFFFFF80  }
0x19: {  	[spmem:s3] =	stream.indirect.scatter [tilespmem:s19], [sflag:$0x2], $0x80, s21, s22, $0xb8;
	[tilespmem:$0x18180] =	vst v63  }
0x1a: {  	_ =	swait.ge [sflag:s20], $0x4000  }
0x1b: {  	[sflag:s20] =	ssyncset.done $0x0  }
0x1c: {  	[sflag:s20] =	ssyncadd.s32 $0xFFFFC000  }
0x1d: {  	[tilespmem:s21], [sflag:$0x2] =	stream.linear.gather [hbm4b:s7+s4], $0x80, $0x38;
	[tilespmem:$0x18180] =	vst v63  }
0x1e: {  	_ =	swait.ge [sflag:s20], $0x80  }
0x1f: {  	[sflag:s20] =	ssyncset.done $0x0  }
0x20: {  	[sflag:s20] =	ssyncadd.s32 $0xFFFFFF80  }
0x21: {  	[spmem:s3] =	stream.indirect.scatter [tilespmem:s19], [sflag:$0x2], $0x80, s21, s22, $0xb8;
	[tilespmem:$0x18180] =	vst v63  }
0x22: {  	_ =	swait.ge [sflag:s20], $0x4000  }
0x23: {  	[sflag:s20] =	ssyncset.done $0x0  }
0x24: {  	[sflag:s20] =	ssyncadd.s32 $0xFFFFC000  }
0x25: {  	[tilespmem:s21], [sflag:$0x2] =	stream.linear.gather [hbm4b:s8+s4], $0x80, $0x38;
	[tilespmem:$0x18180] =	vst v63  }
0x26: {  	_ =	swait.ge [sflag:s20], $0x80  }
0x27: {  	[sflag:s20] =	ssyncset.done $0x0  }
0x28: {  	[sflag:s20] =	ssyncadd.s32 $0xFFFFFF80  }
0x29: {  	[spmem:s3] =	stream.indirect.scatter [tilespmem:s19], [sflag:$0x2], $0x80, s21, s22, $0xb8;
	[tilespmem:$0x18180] =	vst v63  }
0x2a: {  	_ =	swait.ge [sflag:s20], $0x4000  }
0x2b: {  	[sflag:s20] =	ssyncset.done $0x0  }
0x2c: {  	[sflag:s20] =	ssyncadd.s32 $0xFFFFC000  }
0x2d: {  	[tilespmem:s21], [sflag:$0x2] =	stream.linear.gather [hbm4b:s9+s4], $0x80, $0x38;
	[tilespmem:$0x18180] =	vst v63  }
0x2e: {  	_ =	swait.ge [sflag:s20], $0x80  }
0x2f: {  	[sflag:s20] =	ssyncset.done $0x0  }
0x30: {  	[sflag:s20] =	ssyncadd.s32 $0xFFFFFF80  }
0x31: {  	[spmem:s3] =	stream.indirect.scatter [tilespmem:s19], [sflag:$0x2], $0x80, s21, s22, $0xb8;
	[tilespmem:$0x18180] =	vst v63  }
0x32: {  	_ =	swait.ge [sflag:s20], $0x4000  }
0x33: {  	[sflag:s20] =	ssyncset.done $0x0  }
0x34: {  	[sflag:s20] =	ssyncadd.s32 $0xFFFFC000  }
0x35: {  	[tilespmem:s21], [sflag:$0x2] =	stream.linear.gather [hbm4b:s10+s4], $0x80, $0x38;
	[tilespmem:$0x18180] =	vst v63  }
0x36: {  	_ =	swait.ge [sflag:s20], $0x80  }
0x37: {  	[sflag:s20] =	ssyncset.done $0x0  }
0x38: {  	[sflag:s20] =	ssyncadd.s32 $0xFFFFFF80  }
0x39: {  	[spmem:s3] =	stream.indirect.scatter [tilespmem:s19], [sflag:$0x2], $0x80, s21, s22, $0xb8;
	[tilespmem:$0x18180] =	vst v63  }
0x3a: {  	_ =	swait.ge [sflag:s20], $0x4000  }
0x3b: {  	[sflag:s20] =	ssyncset.done $0x0  }
0x3c: {  	[sflag:s20] =	ssyncadd.s32 $0xFFFFC000  }
0x3d: {  	s25 =	sadd.s32 $0x0, s18;
	[bflag:$0x0] =	sbarrier.arrive $0xFFFF  }
0x3e: {  	[tilespmem:s4], [sflag:$0x2] =	stream.linear.gather [hbm4b:s25+s4], $0x80, $0x38;
	[tilespmem:$0x18180] =	vst v63  }
0x3f: {  	_ =	swait.ge [sflag:s20], $0x80  }
0x40: {  	[sflag:s20] =	ssyncset.done $0x0  }
0x41: {  	s31 =	sadd.s32 $0x0, s17;
	[sflag:s20] =	ssyncadd.s32 $0xFFFFFF80  }
0x42: {  	[tilespmem:s22], [sflag:$0x2] =	stream.linear.gather [hbm4b:s31+s4], $0x80, $0x38;
	[tilespmem:$0x18180] =	vst v63  }
0x43: {  	_ =	swait.ge [sflag:s20], $0x80  }
0x44: {  	[sflag:s20] =	ssyncset.done $0x0  }
0x45: {  	[sflag:s20] =	ssyncadd.s32 $0xFFFFFF80  }
0x46: {  	[tilespmem:s19], [sflag:$0x1] =	stream.indirect.gather [hbm4b:s0+s22], $0x80, s4, s22, $0xb8;
	[tilespmem:$0x18180] =	vst v63  }
0x47: {  	_ =	swait.ge [sflag:s23], $0x4000  }
0x48: {  	[sflag:s23] =	ssyncset.done $0x0  }
0x49: {  	[sflag:s23] =	ssyncadd.s32 $0xFFFFC000  }
0x4a: {  	[spmem:s3] =	stream.indirect.scatter.add.f32 [tilespmem:s19], [sflag:$0x2], $0x80, s22, s22, $0xb8;
	[tilespmem:$0x18180] =	vst v63  }
0x4b: {  	_ =	swait.ge [sflag:s20], $0x4000  }
0x4c: {  	s26 =	simm.s32 $0x20;
	s25 =	simm.s32 $0x10;
	[sflag:s20] =	ssyncset.done $0x0  }
.LBB2_2:
0x4d: {  	s28 =	sadd.s32 s25, s18  }
0x4e: {  	[sflag:s20] =	ssyncadd.s32 $0xFFFFC000;
	s29 =	smov.u32 s26;
	s30 =	sadd.s32 $0x10, s26  }
0x4f: {  	[tilespmem:s4], [sflag:$0x2] =	stream.linear.gather [hbm4b:s28+s4], $0x80, $0x38;
	[tilespmem:$0x18180] =	vst v63  }
0x50: {  	p0 =	sne.s32 s26, $0x4F0;
	_ =	swait.ge [sflag:s20], $0x80  }
0x51: {  	[sflag:s20] =	ssyncset.done $0x0  }
0x52: {  	s26 =	sadd.s32 s25, s17;
	s25 =	smov.u32 s29;
	[sflag:s20] =	ssyncadd.s32 $0xFFFFFF80  }
0x53: {  	[tilespmem:s22], [sflag:$0x2] =	stream.linear.gather [hbm4b:s26+s4], $0x80, $0x38;
	[tilespmem:$0x18180] =	vst v63  }
0x54: {  	_ =	swait.ge [sflag:s20], $0x80  }
0x55: {  	[sflag:s20] =	ssyncset.done $0x0  }
0x56: {  	[sflag:s20] =	ssyncadd.s32 $0xFFFFFF80  }
0x57: {  	[tilespmem:s19], [sflag:$0x1] =	stream.indirect.gather [hbm4b:s0+s22], $0x80, s4, s22, $0xb8;
	[tilespmem:$0x18180] =	vst v63  }
0x58: {  	_ =	swait.ge [sflag:s23], $0x4000  }
.Ltmp0:
0x59: {  	[sflag:s23] =	ssyncset.done $0x0;
	(pc) =	sbr.rel @p0 .LBB2_2-.Ltmp0, $4  }
0x5a: {  	[sflag:s23] =	ssyncadd.s32 $0xFFFFC000  }
0x5b: {  	[spmem:s3] =	stream.indirect.scatter.add.f32 [tilespmem:s19], [sflag:$0x2], $0x80, s22, s22, $0xb8;
	[tilespmem:$0x18180] =	vst v63  }
0x5c: {  	_ =	swait.ge [sflag:s20], $0x4000  }
0x5d: {  	s26 =	smov.u32 s30;
	[sflag:s20] =	ssyncset.done $0x0  }
0x5e: {  	s26 =	sadd.s32 s25, s18;
	[sflag:s20] =	ssyncadd.s32 $0xFFFFC000  }
0x5f: {  	[tilespmem:s4], [sflag:$0x2] =	stream.linear.gather [hbm4b:s26+s4], $0x80, $0x38;
	[tilespmem:$0x18180] =	vst v63  }
0x60: {  	_ =	swait.ge [sflag:s20], $0x80  }
0x61: {  	[sflag:s20] =	ssyncset.done $0x0  }
0x62: {  	s31 =	sadd.s32 s25, s17;
	[sflag:s20] =	ssyncadd.s32 $0xFFFFFF80  }
0x63: {  	[tilespmem:s22], [sflag:$0x2] =	stream.linear.gather [hbm4b:s31+s4], $0x80, $0x38;
	[tilespmem:$0x18180] =	vst v63  }
0x64: {  	_ =	swait.ge [sflag:s20], $0x80  }
0x65: {  	[sflag:s20] =	ssyncset.done $0x0  }
0x66: {  	[sflag:s20] =	ssyncadd.s32 $0xFFFFFF80  }
0x67: {  	[tilespmem:s19], [sflag:$0x1] =	stream.indirect.gather [hbm4b:s0+s22], $0x80, s4, s22, $0xb8;
	[tilespmem:$0x18180] =	vst v63  }
0x68: {  	_ =	swait.ge [sflag:s23], $0x4000  }
0x69: {  	[sflag:s23] =	ssyncset.done $0x0  }
0x6a: {  	[sflag:s23] =	ssyncadd.s32 $0xFFFFC000  }
0x6b: {  	[spmem:s3] =	stream.indirect.scatter.add.f32 [tilespmem:s19], [sflag:$0x2], $0x80, s22, s22, $0xb8;
	[tilespmem:$0x18180] =	vst v63  }
0x6c: {  	_ =	swait.ge [sflag:s20], $0x4000  }
0x6d: {  	[sflag:s20] =	ssyncset.done $0x0  }
0x6e: {  	[sflag:s20] =	ssyncadd.s32 $0xFFFFC000  }
0x6f: {  	[bflag:$0x0] =	sbarrier.arrive $0xFFFF  }
0x70: {  	[tilespmem:s21], [sflag:$0x2] =	stream.linear.gather [hbm4b:s6+s4], $0x80, $0x38;
	[tilespmem:$0x18180] =	vst v63  }
0x71: {  	_ =	swait.ge [sflag:s20], $0x80  }
0x72: {  	[sflag:s20] =	ssyncset.done $0x0  }
0x73: {  	[sflag:s20] =	ssyncadd.s32 $0xFFFFFF80  }
0x74: {  	[tilespmem:s19], [sflag:$0x1] =	stream.indirect.gather [spmem:s3], $0x80, s21, s22, $0xb8;
	[tilespmem:$0x18180] =	vst v63  }
0x75: {  	_ =	swait.ge [sflag:s23], $0x4000  }
0x76: {  	[sflag:s23] =	ssyncset.done $0x0  }
0x77: {  	[sflag:s23] =	ssyncadd.s32 $0xFFFFC000  }
0x78: {  	[hbm4b:s11+s4] =	stream.linear.scatter [tilespmem:s19], [sflag:$0x2], $0x4000, $0x38;
	[tilespmem:$0x18180] =	vst v63  }
0x79: {  	_ =	swait.ge [sflag:s20], $0x4000  }
0x7a: {  	[sflag:s20] =	ssyncset.done $0x0  }
0x7b: {  	[sflag:s20] =	ssyncadd.s32 $0xFFFFC000  }
0x7c: {  	[tilespmem:s21], [sflag:$0x2] =	stream.linear.gather [hbm4b:s7+s4], $0x80, $0x38;
	[tilespmem:$0x18180] =	vst v63  }
0x7d: {  	_ =	swait.ge [sflag:s20], $0x80  }
0x7e: {  	[sflag:s20] =	ssyncset.done $0x0  }
0x7f: {  	[sflag:s20] =	ssyncadd.s32 $0xFFFFFF80  }
0x80: {  	[tilespmem:s19], [sflag:$0x1] =	stream.indirect.gather [spmem:s3], $0x80, s21, s22, $0xb8;
	[tilespmem:$0x18180] =	vst v63  }
0x81: {  	_ =	swait.ge [sflag:s23], $0x4000  }
0x82: {  	[sflag:s23] =	ssyncset.done $0x0  }
0x83: {  	[sflag:s23] =	ssyncadd.s32 $0xFFFFC000  }
0x84: {  	[hbm4b:s12+s4] =	stream.linear.scatter [tilespmem:s19], [sflag:$0x2], $0x4000, $0x38;
	[tilespmem:$0x18180] =	vst v63  }
0x85: {  	_ =	swait.ge [sflag:s20], $0x4000  }
0x86: {  	[sflag:s20] =	ssyncset.done $0x0  }
0x87: {  	[sflag:s20] =	ssyncadd.s32 $0xFFFFC000  }
0x88: {  	[tilespmem:s21], [sflag:$0x2] =	stream.linear.gather [hbm4b:s8+s4], $0x80, $0x38;
	[tilespmem:$0x18180] =	vst v63  }
0x89: {  	_ =	swait.ge [sflag:s20], $0x80  }
0x8a: {  	[sflag:s20] =	ssyncset.done $0x0  }
0x8b: {  	[sflag:s20] =	ssyncadd.s32 $0xFFFFFF80  }
0x8c: {  	[tilespmem:s19], [sflag:$0x1] =	stream.indirect.gather [spmem:s3], $0x80, s21, s22, $0xb8;
	[tilespmem:$0x18180] =	vst v63  }
0x8d: {  	_ =	swait.ge [sflag:s23], $0x4000  }
0x8e: {  	[sflag:s23] =	ssyncset.done $0x0  }
0x8f: {  	[sflag:s23] =	ssyncadd.s32 $0xFFFFC000  }
0x90: {  	[hbm4b:s13+s4] =	stream.linear.scatter [tilespmem:s19], [sflag:$0x2], $0x4000, $0x38;
	[tilespmem:$0x18180] =	vst v63  }
0x91: {  	_ =	swait.ge [sflag:s20], $0x4000  }
0x92: {  	[sflag:s20] =	ssyncset.done $0x0  }
0x93: {  	[sflag:s20] =	ssyncadd.s32 $0xFFFFC000  }
0x94: {  	[tilespmem:s21], [sflag:$0x2] =	stream.linear.gather [hbm4b:s9+s4], $0x80, $0x38;
	[tilespmem:$0x18180] =	vst v63  }
0x95: {  	_ =	swait.ge [sflag:s20], $0x80  }
0x96: {  	[sflag:s20] =	ssyncset.done $0x0  }
0x97: {  	[sflag:s20] =	ssyncadd.s32 $0xFFFFFF80  }
0x98: {  	[tilespmem:s19], [sflag:$0x1] =	stream.indirect.gather [spmem:s3], $0x80, s21, s22, $0xb8;
	[tilespmem:$0x18180] =	vst v63  }
0x99: {  	_ =	swait.ge [sflag:s23], $0x4000  }
0x9a: {  	[sflag:s23] =	ssyncset.done $0x0  }
0x9b: {  	[sflag:s23] =	ssyncadd.s32 $0xFFFFC000  }
0x9c: {  	[hbm4b:s14+s4] =	stream.linear.scatter [tilespmem:s19], [sflag:$0x2], $0x4000, $0x38;
	[tilespmem:$0x18180] =	vst v63  }
0x9d: {  	_ =	swait.ge [sflag:s20], $0x4000  }
0x9e: {  	[sflag:s20] =	ssyncset.done $0x0  }
0x9f: {  	[sflag:s20] =	ssyncadd.s32 $0xFFFFC000  }
0xa0: {  	[tilespmem:s21], [sflag:$0x2] =	stream.linear.gather [hbm4b:s10+s4], $0x80, $0x38;
	[tilespmem:$0x18180] =	vst v63  }
0xa1: {  	_ =	swait.ge [sflag:s20], $0x80  }
0xa2: {  	[sflag:s20] =	ssyncset.done $0x0  }
0xa3: {  	[sflag:s20] =	ssyncadd.s32 $0xFFFFFF80  }
0xa4: {  	[tilespmem:s19], [sflag:$0x1] =	stream.indirect.gather [spmem:s3], $0x80, s21, s22, $0xb8;
	[tilespmem:$0x18180] =	vst v63  }
0xa5: {  	s24 =	sadd.s32 $0x1, s24;
	_ =	swait.ge [sflag:s23], $0x4000  }
0xa6: {  	p0 =	sne.s32 s24, s16;
	[sflag:s23] =	ssyncset.done $0x0  }
.Ltmp1:
0xa7: {  	[sflag:s23] =	ssyncadd.s32 $0xFFFFC000;
	(pc) =	sbr.rel @p0 .LBB2_1-.Ltmp1, $4  }
0xa8: {  	[hbm4b:s15+s4] =	stream.linear.scatter [tilespmem:s19], [sflag:$0x2], $0x4000, $0x38;
	[tilespmem:$0x18180] =	vst v63  }
0xa9: {  	_ =	swait.ge [sflag:s20], $0x4000  }
0xaa: {  	[sflag:s20] =	ssyncset.done $0x0  }
0xab: {  	[sflag:s20] =	ssyncadd.s32 $0xFFFFC000  }
0xac: {  	_ =	sfence.sel $0x180000  }
0xad: {  	[bflag:$0x0] =	sbarrier.arrive $0xFFFF  }
0xae: {  	p0 =	sne.s32 s2, $0x0;
	_ =	strace $0x9000004A  }
0xaf: {  	s0 =	sadd.s32 @!p0 $0x100000, s1;
	[bflag:$0x2] =	sbarrier.arrive $0xFFFF  }
0xb0: {  	[sflag:s0] =	ssyncadd.tile.s32 @!p0 $0x1;
	_ =	shalt  }
.Lfunc_end2:
_tile_overlayer_lowered:
.L_overlay_start_2:
0xb1: {  	(tag) =	ssettag $0x2  }
0xb2: {  	s0 =	rddreg [dreg:$0x0];
	s2 =	stileid.u32  }
0xb3: {  	s1 =	rddreg [dreg:$0x1];
	p0 =	sne.s32 s2, $0x0  }
0xb4: {  	s3 =	rddreg [dreg:$0x2];
	[bflag:$0x3] =	sbarrier.arrive $0xFFFF;
	s2 =	simm.s32 @!p0 $0x1C02  }
0xb5: {  	[timem:s3], [sflag:s2] =	dma.local @!p0 [hbm:s0], s1  }
0xb6: {  	s0 =	simm.s32 @!p0 $0x2  }
0xb7: {  	_ =	swait.ge @!p0 [sflag:s0], s1  }
0xb8: {  	s1 =	ssub.s32 @!p0 $0x0, s1;
	[sflag:s0] =	ssyncset.done @!p0 $0x0  }
0xb9: {  	[sflag:s0] =	ssyncadd.s32 @!p0 s1  }
0xba: {  	[bflag:$0x3] =	sbarrier.arrive $0xFFFF  }
0xbb: {  	_ =	shalt  }

// kernel: kernel.14.cloned.1.call-start
scs
__scs_entry_jumppad:
0x0: {  	(pc) =	sbr.rel $0x88, $3  }
0x1: {  	(tag) =	ssettag $0x0;
	lr =	simm.s32 $0x1  }
0x2: {  	[smem:$0x3F97] =	sst lr;
	_ =	strace $0xD0000000  }
0x3: {  	_ = 	snop  }
0x4: {  	_ = 	snop  }
0x5: {  	_ = 	snop  }
0x6: {  	_ = 	snop  }
0x7: {  	_ = 	snop  }
__scs_overlays_trampoline_lowered:
0x8: {  	[smem:$0x3FA6] =	sst s0  }
0x9: {  	[smem:$0x3FA7] =	sst s1  }
0xa: {  	[smem:$0x3FA8] =	sst s2  }
0xb: {  	[smem:$0x3FA9] =	sst s3  }
0xc: {  	[smem:$0x3FAA] =	sst s4  }
0xd: {  	[smem:$0x3FAB] =	sst s5  }
0xe: {  	[smem:$0x3FAC] =	sst s6  }
0xf: {  	[smem:$0x3FAD] =	sst s7  }
0x10: {  	[smem:$0x3FAE] =	sst s8  }
0x11: {  	[smem:$0x3FAF] =	sst s9;
	s0 =	simm.s32 @!p0 $0x0  }
0x12: {  	s1 =	sld [smem:$0x3F95];
	s0 =	simm.s32 @p0 $0x1  }
0x13: {  	[smem:$0x3FB0] =	sst s0;
	s0 =	simm.s32 @!p1 $0x0  }
0x14: {  	s2 =	sld [smem:$0x3F94];
	s0 =	simm.s32 @p1 $0x1  }
0x15: {  	[smem:$0x3FB1] =	sst s0;
	s0 =	simm.s32 @!p2 $0x0  }
0x16: {  	s3 =	sld [smem:$0x3FDB];
	s0 =	simm.s32 @p2 $0x1  }
0x17: {  	s4 =	simm.s32 $0x1BF5;
	[smem:$0x3FB3] =	sst s0  }
0x18: {  	s0 =	sld [smem:$0x3F96];
	_ =	swait.ge [sflag:s4], $0x0  }
0x19: {  	s7 =	sld [smem:$0x3F97]  }
0x1a: {  	s8 =	sadd.s32 $0xFFFFE003, lr  }
0x1b: {  	s9 =	sadd.s32 $0xFFFFFEF7, lr;
	s5 =	simm.s32 $0xFFFFFFFF;
	p2 =	slt.u32 s8, $0xFFFFF086  }
0x1c: {  	p1 =	slt.u32 s9, $0xF7A;
	s5 =	simm.s32 @!p2 $0x0  }
0x1d: {  	s5 =	simm.s32 @p1 $0x1;
	p0 =	seq.s32 s7, s2  }
0x1e: {  	s7 =	smul.u32 @!p0 $0xF7A, s2;
	p2 =	seq.s32 @!p0 s5, $0x0  }
0x1f: {  	s9 =	smul.u32 $0xF7A, s1;
	s8 =	simm.s32 @!p0 $0x1BF5;
	p2 =	por !p2, p0  }
0x20: {  	[sflag:s8] =	ssyncset.s32 @!p0 $0xFFFFF086;
	s6 =	sadd.s32 @!p0 s3, s7;
	s7 =	simm.s32 @!p0 $0x108  }
0x21: {  	s3 =	sadd.s32 s3, s9;
	s6 =	sadd.s32 @!p0 $0x88, s6;
	s7 =	simm.s32 @p2 $0x1082  }
0x22: {  	[simem:s7], [sflag:s8] =	dma.local @!p0 [hbm:s6], $0xF7A  }
0x23: {  	s9 =	sor.u32 $0xD0000000, s2;
	s6 =	simm.s32 $0x108;
	_ =	swait.ge @!p0 [sflag:s8], $0x0  }
0x24: {  	s3 =	sadd.s32 $0x88, s3;
	s6 =	simm.s32 @!p1 $0x1082;
	[sflag:s4] =	ssyncset.s32 $0xFFFFF086  }
0x25: {  	[simem:s6], [sflag:s4] =	dma.local [hbm:s3], $0xF7A  }
0x26: {  	[smem:$0x3F97] =	sst s1;
	(tag) =	ssettag s2;
	_ =	strace s9  }
0x27: {  	s1 =	sld [smem:$0x3FA7]  }
0x28: {  	s2 =	sld [smem:$0x3FA8]  }
0x29: {  	s4 =	sld [smem:$0x3FAA]  }
0x2a: {  	p0 =	seq.s32 s5, $0x0;
	s5 =	sld [smem:$0x3FAB]  }
0x2b: {  	s6 =	sld [smem:$0x3FAC]  }
0x2c: {  	s7 =	sld [smem:$0x3FAD]  }
0x2d: {  	s3 =	simm.s32 $0x108;
	s8 =	sld [smem:$0x3FAE]  }
0x2e: {  	s3 =	simm.s32 @!p0 $0x1082;
	s9 =	sld [smem:$0x3FAF]  }
0x2f: {  	lr =	sadd.s32 s0, s3;
	s0 =	sld [smem:$0x3FA6]  }
0x30: {  	s3 =	sld [smem:$0x3FA9]  }
0x31: {  	[smem:$0x3FB2] =	sst s10  }
0x32: {  	s10 =	sld [smem:$0x3FB0];
	_ =	sdelay $0x3  }
0x33: {  	p0 =	seq.s32 s10, $0x1;
	s10 =	sld [smem:$0x3FB2];
	_ =	sdelay $0x3  }
0x34: {  	[smem:$0x3FB2] =	sst s10  }
0x35: {  	s10 =	sld [smem:$0x3FB1];
	_ =	sdelay $0x3  }
0x36: {  	p1 =	seq.s32 s10, $0x1;
	s10 =	sld [smem:$0x3FB2];
	_ =	sdelay $0x3  }
0x37: {  	[smem:$0x3FB2] =	sst s10  }
0x38: {  	s10 =	sld [smem:$0x3FB3]  }
0x39: {  	_ = 	snop;
	(pc) =	sbr.ind lr, $3  }
0x3a: {  	_ = 	snop  }
0x3b: {  	_ = 	snop  }
0x3c: {  	p2 =	seq.s32 s10, $0x1;
	s10 =	sld [smem:$0x3FB2]  }
0x3d: {  	_ =	shalt  }
0x3e: {  	_ =	shalt  }
0x3f: {  	_ =	shalt  }
0x40: {  	_ =	shalt  }
0x41: {  	_ =	shalt  }
0x42: {  	_ =	shalt  }
0x43: {  	_ =	shalt  }
0x44: {  	_ =	shalt  }
0x45: {  	_ =	shalt  }
0x46: {  	_ =	shalt  }
0x47: {  	_ =	shalt  }
0x48: {  	_ =	shalt  }
0x49: {  	_ =	shalt  }
0x4a: {  	_ =	shalt  }
0x4b: {  	_ =	shalt  }
0x4c: {  	_ =	shalt  }
0x4d: {  	_ =	shalt  }
0x4e: {  	_ =	shalt  }
0x4f: {  	_ =	shalt  }
0x50: {  	_ =	shalt  }
0x51: {  	_ =	shalt  }
0x52: {  	_ =	shalt  }
0x53: {  	_ =	shalt  }
0x54: {  	_ =	shalt  }
0x55: {  	_ =	shalt  }
0x56: {  	_ =	shalt  }
0x57: {  	_ =	shalt  }
0x58: {  	_ =	shalt  }
0x59: {  	_ =	shalt  }
0x5a: {  	_ =	shalt  }
0x5b: {  	_ =	shalt  }
0x5c: {  	_ =	shalt  }
0x5d: {  	_ =	shalt  }
0x5e: {  	_ =	shalt  }
0x5f: {  	_ =	shalt  }
0x60: {  	_ =	shalt  }
0x61: {  	_ =	shalt  }
0x62: {  	_ =	shalt  }
0x63: {  	_ =	shalt  }
0x64: {  	_ =	shalt  }
0x65: {  	_ =	shalt  }
0x66: {  	_ =	shalt  }
0x67: {  	_ =	shalt  }
0x68: {  	_ =	shalt  }
0x69: {  	_ =	shalt  }
0x6a: {  	_ =	shalt  }
0x6b: {  	_ =	shalt  }
0x6c: {  	_ =	shalt  }
0x6d: {  	_ =	shalt  }
0x6e: {  	_ =	shalt  }
0x6f: {  	_ =	shalt  }
0x70: {  	_ =	shalt  }
0x71: {  	_ =	shalt  }
0x72: {  	_ =	shalt  }
0x73: {  	_ =	shalt  }
0x74: {  	_ =	shalt  }
0x75: {  	_ =	shalt  }
0x76: {  	_ =	shalt  }
0x77: {  	_ =	shalt  }
0x78: {  	_ =	shalt  }
0x79: {  	_ =	shalt  }
0x7a: {  	_ =	shalt  }
0x7b: {  	_ =	shalt  }
0x7c: {  	_ =	shalt  }
0x7d: {  	_ =	shalt  }
0x7e: {  	_ =	shalt  }
0x7f: {  	_ =	shalt  }
0x80: {  	_ =	shalt  }
0x81: {  	_ =	shalt  }
0x82: {  	_ =	shalt  }
0x83: {  	_ =	shalt  }
0x84: {  	_ =	shalt  }
0x85: {  	_ =	shalt  }
0x86: {  	_ =	shalt  }
0x87: {  	_ =	shalt  }
.Lfunc_end0:
.L_simem_size_0:
called_computation.2_lowered:
.L_overlay_start_0:
0x88: {  	s2 =	sld [smem:$0x3FD9]  }
0x89: {  	s3 =	sld [smem:$0x3FFE];
	_ =	sdelay $0x1  }
0x8a: {  	s1 =	srdreg.scid  }
0x8b: {  	s0 =	sand.u32 $0x1, s1  }
0x8c: {  	s17 =	sshll.u32 s0, $0xA;
	s2 =	sadd.s32 s3, s2  }
0x8d: {  	s2 =	sadd.s32 s2, s17  }
0x8e: {  	[smem:$0x3FBE] =	sst s2  }
0x8f: {  	_ = 	snop  }
0x90: {  	s2 =	sld [smem:$0x3FD0];
	(tm) =	ssettm $0x1  }
0x91: {  	s18 =	sld [smem:$0x3FFB];
	_ =	sdelay $0x3  }
0x92: {  	_ =	strace s18  }
0x93: {  	s3 =	sld [smem:$0x3FFC];
	_ =	sdelay $0x3  }
0x94: {  	_ =	strace s3  }
0x95: {  	s3 =	sld [smem:$0x3FFD];
	_ =	sdelay $0x3  }
0x96: {  	_ =	strace s3  }
0x97: {  	_ =	strace $0x8FFFFFFF  }
0x98: {  	s19 =	sld [smem:$0x3FDB];
	_ =	sdelay $0x1  }
0x99: {  	s4 =	simm.s32 $_scs_section_size  }
0x9a: {  	s5 =	simm.s32 $_size__tile_overlayer_lowered;
	s6 =	simm.s32 $_tile_overlayer_lowered  }
0x9b: {  	s22 =	simm.s32 $0x1BFF;
	s21 =	sshll.u32 s6, $0x1;
	s3 =	sadd.s32 s4, s19  }
0x9c: {  	s7 =	simm.s32 $0x0;
	s20 =	sshll.u32 s5, $0x1;
	s5 =	sadd.s32 s21, s3  }
0x9d: {  	[timem:s7], [sflag:s22] =	dma.local [hbm:s5], s20  }
0x9e: {  	_ =	swait.ge [sflag:s22], s20  }
0x9f: {  	s4 =	ssub.s32 $0x0, s20;
	[sflag:s22] =	ssyncset.done $0x0  }
0xa0: {  	[sflag:s22] =	ssyncadd.s32 s4;
	_ =	sdelay $0x1  }
0xa1: {  	s23 =	simm.s32 $0x1B8B  }
0xa2: {  	_ =	swait.ge [sflag:s23], $0x1  }
0xa3: {  	[sflag:s23] =	ssyncset.done $0x0  }
0xa4: {  	s25 =	simm.s32 $0x1B8E;
	s24 =	sld [smem:$0x3FFE];
	[sflag:s23] =	ssyncadd.s32 $0xFFFFFFFF  }
0xa5: {  	s26 =	simm.s32 $execute0_lowered;
	[smem:$0x3FD2] =	sst s25  }
0xa6: {  	s5 =	sshll.u32 s26, $0x1;
	_ =	strace $0x8000004C;
	[dreg:$0x1] =	wrdreg $0xFFFFFFFF  }
0xa7: {  	s28 =	simm.s32 $_size_execute0_lowered;
	s3 =	sadd.s32 s3, s5;
	[dreg:$0x0] =	wrdreg $0x0  }
0xa8: {  	s5 =	sshll.u32 s28, $0x1;
	[dreg:$0x2] =	wrdreg s3  }
0xa9: {  	[dreg:$0x3] =	wrdreg s5  }
0xaa: {  	[dreg:$0x4] =	wrdreg $0xC0  }
0xab: {  	_ =	task [dreg:s7], $0x5FFFF  }
0xac: {  	[dreg:$0x1] =	wrdreg $0xFFFFFFFF  }
0xad: {  	[dreg:$0x0] =	wrdreg $0x60  }
0xae: {  	[dreg:$0x2] =	wrdreg s2  }
0xaf: {  	[dreg:$0x3] =	wrdreg s24  }
0xb0: {  	[dreg:$0x4] =	wrdreg $0x41800  }
0xb1: {  	[dreg:$0x5] =	wrdreg $0x9  }
0xb2: {  	_ =	task.clear_ibuf [dreg:s7], $0x6FFFF;
	_ =	strace $0x9000004C  }
0xb3: {  	s29 =	simm.s32 $0x9;
	_ =	strace $0x8000004E  }
0xb4: {  	_ =	swait.ge [sflag:s29], $0x1  }
0xb5: {  	[sflag:s29] =	ssyncadd.s32 $0xFFFFFFFF  }
0xb6: {  	_ =	strace $0x9000004E  }
0xb7: {  	_ =	sfence  }
0xb8: {  	s30 =	sld [smem:$0x0];
	_ =	sdelay $0x2  }
0xb9: {  	s31 =	sshll.u32 s1, $0xD;
	s1 =	sshrl.u32 s1, $0x2  }
0xba: {  	s3 =	sand.u32 $0x4000, s31;
	s1 =	sadd.s32 s1, s30  }
0xbb: {  	s0 =	sor.u32 s3, s0;
	s1 =	sshll.u32 s1, $0x11  }
0xbc: {  	s0 =	sor.u32 s1, s0  }
0xbd: {  	s0 =	sadd.s32 $0x8F2B, s0  }
0xbe: {  	[sflag:s0] =	ssyncadd.remote.s32 $0x1  }
0xbf: {  	_ =	sfence.sel $0xFFFF  }
0xc0: {  	[dreg:$0x0] =	wrdreg $0xFFFFFFFF;
	(pc) =	sbr.abs _section_cstart, $3  }
0xc1: {  	[dreg:$0x1] =	wrdreg $0xFFFFFFFF  }
0xc2: {  	_ =	task.clear_ibuf [dreg:s7], $0x2FFFF;
	_ =	strace $0x9FFFFFFF  }
0xc3: {  	(tm) =	ssettm $0x7FFFFFFF  }
tec
execute0_lowered:
.L_overlay_start_1:
0x0: {  	(tag) =	ssettag $0x1  }
0x1: {  	s0 =	rddreg [dreg:$0x0]  }
0x2: {  	s6 =	rddreg [dreg:$0x1];
	s1 =	srdreg.scid  }
0x3: {  	s3 =	rddreg [dreg:$0x2];
	s2 =	stileid.u32  }
0x4: {  	s4 =	simm.s32 $0x0;
	s19 =	simm.s32 $0x180;
	s20 =	simm.s32 $0x2  }
0x5: {  	s21 =	simm.s32 $0x100;
	s22 =	simm.s32 $0x80;
	s8 =	smul.u32 $0x280, s2  }
0x6: {  	s23 =	simm.s32 $0x1;
	s7 =	sand.u32 $0x1, s1;
	s18 =	smul.u32 $0x500, s2  }
0x7: {  	s24 =	simm.s32 $0x0;
	s1 =	rddreg [dreg:$0x3];
	s5 =	smul.u32 $0x5000, s7  }
0x8: {  	[smem:$0x7FF] =	sst s4;
	s9 =	smul.u32 $0x2800, s7;
	s7 =	ssub.s32 $0x2, s7  }
0x9: {  	_ =	strace $0x8000004D;
	s10 =	sshrl.u32 s7, $0x1;
	s16 =	sadd.s32 s5, s6  }
0xa: {  	s5 =	sadd.s32 $0xCC00, s6;
	s9 =	sadd.s32 s8, s9;
	s8 =	sshrl.u32 s8, $0x3  }
0xb: {  	s17 =	ssub.s32 s7, s10;
	s9 =	sshll.u32 s9, $0x4;
	s11 =	sadd.s32 s8, s6  }
0xc: {  	s18 =	sadd.s32 s18, s16;
	s16 =	smax.u32 s17, $0x1;
	s15 =	sadd.s32 s9, s6  }
0xd: {  	s6 =	sadd.s32 $0xC600, s11;
	s7 =	sadd.s32 $0xC610, s11;
	s8 =	sadd.s32 $0xC620, s11  }
0xe: {  	s9 =	sadd.s32 $0xC630, s11;
	s10 =	sadd.s32 $0xC640, s11;
	s17 =	sadd.s32 $0x2600, s18  }
0xf: {  	s18 =	sadd.s32 $0x84C00, s18;
	s11 =	sadd.s32 $0x8EC00, s15;
	s12 =	sadd.s32 $0x8F400, s15  }
0x10: {  	s13 =	sadd.s32 $0x8FC00, s15;
	s14 =	sadd.s32 $0x90400, s15;
	s15 =	sadd.s32 $0x90C00, s15  }
.LBB2_1:
0x11: {  	[tilespmem:s19], [sflag:$0x2] =	stream.linear.gather [hbm4b:s5+s4], $0x4000, $0x38;
	[tilespmem:$0x18180] =	vst v63  }
0x12: {  	_ =	swait.ge [sflag:s20], $0x4000  }
0x13: {  	[sflag:s20] =	ssyncset.done $0x0  }
0x14: {  	[sflag:s20] =	ssyncadd.s32 $0xFFFFC000  }
0x15: {  	[tilespmem:s21], [sflag:$0x2] =	stream.linear.gather [hbm4b:s6+s4], $0x80, $0x38;
	[tilespmem:$0x18180] =	vst v63  }
0x16: {  	_ =	swait.ge [sflag:s20], $0x80  }
0x17: {  	[sflag:s20] =	ssyncset.done $0x0  }
0x18: {  	[sflag:s20] =	ssyncadd.s32 $0xFFFFFF80  }
0x19: {  	[spmem:s3] =	stream.indirect.scatter [tilespmem:s19], [sflag:$0x2], $0x80, s21, s22, $0xb8;
	[tilespmem:$0x18180] =	vst v63  }
0x1a: {  	_ =	swait.ge [sflag:s20], $0x4000  }
0x1b: {  	[sflag:s20] =	ssyncset.done $0x0  }
0x1c: {  	[sflag:s20] =	ssyncadd.s32 $0xFFFFC000  }
0x1d: {  	[tilespmem:s21], [sflag:$0x2] =	stream.linear.gather [hbm4b:s7+s4], $0x80, $0x38;
	[tilespmem:$0x18180] =	vst v63  }
0x1e: {  	_ =	swait.ge [sflag:s20], $0x80  }
0x1f: {  	[sflag:s20] =	ssyncset.done $0x0  }
0x20: {  	[sflag:s20] =	ssyncadd.s32 $0xFFFFFF80  }
0x21: {  	[spmem:s3] =	stream.indirect.scatter [tilespmem:s19], [sflag:$0x2], $0x80, s21, s22, $0xb8;
	[tilespmem:$0x18180] =	vst v63  }
0x22: {  	_ =	swait.ge [sflag:s20], $0x4000  }
0x23: {  	[sflag:s20] =	ssyncset.done $0x0  }
0x24: {  	[sflag:s20] =	ssyncadd.s32 $0xFFFFC000  }
0x25: {  	[tilespmem:s21], [sflag:$0x2] =	stream.linear.gather [hbm4b:s8+s4], $0x80, $0x38;
	[tilespmem:$0x18180] =	vst v63  }
0x26: {  	_ =	swait.ge [sflag:s20], $0x80  }
0x27: {  	[sflag:s20] =	ssyncset.done $0x0  }
0x28: {  	[sflag:s20] =	ssyncadd.s32 $0xFFFFFF80  }
0x29: {  	[spmem:s3] =	stream.indirect.scatter [tilespmem:s19], [sflag:$0x2], $0x80, s21, s22, $0xb8;
	[tilespmem:$0x18180] =	vst v63  }
0x2a: {  	_ =	swait.ge [sflag:s20], $0x4000  }
0x2b: {  	[sflag:s20] =	ssyncset.done $0x0  }
0x2c: {  	[sflag:s20] =	ssyncadd.s32 $0xFFFFC000  }
0x2d: {  	[tilespmem:s21], [sflag:$0x2] =	stream.linear.gather [hbm4b:s9+s4], $0x80, $0x38;
	[tilespmem:$0x18180] =	vst v63  }
0x2e: {  	_ =	swait.ge [sflag:s20], $0x80  }
0x2f: {  	[sflag:s20] =	ssyncset.done $0x0  }
0x30: {  	[sflag:s20] =	ssyncadd.s32 $0xFFFFFF80  }
0x31: {  	[spmem:s3] =	stream.indirect.scatter [tilespmem:s19], [sflag:$0x2], $0x80, s21, s22, $0xb8;
	[tilespmem:$0x18180] =	vst v63  }
0x32: {  	_ =	swait.ge [sflag:s20], $0x4000  }
0x33: {  	[sflag:s20] =	ssyncset.done $0x0  }
0x34: {  	[sflag:s20] =	ssyncadd.s32 $0xFFFFC000  }
0x35: {  	[tilespmem:s21], [sflag:$0x2] =	stream.linear.gather [hbm4b:s10+s4], $0x80, $0x38;
	[tilespmem:$0x18180] =	vst v63  }
0x36: {  	_ =	swait.ge [sflag:s20], $0x80  }
0x37: {  	[sflag:s20] =	ssyncset.done $0x0  }
0x38: {  	[sflag:s20] =	ssyncadd.s32 $0xFFFFFF80  }
0x39: {  	[spmem:s3] =	stream.indirect.scatter [tilespmem:s19], [sflag:$0x2], $0x80, s21, s22, $0xb8;
	[tilespmem:$0x18180] =	vst v63  }
0x3a: {  	_ =	swait.ge [sflag:s20], $0x4000  }
0x3b: {  	[sflag:s20] =	ssyncset.done $0x0  }
0x3c: {  	[sflag:s20] =	ssyncadd.s32 $0xFFFFC000  }
0x3d: {  	s25 =	sadd.s32 $0x0, s18;
	[bflag:$0x0] =	sbarrier.arrive $0xFFFF  }
0x3e: {  	[tilespmem:s4], [sflag:$0x2] =	stream.linear.gather [hbm4b:s25+s4], $0x80, $0x38;
	[tilespmem:$0x18180] =	vst v63  }
0x3f: {  	_ =	swait.ge [sflag:s20], $0x80  }
0x40: {  	[sflag:s20] =	ssyncset.done $0x0  }
0x41: {  	s31 =	sadd.s32 $0x0, s17;
	[sflag:s20] =	ssyncadd.s32 $0xFFFFFF80  }
0x42: {  	[tilespmem:s22], [sflag:$0x2] =	stream.linear.gather [hbm4b:s31+s4], $0x80, $0x38;
	[tilespmem:$0x18180] =	vst v63  }
0x43: {  	_ =	swait.ge [sflag:s20], $0x80  }
0x44: {  	[sflag:s20] =	ssyncset.done $0x0  }
0x45: {  	[sflag:s20] =	ssyncadd.s32 $0xFFFFFF80  }
0x46: {  	[tilespmem:s19], [sflag:$0x1] =	stream.indirect.gather [hbm4b:s0+s22], $0x80, s4, s22, $0xb8;
	[tilespmem:$0x18180] =	vst v63  }
0x47: {  	_ =	swait.ge [sflag:s23], $0x4000  }
0x48: {  	[sflag:s23] =	ssyncset.done $0x0  }
0x49: {  	[sflag:s23] =	ssyncadd.s32 $0xFFFFC000  }
0x4a: {  	[spmem:s3] =	stream.indirect.scatter.add.f32 [tilespmem:s19], [sflag:$0x2], $0x80, s22, s22, $0xb8;
	[tilespmem:$0x18180] =	vst v63  }
0x4b: {  	_ =	swait.ge [sflag:s20], $0x4000  }
0x4c: {  	s26 =	simm.s32 $0x20;
	s25 =	simm.s32 $0x10;
	[sflag:s20] =	ssyncset.done $0x0  }
.LBB2_2:
0x4d: {  	s28 =	sadd.s32 s25, s18  }
0x4e: {  	[sflag:s20] =	ssyncadd.s32 $0xFFFFC000;
	s29 =	smov.u32 s26;
	s30 =	sadd.s32 $0x10, s26  }
0x4f: {  	[tilespmem:s4], [sflag:$0x2] =	stream.linear.gather [hbm4b:s28+s4], $0x80, $0x38;
	[tilespmem:$0x18180] =	vst v63  }
0x50: {  	p0 =	sne.s32 s26, $0x4F0;
	_ =	swait.ge [sflag:s20], $0x80  }
0x51: {  	[sflag:s20] =	ssyncset.done $0x0  }
0x52: {  	s26 =	sadd.s32 s25, s17;
	s25 =	smov.u32 s29;
	[sflag:s20] =	ssyncadd.s32 $0xFFFFFF80  }
0x53: {  	[tilespmem:s22], [sflag:$0x2] =	stream.linear.gather [hbm4b:s26+s4], $0x80, $0x38;
	[tilespmem:$0x18180] =	vst v63  }
0x54: {  	_ =	swait.ge [sflag:s20], $0x80  }
0x55: {  	[sflag:s20] =	ssyncset.done $0x0  }
0x56: {  	[sflag:s20] =	ssyncadd.s32 $0xFFFFFF80  }
0x57: {  	[tilespmem:s19], [sflag:$0x1] =	stream.indirect.gather [hbm4b:s0+s22], $0x80, s4, s22, $0xb8;
	[tilespmem:$0x18180] =	vst v63  }
0x58: {  	_ =	swait.ge [sflag:s23], $0x4000  }
.Ltmp0:
0x59: {  	[sflag:s23] =	ssyncset.done $0x0;
	(pc) =	sbr.rel @p0 .LBB2_2-.Ltmp0, $4  }
0x5a: {  	[sflag:s23] =	ssyncadd.s32 $0xFFFFC000  }
0x5b: {  	[spmem:s3] =	stream.indirect.scatter.add.f32 [tilespmem:s19], [sflag:$0x2], $0x80, s22, s22, $0xb8;
	[tilespmem:$0x18180] =	vst v63  }
0x5c: {  	_ =	swait.ge [sflag:s20], $0x4000  }
0x5d: {  	s26 =	smov.u32 s30;
	[sflag:s20] =	ssyncset.done $0x0  }
0x5e: {  	s26 =	sadd.s32 s25, s18;
	[sflag:s20] =	ssyncadd.s32 $0xFFFFC000  }
0x5f: {  	[tilespmem:s4], [sflag:$0x2] =	stream.linear.gather [hbm4b:s26+s4], $0x80, $0x38;
	[tilespmem:$0x18180] =	vst v63  }
0x60: {  	_ =	swait.ge [sflag:s20], $0x80  }
0x61: {  	[sflag:s20] =	ssyncset.done $0x0  }
0x62: {  	s31 =	sadd.s32 s25, s17;
	[sflag:s20] =	ssyncadd.s32 $0xFFFFFF80  }
0x63: {  	[tilespmem:s22], [sflag:$0x2] =	stream.linear.gather [hbm4b:s31+s4], $0x80, $0x38;
	[tilespmem:$0x18180] =	vst v63  }
0x64: {  	_ =	swait.ge [sflag:s20], $0x80  }
0x65: {  	[sflag:s20] =	ssyncset.done $0x0  }
0x66: {  	[sflag:s20] =	ssyncadd.s32 $0xFFFFFF80  }
0x67: {  	[tilespmem:s19], [sflag:$0x1] =	stream.indirect.gather [hbm4b:s0+s22], $0x80, s4, s22, $0xb8;
	[tilespmem:$0x18180] =	vst v63  }
0x68: {  	_ =	swait.ge [sflag:s23], $0x4000  }
0x69: {  	[sflag:s23] =	ssyncset.done $0x0  }
0x6a: {  	[sflag:s23] =	ssyncadd.s32 $0xFFFFC000  }
0x6b: {  	[spmem:s3] =	stream.indirect.scatter.add.f32 [tilespmem:s19], [sflag:$0x2], $0x80, s22, s22, $0xb8;
	[tilespmem:$0x18180] =	vst v63  }
0x6c: {  	_ =	swait.ge [sflag:s20], $0x4000  }
0x6d: {  	[sflag:s20] =	ssyncset.done $0x0  }
0x6e: {  	[sflag:s20] =	ssyncadd.s32 $0xFFFFC000  }
0x6f: {  	[bflag:$0x0] =	sbarrier.arrive $0xFFFF  }
0x70: {  	[tilespmem:s21], [sflag:$0x2] =	stream.linear.gather [hbm4b:s6+s4], $0x80, $0x38;
	[tilespmem:$0x18180] =	vst v63  }
0x71: {  	_ =	swait.ge [sflag:s20], $0x80  }
0x72: {  	[sflag:s20] =	ssyncset.done $0x0  }
0x73: {  	[sflag:s20] =	ssyncadd.s32 $0xFFFFFF80  }
0x74: {  	[tilespmem:s19], [sflag:$0x1] =	stream.indirect.gather [spmem:s3], $0x80, s21, s22, $0xb8;
	[tilespmem:$0x18180] =	vst v63  }
0x75: {  	_ =	swait.ge [sflag:s23], $0x4000  }
0x76: {  	[sflag:s23] =	ssyncset.done $0x0  }
0x77: {  	[sflag:s23] =	ssyncadd.s32 $0xFFFFC000  }
0x78: {  	[hbm4b:s11+s4] =	stream.linear.scatter [tilespmem:s19], [sflag:$0x2], $0x4000, $0x38;
	[tilespmem:$0x18180] =	vst v63  }
0x79: {  	_ =	swait.ge [sflag:s20], $0x4000  }
0x7a: {  	[sflag:s20] =	ssyncset.done $0x0  }
0x7b: {  	[sflag:s20] =	ssyncadd.s32 $0xFFFFC000  }
0x7c: {  	[tilespmem:s21], [sflag:$0x2] =	stream.linear.gather [hbm4b:s7+s4], $0x80, $0x38;
	[tilespmem:$0x18180] =	vst v63  }
0x7d: {  	_ =	swait.ge [sflag:s20], $0x80  }
0x7e: {  	[sflag:s20] =	ssyncset.done $0x0  }
0x7f: {  	[sflag:s20] =	ssyncadd.s32 $0xFFFFFF80  }
0x80: {  	[tilespmem:s19], [sflag:$0x1] =	stream.indirect.gather [spmem:s3], $0x80, s21, s22, $0xb8;
	[tilespmem:$0x18180] =	vst v63  }
0x81: {  	_ =	swait.ge [sflag:s23], $0x4000  }
0x82: {  	[sflag:s23] =	ssyncset.done $0x0  }
0x83: {  	[sflag:s23] =	ssyncadd.s32 $0xFFFFC000  }
0x84: {  	[hbm4b:s12+s4] =	stream.linear.scatter [tilespmem:s19], [sflag:$0x2], $0x4000, $0x38;
	[tilespmem:$0x18180] =	vst v63  }
0x85: {  	_ =	swait.ge [sflag:s20], $0x4000  }
0x86: {  	[sflag:s20] =	ssyncset.done $0x0  }
0x87: {  	[sflag:s20] =	ssyncadd.s32 $0xFFFFC000  }
0x88: {  	[tilespmem:s21], [sflag:$0x2] =	stream.linear.gather [hbm4b:s8+s4], $0x80, $0x38;
	[tilespmem:$0x18180] =	vst v63  }
0x89: {  	_ =	swait.ge [sflag:s20], $0x80  }
0x8a: {  	[sflag:s20] =	ssyncset.done $0x0  }
0x8b: {  	[sflag:s20] =	ssyncadd.s32 $0xFFFFFF80  }
0x8c: {  	[tilespmem:s19], [sflag:$0x1] =	stream.indirect.gather [spmem:s3], $0x80, s21, s22, $0xb8;
	[tilespmem:$0x18180] =	vst v63  }
0x8d: {  	_ =	swait.ge [sflag:s23], $0x4000  }
0x8e: {  	[sflag:s23] =	ssyncset.done $0x0  }
0x8f: {  	[sflag:s23] =	ssyncadd.s32 $0xFFFFC000  }
0x90: {  	[hbm4b:s13+s4] =	stream.linear.scatter [tilespmem:s19], [sflag:$0x2], $0x4000, $0x38;
	[tilespmem:$0x18180] =	vst v63  }
0x91: {  	_ =	swait.ge [sflag:s20], $0x4000  }
0x92: {  	[sflag:s20] =	ssyncset.done $0x0  }
0x93: {  	[sflag:s20] =	ssyncadd.s32 $0xFFFFC000  }
0x94: {  	[tilespmem:s21], [sflag:$0x2] =	stream.linear.gather [hbm4b:s9+s4], $0x80, $0x38;
	[tilespmem:$0x18180] =	vst v63  }
0x95: {  	_ =	swait.ge [sflag:s20], $0x80  }
0x96: {  	[sflag:s20] =	ssyncset.done $0x0  }
0x97: {  	[sflag:s20] =	ssyncadd.s32 $0xFFFFFF80  }
0x98: {  	[tilespmem:s19], [sflag:$0x1] =	stream.indirect.gather [spmem:s3], $0x80, s21, s22, $0xb8;
	[tilespmem:$0x18180] =	vst v63  }
0x99: {  	_ =	swait.ge [sflag:s23], $0x4000  }
0x9a: {  	[sflag:s23] =	ssyncset.done $0x0  }
0x9b: {  	[sflag:s23] =	ssyncadd.s32 $0xFFFFC000  }
0x9c: {  	[hbm4b:s14+s4] =	stream.linear.scatter [tilespmem:s19], [sflag:$0x2], $0x4000, $0x38;
	[tilespmem:$0x18180] =	vst v63  }
0x9d: {  	_ =	swait.ge [sflag:s20], $0x4000  }
0x9e: {  	[sflag:s20] =	ssyncset.done $0x0  }
0x9f: {  	[sflag:s20] =	ssyncadd.s32 $0xFFFFC000  }
0xa0: {  	[tilespmem:s21], [sflag:$0x2] =	stream.linear.gather [hbm4b:s10+s4], $0x80, $0x38;
	[tilespmem:$0x18180] =	vst v63  }
0xa1: {  	_ =	swait.ge [sflag:s20], $0x80  }
0xa2: {  	[sflag:s20] =	ssyncset.done $0x0  }
0xa3: {  	[sflag:s20] =	ssyncadd.s32 $0xFFFFFF80  }
0xa4: {  	[tilespmem:s19], [sflag:$0x1] =	stream.indirect.gather [spmem:s3], $0x80, s21, s22, $0xb8;
	[tilespmem:$0x18180] =	vst v63  }
0xa5: {  	s24 =	sadd.s32 $0x1, s24;
	_ =	swait.ge [sflag:s23], $0x4000  }
0xa6: {  	p0 =	sne.s32 s24, s16;
	[sflag:s23] =	ssyncset.done $0x0  }
.Ltmp1:
0xa7: {  	[sflag:s23] =	ssyncadd.s32 $0xFFFFC000;
	(pc) =	sbr.rel @p0 .LBB2_1-.Ltmp1, $4  }
0xa8: {  	[hbm4b:s15+s4] =	stream.linear.scatter [tilespmem:s19], [sflag:$0x2], $0x4000, $0x38;
	[tilespmem:$0x18180] =	vst v63  }
0xa9: {  	_ =	swait.ge [sflag:s20], $0x4000  }
0xaa: {  	[sflag:s20] =	ssyncset.done $0x0  }
0xab: {  	[sflag:s20] =	ssyncadd.s32 $0xFFFFC000  }
0xac: {  	_ =	sfence.sel $0x180000  }
0xad: {  	[bflag:$0x0] =	sbarrier.arrive $0xFFFF  }
0xae: {  	p0 =	sne.s32 s2, $0x0;
	_ =	strace $0x9000004D  }
0xaf: {  	s0 =	sadd.s32 @!p0 $0x100000, s1;
	[bflag:$0x2] =	sbarrier.arrive $0xFFFF  }
0xb0: {  	[sflag:s0] =	ssyncadd.tile.s32 @!p0 $0x1;
	_ =	shalt  }
.Lfunc_end2:
_tile_overlayer_lowered:
.L_overlay_start_2:
0xb1: {  	(tag) =	ssettag $0x2  }
0xb2: {  	s0 =	rddreg [dreg:$0x0];
	s2 =	stileid.u32  }
0xb3: {  	s1 =	rddreg [dreg:$0x1];
	p0 =	sne.s32 s2, $0x0  }
0xb4: {  	s3 =	rddreg [dreg:$0x2];
	[bflag:$0x3] =	sbarrier.arrive $0xFFFF;
	s2 =	simm.s32 @!p0 $0x1C02  }
0xb5: {  	[timem:s3], [sflag:s2] =	dma.local @!p0 [hbm:s0], s1  }
0xb6: {  	s0 =	simm.s32 @!p0 $0x2  }
0xb7: {  	_ =	swait.ge @!p0 [sflag:s0], s1  }
0xb8: {  	s1 =	ssub.s32 @!p0 $0x0, s1;
	[sflag:s0] =	ssyncset.done @!p0 $0x0  }
0xb9: {  	[sflag:s0] =	ssyncadd.s32 @!p0 s1  }
0xba: {  	[bflag:$0x3] =	sbarrier.arrive $0xFFFF  }
0xbb: {  	_ =	shalt  }

// kernel: kernel.8.cloned.1.call-start
scs
__scs_entry_jumppad:
0x0: {  	(pc) =	sbr.rel $0x88, $3  }
0x1: {  	(tag) =	ssettag $0x0;
	lr =	simm.s32 $0x1  }
0x2: {  	[smem:$0x3F97] =	sst lr;
	_ =	strace $0xD0000000  }
0x3: {  	_ = 	snop  }
0x4: {  	_ = 	snop  }
0x5: {  	_ = 	snop  }
0x6: {  	_ = 	snop  }
0x7: {  	_ = 	snop  }
__scs_overlays_trampoline_lowered:
0x8: {  	[smem:$0x3FA6] =	sst s0  }
0x9: {  	[smem:$0x3FA7] =	sst s1  }
0xa: {  	[smem:$0x3FA8] =	sst s2  }
0xb: {  	[smem:$0x3FA9] =	sst s3  }
0xc: {  	[smem:$0x3FAA] =	sst s4  }
0xd: {  	[smem:$0x3FAB] =	sst s5  }
0xe: {  	[smem:$0x3FAC] =	sst s6  }
0xf: {  	[smem:$0x3FAD] =	sst s7  }
0x10: {  	[smem:$0x3FAE] =	sst s8  }
0x11: {  	[smem:$0x3FAF] =	sst s9;
	s0 =	simm.s32 @!p0 $0x0  }
0x12: {  	s1 =	sld [smem:$0x3F95];
	s0 =	simm.s32 @p0 $0x1  }
0x13: {  	[smem:$0x3FB0] =	sst s0;
	s0 =	simm.s32 @!p1 $0x0  }
0x14: {  	s2 =	sld [smem:$0x3F94];
	s0 =	simm.s32 @p1 $0x1  }
0x15: {  	[smem:$0x3FB1] =	sst s0;
	s0 =	simm.s32 @!p2 $0x0  }
0x16: {  	s3 =	sld [smem:$0x3FDB];
	s0 =	simm.s32 @p2 $0x1  }
0x17: {  	s4 =	simm.s32 $0x1BF5;
	[smem:$0x3FB3] =	sst s0  }
0x18: {  	s0 =	sld [smem:$0x3F96];
	_ =	swait.ge [sflag:s4], $0x0  }
0x19: {  	s7 =	sld [smem:$0x3F97]  }
0x1a: {  	s8 =	sadd.s32 $0xFFFFE003, lr  }
0x1b: {  	s9 =	sadd.s32 $0xFFFFFEF7, lr;
	s5 =	simm.s32 $0xFFFFFFFF;
	p2 =	slt.u32 s8, $0xFFFFF086  }
0x1c: {  	p1 =	slt.u32 s9, $0xF7A;
	s5 =	simm.s32 @!p2 $0x0  }
0x1d: {  	s5 =	simm.s32 @p1 $0x1;
	p0 =	seq.s32 s7, s2  }
0x1e: {  	s7 =	smul.u32 @!p0 $0xF7A, s2;
	p2 =	seq.s32 @!p0 s5, $0x0  }
0x1f: {  	s9 =	smul.u32 $0xF7A, s1;
	s8 =	simm.s32 @!p0 $0x1BF5;
	p2 =	por !p2, p0  }
0x20: {  	[sflag:s8] =	ssyncset.s32 @!p0 $0xFFFFF086;
	s6 =	sadd.s32 @!p0 s3, s7;
	s7 =	simm.s32 @!p0 $0x108  }
0x21: {  	s3 =	sadd.s32 s3, s9;
	s6 =	sadd.s32 @!p0 $0x88, s6;
	s7 =	simm.s32 @p2 $0x1082  }
0x22: {  	[simem:s7], [sflag:s8] =	dma.local @!p0 [hbm:s6], $0xF7A  }
0x23: {  	s9 =	sor.u32 $0xD0000000, s2;
	s6 =	simm.s32 $0x108;
	_ =	swait.ge @!p0 [sflag:s8], $0x0  }
0x24: {  	s3 =	sadd.s32 $0x88, s3;
	s6 =	simm.s32 @!p1 $0x1082;
	[sflag:s4] =	ssyncset.s32 $0xFFFFF086  }
0x25: {  	[simem:s6], [sflag:s4] =	dma.local [hbm:s3], $0xF7A  }
0x26: {  	[smem:$0x3F97] =	sst s1;
	(tag) =	ssettag s2;
	_ =	strace s9  }
0x27: {  	s1 =	sld [smem:$0x3FA7]  }
0x28: {  	s2 =	sld [smem:$0x3FA8]  }
0x29: {  	s4 =	sld [smem:$0x3FAA]  }
0x2a: {  	p0 =	seq.s32 s5, $0x0;
	s5 =	sld [smem:$0x3FAB]  }
0x2b: {  	s6 =	sld [smem:$0x3FAC]  }
0x2c: {  	s7 =	sld [smem:$0x3FAD]  }
0x2d: {  	s3 =	simm.s32 $0x108;
	s8 =	sld [smem:$0x3FAE]  }
0x2e: {  	s3 =	simm.s32 @!p0 $0x1082;
	s9 =	sld [smem:$0x3FAF]  }
0x2f: {  	lr =	sadd.s32 s0, s3;
	s0 =	sld [smem:$0x3FA6]  }
0x30: {  	s3 =	sld [smem:$0x3FA9]  }
0x31: {  	[smem:$0x3FB2] =	sst s10  }
0x32: {  	s10 =	sld [smem:$0x3FB0];
	_ =	sdelay $0x3  }
0x33: {  	p0 =	seq.s32 s10, $0x1;
	s10 =	sld [smem:$0x3FB2];
	_ =	sdelay $0x3  }
0x34: {  	[smem:$0x3FB2] =	sst s10  }
0x35: {  	s10 =	sld [smem:$0x3FB1];
	_ =	sdelay $0x3  }
0x36: {  	p1 =	seq.s32 s10, $0x1;
	s10 =	sld [smem:$0x3FB2];
	_ =	sdelay $0x3  }
0x37: {  	[smem:$0x3FB2] =	sst s10  }
0x38: {  	s10 =	sld [smem:$0x3FB3]  }
0x39: {  	_ = 	snop;
	(pc) =	sbr.ind lr, $3  }
0x3a: {  	_ = 	snop  }
0x3b: {  	_ = 	snop  }
0x3c: {  	p2 =	seq.s32 s10, $0x1;
	s10 =	sld [smem:$0x3FB2]  }
0x3d: {  	_ =	shalt  }
0x3e: {  	_ =	shalt  }
0x3f: {  	_ =	shalt  }
0x40: {  	_ =	shalt  }
0x41: {  	_ =	shalt  }
0x42: {  	_ =	shalt  }
0x43: {  	_ =	shalt  }
0x44: {  	_ =	shalt  }
0x45: {  	_ =	shalt  }
0x46: {  	_ =	shalt  }
0x47: {  	_ =	shalt  }
0x48: {  	_ =	shalt  }
0x49: {  	_ =	shalt  }
0x4a: {  	_ =	shalt  }
0x4b: {  	_ =	shalt  }
0x4c: {  	_ =	shalt  }
0x4d: {  	_ =	shalt  }
0x4e: {  	_ =	shalt  }
0x4f: {  	_ =	shalt  }
0x50: {  	_ =	shalt  }
0x51: {  	_ =	shalt  }
0x52: {  	_ =	shalt  }
0x53: {  	_ =	shalt  }
0x54: {  	_ =	shalt  }
0x55: {  	_ =	shalt  }
0x56: {  	_ =	shalt  }
0x57: {  	_ =	shalt  }
0x58: {  	_ =	shalt  }
0x59: {  	_ =	shalt  }
0x5a: {  	_ =	shalt  }
0x5b: {  	_ =	shalt  }
0x5c: {  	_ =	shalt  }
0x5d: {  	_ =	shalt  }
0x5e: {  	_ =	shalt  }
0x5f: {  	_ =	shalt  }
0x60: {  	_ =	shalt  }
0x61: {  	_ =	shalt  }
0x62: {  	_ =	shalt  }
0x63: {  	_ =	shalt  }
0x64: {  	_ =	shalt  }
0x65: {  	_ =	shalt  }
0x66: {  	_ =	shalt  }
0x67: {  	_ =	shalt  }
0x68: {  	_ =	shalt  }
0x69: {  	_ =	shalt  }
0x6a: {  	_ =	shalt  }
0x6b: {  	_ =	shalt  }
0x6c: {  	_ =	shalt  }
0x6d: {  	_ =	shalt  }
0x6e: {  	_ =	shalt  }
0x6f: {  	_ =	shalt  }
0x70: {  	_ =	shalt  }
0x71: {  	_ =	shalt  }
0x72: {  	_ =	shalt  }
0x73: {  	_ =	shalt  }
0x74: {  	_ =	shalt  }
0x75: {  	_ =	shalt  }
0x76: {  	_ =	shalt  }
0x77: {  	_ =	shalt  }
0x78: {  	_ =	shalt  }
0x79: {  	_ =	shalt  }
0x7a: {  	_ =	shalt  }
0x7b: {  	_ =	shalt  }
0x7c: {  	_ =	shalt  }
0x7d: {  	_ =	shalt  }
0x7e: {  	_ =	shalt  }
0x7f: {  	_ =	shalt  }
0x80: {  	_ =	shalt  }
0x81: {  	_ =	shalt  }
0x82: {  	_ =	shalt  }
0x83: {  	_ =	shalt  }
0x84: {  	_ =	shalt  }
0x85: {  	_ =	shalt  }
0x86: {  	_ =	shalt  }
0x87: {  	_ =	shalt  }
.Lfunc_end0:
.L_simem_size_0:
called_computation_lowered:
.L_overlay_start_0:
0x88: {  	s2 =	sld [smem:$0x3FD9]  }
0x89: {  	s3 =	sld [smem:$0x3FFE];
	_ =	sdelay $0x1  }
0x8a: {  	s1 =	srdreg.scid  }
0x8b: {  	s0 =	sand.u32 $0x1, s1  }
0x8c: {  	s17 =	sshll.u32 s0, $0xA;
	s2 =	sadd.s32 s3, s2  }
0x8d: {  	s2 =	sadd.s32 s2, s17  }
0x8e: {  	[smem:$0x3FBE] =	sst s2  }
0x8f: {  	_ = 	snop  }
0x90: {  	s2 =	sld [smem:$0x3FD0];
	(tm) =	ssettm $0x1  }
0x91: {  	s18 =	sld [smem:$0x3FFB];
	_ =	sdelay $0x3  }
0x92: {  	_ =	strace s18  }
0x93: {  	s3 =	sld [smem:$0x3FFC];
	_ =	sdelay $0x3  }
0x94: {  	_ =	strace s3  }
0x95: {  	s3 =	sld [smem:$0x3FFD];
	_ =	sdelay $0x3  }
0x96: {  	_ =	strace s3  }
0x97: {  	_ =	strace $0x8FFFFFFF  }
0x98: {  	s19 =	sld [smem:$0x3FDB];
	_ =	sdelay $0x1  }
0x99: {  	s4 =	simm.s32 $_scs_section_size  }
0x9a: {  	s5 =	simm.s32 $_size__tile_overlayer_lowered;
	s6 =	simm.s32 $_tile_overlayer_lowered  }
0x9b: {  	s22 =	simm.s32 $0x1BFF;
	s21 =	sshll.u32 s6, $0x1;
	s3 =	sadd.s32 s4, s19  }
0x9c: {  	s7 =	simm.s32 $0x0;
	s20 =	sshll.u32 s5, $0x1;
	s5 =	sadd.s32 s21, s3  }
0x9d: {  	[timem:s7], [sflag:s22] =	dma.local [hbm:s5], s20  }
0x9e: {  	_ =	swait.ge [sflag:s22], s20  }
0x9f: {  	s4 =	ssub.s32 $0x0, s20;
	[sflag:s22] =	ssyncset.done $0x0  }
0xa0: {  	[sflag:s22] =	ssyncadd.s32 s4;
	_ =	sdelay $0x1  }
0xa1: {  	s23 =	simm.s32 $0x1B8B  }
0xa2: {  	_ =	swait.ge [sflag:s23], $0x1  }
0xa3: {  	[sflag:s23] =	ssyncset.done $0x0  }
0xa4: {  	s25 =	simm.s32 $0x1B8E;
	s24 =	sld [smem:$0x3FFE];
	[sflag:s23] =	ssyncadd.s32 $0xFFFFFFFF  }
0xa5: {  	s26 =	simm.s32 $execute0_lowered;
	[smem:$0x3FD2] =	sst s25  }
0xa6: {  	s5 =	sshll.u32 s26, $0x1;
	_ =	strace $0x80000046;
	[dreg:$0x1] =	wrdreg $0xFFFFFFFF  }
0xa7: {  	s28 =	simm.s32 $_size_execute0_lowered;
	s3 =	sadd.s32 s3, s5;
	[dreg:$0x0] =	wrdreg $0x0  }
0xa8: {  	s5 =	sshll.u32 s28, $0x1;
	[dreg:$0x2] =	wrdreg s3  }
0xa9: {  	[dreg:$0x3] =	wrdreg s5  }
0xaa: {  	[dreg:$0x4] =	wrdreg $0xC0  }
0xab: {  	_ =	task [dreg:s7], $0x5FFFF  }
0xac: {  	[dreg:$0x1] =	wrdreg $0xFFFFFFFF  }
0xad: {  	[dreg:$0x0] =	wrdreg $0x60  }
0xae: {  	[dreg:$0x2] =	wrdreg s24  }
0xaf: {  	[dreg:$0x3] =	wrdreg s2  }
0xb0: {  	[dreg:$0x4] =	wrdreg $0x41000  }
0xb1: {  	[dreg:$0x5] =	wrdreg $0x9  }
0xb2: {  	_ =	task.clear_ibuf [dreg:s7], $0x6FFFF;
	_ =	strace $0x90000046  }
0xb3: {  	s29 =	simm.s32 $0x9;
	_ =	strace $0x80000048  }
0xb4: {  	_ =	swait.ge [sflag:s29], $0x1  }
0xb5: {  	[sflag:s29] =	ssyncadd.s32 $0xFFFFFFFF  }
0xb6: {  	_ =	strace $0x90000048  }
0xb7: {  	_ =	sfence  }
0xb8: {  	s30 =	sld [smem:$0x0];
	_ =	sdelay $0x2  }
0xb9: {  	s31 =	sshll.u32 s1, $0xD;
	s1 =	sshrl.u32 s1, $0x2  }
0xba: {  	s3 =	sand.u32 $0x4000, s31;
	s1 =	sadd.s32 s1, s30  }
0xbb: {  	s0 =	sor.u32 s3, s0;
	s1 =	sshll.u32 s1, $0x11  }
0xbc: {  	s0 =	sor.u32 s1, s0  }
0xbd: {  	s0 =	sadd.s32 $0x8F2B, s0  }
0xbe: {  	[sflag:s0] =	ssyncadd.remote.s32 $0x1  }
0xbf: {  	_ =	sfence.sel $0xFFFF  }
0xc0: {  	[dreg:$0x0] =	wrdreg $0xFFFFFFFF;
	(pc) =	sbr.abs _section_cstart, $3  }
0xc1: {  	[dreg:$0x1] =	wrdreg $0xFFFFFFFF  }
0xc2: {  	_ =	task.clear_ibuf [dreg:s7], $0x2FFFF;
	_ =	strace $0x9FFFFFFF  }
0xc3: {  	(tm) =	ssettm $0x7FFFFFFF  }
tec
execute0_lowered:
.L_overlay_start_1:
0x0: {  	(tag) =	ssettag $0x1  }
0x1: {  	s6 =	rddreg [dreg:$0x0]  }
0x2: {  	s1 =	rddreg [dreg:$0x1];
	s0 =	srdreg.scid  }
0x3: {  	s3 =	rddreg [dreg:$0x2];
	s2 =	stileid.u32;
	s4 =	simm.s32 $0x0  }
0x4: {  	s19 =	simm.s32 $0x2;
	s20 =	simm.s32 $0x80;
	s8 =	smul.u32 $0x280, s2  }
0x5: {  	s21 =	simm.s32 $0x1;
	s7 =	sand.u32 $0x1, s0;
	s18 =	smul.u32 $0x500, s2  }
0x6: {  	s22 =	simm.s32 $0x0;
	s0 =	rddreg [dreg:$0x3];
	s5 =	smul.u32 $0x5000, s7  }
0x7: {  	[smem:$0x7FF] =	sst s4;
	s9 =	smul.u32 $0x2800, s7;
	s7 =	ssub.s32 $0x2, s7  }
0x8: {  	_ =	strace $0x80000047;
	s10 =	sshrl.u32 s8, $0x3;
	s31 =	sshrl.u32 s7, $0x1  }
0x9: {  	s17 =	sadd.s32 s5, s6;
	s5 =	sadd.s32 $0xCC00, s6;
	s8 =	sadd.s32 s8, s9  }
0xa: {  	s10 =	sadd.s32 s10, s6;
	s16 =	ssub.s32 s7, s31;
	s8 =	sshll.u32 s8, $0x4  }
0xb: {  	s7 =	sadd.s32 $0xC610, s10;
	s9 =	sadd.s32 $0xC630, s10;
	s16 =	smax.u32 s16, $0x1  }
0xc: {  	s17 =	sadd.s32 s18, s17;
	s18 =	simm.s32 $0x100;
	s15 =	sadd.s32 s8, s6  }
0xd: {  	s6 =	sadd.s32 $0xC600, s10;
	s8 =	sadd.s32 $0xC620, s10;
	s10 =	sadd.s32 $0xC640, s10  }
0xe: {  	s17 =	sadd.s32 $0x2600, s17;
	s11 =	sadd.s32 $0x34C00, s15;
	s12 =	sadd.s32 $0x35400, s15  }
0xf: {  	s13 =	sadd.s32 $0x35C00, s15;
	s14 =	sadd.s32 $0x36400, s15;
	s15 =	sadd.s32 $0x36C00, s15  }
.LBB2_1:
0x10: {  	[tilespmem:s18], [sflag:$0x2] =	stream.linear.gather [hbm4b:s5+s4], $0x4000, $0x38;
	[tilespmem:$0x18100] =	vst v63  }
0x11: {  	_ =	swait.ge [sflag:s19], $0x4000  }
0x12: {  	[sflag:s19] =	ssyncset.done $0x0  }
0x13: {  	[sflag:s19] =	ssyncadd.s32 $0xFFFFC000  }
0x14: {  	[tilespmem:s20], [sflag:$0x2] =	stream.linear.gather [hbm4b:s6+s4], $0x80, $0x38;
	[tilespmem:$0x18100] =	vst v63  }
0x15: {  	_ =	swait.ge [sflag:s19], $0x80  }
0x16: {  	[sflag:s19] =	ssyncset.done $0x0  }
0x17: {  	[sflag:s19] =	ssyncadd.s32 $0xFFFFFF80  }
0x18: {  	[spmem:s3] =	stream.indirect.scatter [tilespmem:s18], [sflag:$0x2], $0x80, s20, s20, $0xb8;
	[tilespmem:$0x18100] =	vst v63  }
0x19: {  	_ =	swait.ge [sflag:s19], $0x4000  }
0x1a: {  	[sflag:s19] =	ssyncset.done $0x0  }
0x1b: {  	[sflag:s19] =	ssyncadd.s32 $0xFFFFC000  }
0x1c: {  	[tilespmem:s20], [sflag:$0x2] =	stream.linear.gather [hbm4b:s7+s4], $0x80, $0x38;
	[tilespmem:$0x18100] =	vst v63  }
0x1d: {  	_ =	swait.ge [sflag:s19], $0x80  }
0x1e: {  	[sflag:s19] =	ssyncset.done $0x0  }
0x1f: {  	[sflag:s19] =	ssyncadd.s32 $0xFFFFFF80  }
0x20: {  	[spmem:s3] =	stream.indirect.scatter [tilespmem:s18], [sflag:$0x2], $0x80, s20, s20, $0xb8;
	[tilespmem:$0x18100] =	vst v63  }
0x21: {  	_ =	swait.ge [sflag:s19], $0x4000  }
0x22: {  	[sflag:s19] =	ssyncset.done $0x0  }
0x23: {  	[sflag:s19] =	ssyncadd.s32 $0xFFFFC000  }
0x24: {  	[tilespmem:s20], [sflag:$0x2] =	stream.linear.gather [hbm4b:s8+s4], $0x80, $0x38;
	[tilespmem:$0x18100] =	vst v63  }
0x25: {  	_ =	swait.ge [sflag:s19], $0x80  }
0x26: {  	[sflag:s19] =	ssyncset.done $0x0  }
0x27: {  	[sflag:s19] =	ssyncadd.s32 $0xFFFFFF80  }
0x28: {  	[spmem:s3] =	stream.indirect.scatter [tilespmem:s18], [sflag:$0x2], $0x80, s20, s20, $0xb8;
	[tilespmem:$0x18100] =	vst v63  }
0x29: {  	_ =	swait.ge [sflag:s19], $0x4000  }
0x2a: {  	[sflag:s19] =	ssyncset.done $0x0  }
0x2b: {  	[sflag:s19] =	ssyncadd.s32 $0xFFFFC000  }
0x2c: {  	[tilespmem:s20], [sflag:$0x2] =	stream.linear.gather [hbm4b:s9+s4], $0x80, $0x38;
	[tilespmem:$0x18100] =	vst v63  }
0x2d: {  	_ =	swait.ge [sflag:s19], $0x80  }
0x2e: {  	[sflag:s19] =	ssyncset.done $0x0  }
0x2f: {  	[sflag:s19] =	ssyncadd.s32 $0xFFFFFF80  }
0x30: {  	[spmem:s3] =	stream.indirect.scatter [tilespmem:s18], [sflag:$0x2], $0x80, s20, s20, $0xb8;
	[tilespmem:$0x18100] =	vst v63  }
0x31: {  	_ =	swait.ge [sflag:s19], $0x4000  }
0x32: {  	[sflag:s19] =	ssyncset.done $0x0  }
0x33: {  	[sflag:s19] =	ssyncadd.s32 $0xFFFFC000  }
0x34: {  	[tilespmem:s20], [sflag:$0x2] =	stream.linear.gather [hbm4b:s10+s4], $0x80, $0x38;
	[tilespmem:$0x18100] =	vst v63  }
0x35: {  	_ =	swait.ge [sflag:s19], $0x80  }
0x36: {  	[sflag:s19] =	ssyncset.done $0x0  }
0x37: {  	[sflag:s19] =	ssyncadd.s32 $0xFFFFFF80  }
0x38: {  	[spmem:s3] =	stream.indirect.scatter [tilespmem:s18], [sflag:$0x2], $0x80, s20, s20, $0xb8;
	[tilespmem:$0x18100] =	vst v63  }
0x39: {  	_ =	swait.ge [sflag:s19], $0x4000  }
0x3a: {  	[sflag:s19] =	ssyncset.done $0x0  }
0x3b: {  	[sflag:s19] =	ssyncadd.s32 $0xFFFFC000  }
0x3c: {  	[tilespmem:s18], [sflag:$0x2] =	stream.linear.gather [hbm4b:s1+s4], $0x4000, $0x38;
	[tilespmem:$0x18100] =	vst v63  }
0x3d: {  	_ =	swait.ge [sflag:s19], $0x4000  }
0x3e: {  	[sflag:s19] =	ssyncset.done $0x0  }
0x3f: {  	[sflag:s19] =	ssyncadd.s32 $0xFFFFC000  }
0x40: {  	s23 =	sadd.s32 $0x0, s17;
	[bflag:$0x0] =	sbarrier.arrive $0xFFFF  }
0x41: {  	[tilespmem:s4], [sflag:$0x2] =	stream.linear.gather [hbm4b:s23+s4], $0x80, $0x38;
	[tilespmem:$0x18100] =	vst v63  }
0x42: {  	_ =	swait.ge [sflag:s19], $0x80  }
0x43: {  	[sflag:s19] =	ssyncset.done $0x0  }
0x44: {  	[sflag:s19] =	ssyncadd.s32 $0xFFFFFF80  }
0x45: {  	[spmem:s3] =	stream.indirect.scatter.add.f32 [tilespmem:s18], [sflag:$0x2], $0x80, s4, s20, $0xb8;
	[tilespmem:$0x18100] =	vst v63  }
0x46: {  	_ =	swait.ge [sflag:s19], $0x4000  }
0x47: {  	s24 =	simm.s32 $0x20;
	s23 =	simm.s32 $0x10;
	[sflag:s19] =	ssyncset.done $0x0  }
.LBB2_2:
0x48: {  	s25 =	sadd.s32 s23, s17  }
0x49: {  	[sflag:s19] =	ssyncadd.s32 $0xFFFFC000;
	s23 =	smov.u32 s24;
	s26 =	sadd.s32 $0x10, s24  }
0x4a: {  	[tilespmem:s4], [sflag:$0x2] =	stream.linear.gather [hbm4b:s25+s4], $0x80, $0x38;
	[tilespmem:$0x18100] =	vst v63  }
0x4b: {  	p0 =	sne.s32 s24, $0x4F0;
	_ =	swait.ge [sflag:s19], $0x80  }
.Ltmp0:
0x4c: {  	[sflag:s19] =	ssyncset.done $0x0;
	(pc) =	sbr.rel @p0 .LBB2_2-.Ltmp0, $4  }
0x4d: {  	[sflag:s19] =	ssyncadd.s32 $0xFFFFFF80  }
0x4e: {  	[spmem:s3] =	stream.indirect.scatter.add.f32 [tilespmem:s18], [sflag:$0x2], $0x80, s4, s20, $0xb8;
	[tilespmem:$0x18100] =	vst v63  }
0x4f: {  	_ =	swait.ge [sflag:s19], $0x4000  }
0x50: {  	s24 =	smov.u32 s26;
	[sflag:s19] =	ssyncset.done $0x0  }
0x51: {  	s23 =	sadd.s32 s23, s17;
	[sflag:s19] =	ssyncadd.s32 $0xFFFFC000  }
0x52: {  	[tilespmem:s4], [sflag:$0x2] =	stream.linear.gather [hbm4b:s23+s4], $0x80, $0x38;
	[tilespmem:$0x18100] =	vst v63  }
0x53: {  	_ =	swait.ge [sflag:s19], $0x80  }
0x54: {  	[sflag:s19] =	ssyncset.done $0x0  }
0x55: {  	[sflag:s19] =	ssyncadd.s32 $0xFFFFFF80  }
0x56: {  	[spmem:s3] =	stream.indirect.scatter.add.f32 [tilespmem:s18], [sflag:$0x2], $0x80, s4, s20, $0xb8;
	[tilespmem:$0x18100] =	vst v63  }
0x57: {  	_ =	swait.ge [sflag:s19], $0x4000  }
0x58: {  	[sflag:s19] =	ssyncset.done $0x0  }
0x59: {  	[sflag:s19] =	ssyncadd.s32 $0xFFFFC000  }
0x5a: {  	[bflag:$0x0] =	sbarrier.arrive $0xFFFF  }
0x5b: {  	[tilespmem:s20], [sflag:$0x2] =	stream.linear.gather [hbm4b:s6+s4], $0x80, $0x38;
	[tilespmem:$0x18100] =	vst v63  }
0x5c: {  	_ =	swait.ge [sflag:s19], $0x80  }
0x5d: {  	[sflag:s19] =	ssyncset.done $0x0  }
0x5e: {  	[sflag:s19] =	ssyncadd.s32 $0xFFFFFF80  }
0x5f: {  	[tilespmem:s18], [sflag:$0x1] =	stream.indirect.gather [spmem:s3], $0x80, s20, s20, $0xb8;
	[tilespmem:$0x18100] =	vst v63  }
0x60: {  	_ =	swait.ge [sflag:s21], $0x4000  }
0x61: {  	[sflag:s21] =	ssyncset.done $0x0  }
0x62: {  	[sflag:s21] =	ssyncadd.s32 $0xFFFFC000  }
0x63: {  	[hbm4b:s11+s4] =	stream.linear.scatter [tilespmem:s18], [sflag:$0x2], $0x4000, $0x38;
	[tilespmem:$0x18100] =	vst v63  }
0x64: {  	_ =	swait.ge [sflag:s19], $0x4000  }
0x65: {  	[sflag:s19] =	ssyncset.done $0x0  }
0x66: {  	[sflag:s19] =	ssyncadd.s32 $0xFFFFC000  }
0x67: {  	[tilespmem:s20], [sflag:$0x2] =	stream.linear.gather [hbm4b:s7+s4], $0x80, $0x38;
	[tilespmem:$0x18100] =	vst v63  }
0x68: {  	_ =	swait.ge [sflag:s19], $0x80  }
0x69: {  	[sflag:s19] =	ssyncset.done $0x0  }
0x6a: {  	[sflag:s19] =	ssyncadd.s32 $0xFFFFFF80  }
0x6b: {  	[tilespmem:s18], [sflag:$0x1] =	stream.indirect.gather [spmem:s3], $0x80, s20, s20, $0xb8;
	[tilespmem:$0x18100] =	vst v63  }
0x6c: {  	_ =	swait.ge [sflag:s21], $0x4000  }
0x6d: {  	[sflag:s21] =	ssyncset.done $0x0  }
0x6e: {  	[sflag:s21] =	ssyncadd.s32 $0xFFFFC000  }
0x6f: {  	[hbm4b:s12+s4] =	stream.linear.scatter [tilespmem:s18], [sflag:$0x2], $0x4000, $0x38;
	[tilespmem:$0x18100] =	vst v63  }
0x70: {  	_ =	swait.ge [sflag:s19], $0x4000  }
0x71: {  	[sflag:s19] =	ssyncset.done $0x0  }
0x72: {  	[sflag:s19] =	ssyncadd.s32 $0xFFFFC000  }
0x73: {  	[tilespmem:s20], [sflag:$0x2] =	stream.linear.gather [hbm4b:s8+s4], $0x80, $0x38;
	[tilespmem:$0x18100] =	vst v63  }
0x74: {  	_ =	swait.ge [sflag:s19], $0x80  }
0x75: {  	[sflag:s19] =	ssyncset.done $0x0  }
0x76: {  	[sflag:s19] =	ssyncadd.s32 $0xFFFFFF80  }
0x77: {  	[tilespmem:s18], [sflag:$0x1] =	stream.indirect.gather [spmem:s3], $0x80, s20, s20, $0xb8;
	[tilespmem:$0x18100] =	vst v63  }
0x78: {  	_ =	swait.ge [sflag:s21], $0x4000  }
0x79: {  	[sflag:s21] =	ssyncset.done $0x0  }
0x7a: {  	[sflag:s21] =	ssyncadd.s32 $0xFFFFC000  }
0x7b: {  	[hbm4b:s13+s4] =	stream.linear.scatter [tilespmem:s18], [sflag:$0x2], $0x4000, $0x38;
	[tilespmem:$0x18100] =	vst v63  }
0x7c: {  	_ =	swait.ge [sflag:s19], $0x4000  }
0x7d: {  	[sflag:s19] =	ssyncset.done $0x0  }
0x7e: {  	[sflag:s19] =	ssyncadd.s32 $0xFFFFC000  }
0x7f: {  	[tilespmem:s20], [sflag:$0x2] =	stream.linear.gather [hbm4b:s9+s4], $0x80, $0x38;
	[tilespmem:$0x18100] =	vst v63  }
0x80: {  	_ =	swait.ge [sflag:s19], $0x80  }
0x81: {  	[sflag:s19] =	ssyncset.done $0x0  }
0x82: {  	[sflag:s19] =	ssyncadd.s32 $0xFFFFFF80  }
0x83: {  	[tilespmem:s18], [sflag:$0x1] =	stream.indirect.gather [spmem:s3], $0x80, s20, s20, $0xb8;
	[tilespmem:$0x18100] =	vst v63  }
0x84: {  	_ =	swait.ge [sflag:s21], $0x4000  }
0x85: {  	[sflag:s21] =	ssyncset.done $0x0  }
0x86: {  	[sflag:s21] =	ssyncadd.s32 $0xFFFFC000  }
0x87: {  	[hbm4b:s14+s4] =	stream.linear.scatter [tilespmem:s18], [sflag:$0x2], $0x4000, $0x38;
	[tilespmem:$0x18100] =	vst v63  }
0x88: {  	_ =	swait.ge [sflag:s19], $0x4000  }
0x89: {  	[sflag:s19] =	ssyncset.done $0x0  }
0x8a: {  	[sflag:s19] =	ssyncadd.s32 $0xFFFFC000  }
0x8b: {  	[tilespmem:s20], [sflag:$0x2] =	stream.linear.gather [hbm4b:s10+s4], $0x80, $0x38;
	[tilespmem:$0x18100] =	vst v63  }
0x8c: {  	_ =	swait.ge [sflag:s19], $0x80  }
0x8d: {  	[sflag:s19] =	ssyncset.done $0x0  }
0x8e: {  	[sflag:s19] =	ssyncadd.s32 $0xFFFFFF80  }
0x8f: {  	[tilespmem:s18], [sflag:$0x1] =	stream.indirect.gather [spmem:s3], $0x80, s20, s20, $0xb8;
	[tilespmem:$0x18100] =	vst v63  }
0x90: {  	s22 =	sadd.s32 $0x1, s22;
	_ =	swait.ge [sflag:s21], $0x4000  }
0x91: {  	p0 =	sne.s32 s22, s16;
	[sflag:s21] =	ssyncset.done $0x0  }
.Ltmp1:
0x92: {  	[sflag:s21] =	ssyncadd.s32 $0xFFFFC000;
	(pc) =	sbr.rel @p0 .LBB2_1-.Ltmp1, $4  }
0x93: {  	[hbm4b:s15+s4] =	stream.linear.scatter [tilespmem:s18], [sflag:$0x2], $0x4000, $0x38;
	[tilespmem:$0x18100] =	vst v63  }
0x94: {  	_ =	swait.ge [sflag:s19], $0x4000  }
0x95: {  	[sflag:s19] =	ssyncset.done $0x0  }
0x96: {  	[sflag:s19] =	ssyncadd.s32 $0xFFFFC000  }
0x97: {  	_ =	sfence.sel $0x180000  }
0x98: {  	[bflag:$0x0] =	sbarrier.arrive $0xFFFF  }
0x99: {  	p0 =	sne.s32 s2, $0x0;
	_ =	strace $0x90000047  }
0x9a: {  	s0 =	sadd.s32 @!p0 $0x100000, s0;
	[bflag:$0x2] =	sbarrier.arrive $0xFFFF  }
0x9b: {  	[sflag:s0] =	ssyncadd.tile.s32 @!p0 $0x1;
	_ =	shalt  }
.Lfunc_end2:
_tile_overlayer_lowered:
.L_overlay_start_2:
0x9c: {  	(tag) =	ssettag $0x2  }
0x9d: {  	s0 =	rddreg [dreg:$0x0];
	s2 =	stileid.u32  }
0x9e: {  	s1 =	rddreg [dreg:$0x1];
	p0 =	sne.s32 s2, $0x0  }
0x9f: {  	s3 =	rddreg [dreg:$0x2];
	[bflag:$0x3] =	sbarrier.arrive $0xFFFF;
	s2 =	simm.s32 @!p0 $0x1C02  }
0xa0: {  	[timem:s3], [sflag:s2] =	dma.local @!p0 [hbm:s0], s1  }
0xa1: {  	s0 =	simm.s32 @!p0 $0x2  }
0xa2: {  	_ =	swait.ge @!p0 [sflag:s0], s1  }
0xa3: {  	s1 =	ssub.s32 @!p0 $0x0, s1;
	[sflag:s0] =	ssyncset.done @!p0 $0x0  }
0xa4: {  	[sflag:s0] =	ssyncadd.s32 @!p0 s1  }
0xa5: {  	[bflag:$0x3] =	sbarrier.arrive $0xFFFF  }
0xa6: {  	_ =	shalt  }

</sc_bundles>
